<compile_context>
chip_gen: v7x
topology: tpu7x:2x2x1
jax: 0.10.2.dev20260603
libtpu: 0.0.44.dev20260713+nightly
codegen_flags: <defaults>
</compile_context>

<pallas_src>
import functools

import jax
import jax.numpy as jnp
from jax import lax
from jax.experimental import pallas as pl
from jax.experimental.pallas import tpu as pltpu
from jax.experimental.pallas import tpu_sc as plsc

H = 16384
B = 64
T = 16
NC = 2
NS = 16
BH = B // NC
CK = 128
ROWS_PER_TILE = H // NS
RCH = ROWS_PER_TILE // CK


def _tanh16(y):
    e = jnp.exp(y * 2.0)
    return 1.0 - 2.0 / (e + 1.0)


def _sc_rnn(nch, xt, cols_ih, rows_ih, vals_ih, cols_hh, rows_hh, vals_hh,
            bias_ih, bias_hh):
    mesh = plsc.VectorSubcoreMesh(core_axis_name="c", subcore_axis_name="s")

    @functools.partial(
        pl.kernel,
        mesh=mesh,
        compiler_params=pltpu.CompilerParams(use_tc_tiling_on_sc=False),
        out_type=jax.ShapeDtypeStruct((T, NC, H, BH), jnp.float32),
        scratch_types=[
            pltpu.VMEM((CK,), jnp.int32),
            pltpu.VMEM((CK,), jnp.int32),
            pltpu.VMEM((CK,), jnp.int32),
            pltpu.VMEM((CK,), jnp.float32),
            pltpu.VMEM((CK, BH), jnp.float32),
            pltpu.VMEM((CK, BH), jnp.float32),
            pltpu.VMEM((CK, BH), jnp.float32),
            pltpu.VMEM((CK,), jnp.float32),
            pltpu.VMEM((CK,), jnp.float32),
            pltpu.VMEM_SHARED((H, BH), jnp.float32),
            pltpu.VMEM_SHARED((H, BH), jnp.float32),
            pltpu.SemaphoreType.DMA,
        ],
    )
    def rnn(xt_hbm, ci_hbm, ri_hbm, vi_hbm, ch_hbm, rh_hbm, vh_hbm,
            bi_hbm, bh_hbm, out_hbm,
            idx_raw, idx_ih, row_buf, val_buf, gbuf, tbuf, zbuf, bbi, bbh,
            h_sh, acc_sh, sem):
        cid = lax.axis_index("c")
        sid = lax.axis_index("s")
        row0 = sid * ROWS_PER_TILE
        iota = lax.broadcasted_iota(jnp.int32, (16,), 0)

        def zrow(k, _):
            z = jnp.zeros((16,), jnp.float32)
            zbuf[k, pl.ds(0, 16)] = z
            zbuf[k, pl.ds(16, 16)] = z
            return 0
        lax.fori_loop(0, CK, zrow, 0)

        def zchunk(r, _):
            base = row0 + r * CK
            pltpu.sync_copy(zbuf, h_sh.at[pl.ds(base, CK)])
            pltpu.sync_copy(zbuf, acc_sh.at[pl.ds(base, CK)])
            return 0
        lax.fori_loop(0, RCH, zchunk, 0)
        plsc.subcore_barrier()

        def scale_chunk(buf):
            def grp(g, _):
                vg = val_buf[pl.ds(g * 16, 16)]
                for j in range(16):
                    k = g * 16 + j
                    vv = vg[j]
                    for off in (0, 16):
                        s = pl.ds(off, 16)
                        buf[k, s] = buf[k, s] * vv
                return 0
            lax.fori_loop(0, CK // 16, grp, 0)

        def step(t, _):
            xoff = cid * (T * H) + t * H

            def ih_chunk(i, _):
                pltpu.sync_copy(ci_hbm.at[sid, i], idx_raw)
                pltpu.sync_copy(ri_hbm.at[sid, i], row_buf)
                pltpu.sync_copy(vi_hbm.at[sid, i], val_buf)
                def addoff(g, _):
                    s = pl.ds(g * 16, 16)
                    idx_ih[s] = idx_raw[s] + xoff
                    return 0
                lax.fori_loop(0, CK // 16, addoff, 0)
                pltpu.async_copy(xt_hbm.at[idx_ih], gbuf, sem).wait()
                scale_chunk(gbuf)
                pltpu.sync_copy(gbuf, acc_sh.at[row_buf], add=True)
                return 0
            lax.fori_loop(0, nch, ih_chunk, 0)

            def hh_chunk(i, _):
                pltpu.sync_copy(ch_hbm.at[sid, i], idx_raw)
                pltpu.sync_copy(rh_hbm.at[sid, i], row_buf)
                pltpu.sync_copy(vh_hbm.at[sid, i], val_buf)
                pltpu.async_copy(h_sh.at[idx_raw], gbuf, sem).wait()
                scale_chunk(gbuf)
                pltpu.sync_copy(gbuf, acc_sh.at[row_buf], add=True)
                return 0
            lax.fori_loop(0, nch, hh_chunk, 0)

            plsc.subcore_barrier()

            def trow_chunk(r, _):
                base = row0 + r * CK
                pltpu.sync_copy(acc_sh.at[pl.ds(base, CK)], tbuf)
                pltpu.sync_copy(zbuf, acc_sh.at[pl.ds(base, CK)])
                pltpu.sync_copy(bi_hbm.at[pl.ds(base, CK)], bbi)
                pltpu.sync_copy(bh_hbm.at[pl.ds(base, CK)], bbh)
                def badd(g, _):
                    s = pl.ds(g * 16, 16)
                    bbi[s] = bbi[s] + bbh[s]
                    return 0
                lax.fori_loop(0, CK // 16, badd, 0)
                def grp(g, _):
                    bg = bbi[pl.ds(g * 16, 16)]
                    for j in range(16):
                        k = g * 16 + j
                        bv = bg[j]
                        for off in (0, 16):
                            s = pl.ds(off, 16)
                            tbuf[k, s] = _tanh16(tbuf[k, s] + bv)
                    return 0
                lax.fori_loop(0, CK // 16, grp, 0)
                pltpu.sync_copy(tbuf, h_sh.at[pl.ds(base, CK)])
                pltpu.sync_copy(tbuf, out_hbm.at[t, cid, pl.ds(base, CK)])
                return 0
            lax.fori_loop(0, RCH, trow_chunk, 0)

            plsc.subcore_barrier()
            return 0

        lax.fori_loop(0, T, step, 0)

    return rnn(xt, cols_ih, rows_ih, vals_ih, cols_hh, rows_hh, vals_hh,
               bias_ih, bias_hh)


def _prep_edges(rows, cols, vals, npad):
    nnz = rows.shape[0]
    padn = npad - nnz
    fill = (jnp.arange(padn, dtype=jnp.int32) * 16) % H
    r = jnp.concatenate([rows, fill])
    c = jnp.concatenate([cols, fill])
    v = jnp.concatenate([vals, jnp.zeros((padn,), vals.dtype)])
    nch = npad // (NS * CK)
    return (r.reshape(NS, nch, CK), c.reshape(NS, nch, CK),
            v.reshape(NS, nch, CK), nch)


def kernel(x, rows_ih, cols_ih, values_ih, rows_hh, cols_hh, values_hh,
           bias_ih, bias_hh):
    nnz = rows_ih.shape[0]
    npad = ((nnz + NS * CK - 1) // (NS * CK)) * (NS * CK)
    ri, ci, vi, nch = _prep_edges(rows_ih, cols_ih, values_ih, npad)
    rh, ch, vh, _ = _prep_edges(rows_hh, cols_hh, values_hh, npad)
    xt = jnp.transpose(x, (1, 2, 0)).reshape(T, H, NC, BH)
    xt = jnp.transpose(xt, (2, 0, 1, 3)).reshape(NC * T * H, BH)
    bi = bias_ih.reshape(H)
    bh = bias_hh.reshape(H)
    out = _sc_rnn(nch, xt, ci, ri, vi, ch, rh, vh, bi, bh)
    return jnp.transpose(out, (1, 3, 0, 2)).reshape(B, T, H)

# --- scband reference (transcript-rebuilt; emitter-appended) ---
"""Pipeline reference for scband-sparse-rnn-67800353735071 (READ-ONLY COPY).

The authoritative reference and input builder live on the scoring server;
editing this copy changes nothing except your own understanding.
"""

import jax, jax.numpy as jnp
import numpy as np

H = 16384          # hidden_size == input_size
NNZ = 268435       # 16384*16384*0.001
B = 64             # batch
T = 16             # time steps


def _spmm(rows, cols, values, x, out_dim):
    # sparse (out_dim x in_dim) @ x, where x is (in_dim, B)
    contrib = values[:, None] * jnp.take(x, cols, axis=0)
    return jax.ops.segment_sum(contrib, rows, num_segments=out_dim)


def setup_inputs(seed: int = 0) -> dict:
    key = jax.random.key(seed)
    ks = jax.random.split(key, 7)
    x = jax.random.normal(ks[0], (B, T, H), dtype=jnp.float32)
    rows_ih = jax.random.randint(ks[1], (NNZ,), 0, H, dtype=jnp.int32)
    cols_ih = jax.random.randint(ks[2], (NNZ,), 0, H, dtype=jnp.int32)
    values_ih = jax.random.normal(ks[3], (NNZ,), dtype=jnp.float32) * 0.01
    rows_hh = jax.random.randint(ks[4], (NNZ,), 0, H, dtype=jnp.int32)
    cols_hh = jax.random.randint(ks[5], (NNZ,), 0, H, dtype=jnp.int32)
    values_hh = jax.random.normal(ks[6], (NNZ,), dtype=jnp.float32) * 0.01
    bias_ih = jnp.zeros((H, 1), dtype=jnp.float32)
    bias_hh = jnp.zeros((H, 1), dtype=jnp.float32)
    return {
        "x": x,
        "rows_ih": rows_ih, "cols_ih": cols_ih, "values_ih": values_ih,
        "rows_hh": rows_hh, "cols_hh": cols_hh, "values_hh": values_hh,
        "bias_ih": bias_ih, "bias_hh": bias_hh,
    }


def reference(x, rows_ih, cols_ih, values_ih, rows_hh, cols_hh, values_hh, bias_ih, bias_hh):
    # batch_first 3D input (B, T, H) -> permute(1, 2, 0) -> (T, H, B)
    xt = jnp.transpose(x, (1, 2, 0))
    h = jnp.zeros((H, B), dtype=x.dtype)
    outs = []
    for t in range(T):
        pre_ih = _spmm(rows_ih, cols_ih, values_ih, xt[t], H) + bias_ih
        pre_hh = _spmm(rows_hh, cols_hh, values_hh, h, H) + bias_hh
        h = jnp.tanh(pre_ih + pre_hh)
        outs.append(h)
    out = jnp.stack(outs)              # (T, H, B)
    out = jnp.transpose(out, (2, 0, 1))  # batch_first -> (B, T, H)
    return out

if __name__ == "__main__":
    import jax
    _d = setup_inputs()
    print(jax.jit(kernel)(*tuple(_d.values())))

</pallas_src>

<mosaic_0001>
#map = affine_map<(d0, d1) -> (0, 0)>
#map1 = affine_map<(d0, d1) -> (0, 0, 0)>
#map2 = affine_map<(d0, d1) -> (0)>
#map3 = affine_map<(d0, d1) -> (0, 0, 0, 0)>
module attributes {stable_mosaic.version = 14 : i64} {
  func.func @rnn(%arg0: i32, %arg1: i32, %arg2: memref<524288x32xf32, #tpu.memory_space<hbm>>, %arg3: memref<16x132x128xi32, #tpu.memory_space<hbm>>, %arg4: memref<16x132x128xi32, #tpu.memory_space<hbm>>, %arg5: memref<16x132x128xf32, #tpu.memory_space<hbm>>, %arg6: memref<16x132x128xi32, #tpu.memory_space<hbm>>, %arg7: memref<16x132x128xi32, #tpu.memory_space<hbm>>, %arg8: memref<16x132x128xf32, #tpu.memory_space<hbm>>, %arg9: memref<16384xf32, #tpu.memory_space<hbm>>, %arg10: memref<16384xf32, #tpu.memory_space<hbm>>, %arg11: memref<16x2x16384x32xf32, #tpu.memory_space<hbm>>, %arg12: memref<128xi32, #tpu.memory_space<vmem>>, %arg13: memref<128xi32, #tpu.memory_space<vmem>>, %arg14: memref<128xi32, #tpu.memory_space<vmem>>, %arg15: memref<128xf32, #tpu.memory_space<vmem>>, %arg16: memref<128x32xf32, #tpu.memory_space<vmem>>, %arg17: memref<128x32xf32, #tpu.memory_space<vmem>>, %arg18: memref<128x32xf32, #tpu.memory_space<vmem>>, %arg19: memref<128xf32, #tpu.memory_space<vmem>>, %arg20: memref<128xf32, #tpu.memory_space<vmem>>, %arg21: memref<16384x32xf32, #tpu.memory_space<vmem_shared>>, %arg22: memref<16384x32xf32, #tpu.memory_space<vmem_shared>>, %arg23: memref<!tpu.dma_semaphore, #tpu.memory_space<semaphore_mem>>) attributes {dimension_semantics = [#tpu.dimension_semantics<core_parallel>, #tpu.dimension_semantics<subcore_parallel>], iteration_bounds = array<i64: 2, 16>, scalar_prefetch = 0 : i64, scratch_operands = 12 : i64, tpu.core_type = #tpu.core_type<sc_vector_subcore>, window_params = [{transform_indices = #map}, {transform_indices = #map1}, {transform_indices = #map1}, {transform_indices = #map1}, {transform_indices = #map1}, {transform_indices = #map1}, {transform_indices = #map1}, {transform_indices = #map2}, {transform_indices = #map2}, {transform_indices = #map3}]} {
    %mul3A = arith.constant 1024 : i32
    %mul3A_0 = arith.muli %arg1, %mul3A : i32
    %iota3A = tpu.iota {dimensions = array<i32: 0>} : vector<16xi32>
    %scan3A = arith.constant 0 : i32
    %scan3A_1 = arith.constant 0 : i32
    %scan3A_2 = arith.constant 128 : i32
    %scan3A_3 = arith.addi %scan3A_1, %scan3A_2 : i32
    %scan3A_4 = arith.constant 1 : i32
    %scan3A_5 = scf.for %scan3A_21 = %scan3A_1 to %scan3A_3 step %scan3A_4 iter_args(%scan3A_22 = %scan3A) -> (i32)  : i32 {
      %broadcast_in_dim3A = arith.constant 0.000000e+00 : f32
      %broadcast_in_dim3A_23 = vector.broadcast %broadcast_in_dim3A : f32 to vector<16xf32>
      %swap3A = arith.index_cast %scan3A_21 : i32 to index
      %swap3A_24 = arith.constant 0 : index
      %swap3A_25 = tpu.vector_load %arg18[%swap3A, %swap3A_24] {strides = array<i32>} : memref<128x32xf32, #tpu.memory_space<vmem>>, vector<1x16xf32>,
      %swap3A_26 = vector.shape_cast %swap3A_25 : vector<1x16xf32> to vector<16xf32>
      %swap3A_27 = vector.shape_cast %broadcast_in_dim3A_23 : vector<16xf32> to vector<1x16xf32>
      tpu.vector_store %arg18[%swap3A, %swap3A_24], %swap3A_27 {strides = array<i32>} : memref<128x32xf32, #tpu.memory_space<vmem>>, vector<1x16xf32>,
      %swap3A_28 = arith.index_cast %scan3A_21 : i32 to index
      %swap3A_29 = arith.constant 16 : index
      %swap3A_30 = tpu.vector_load %arg18[%swap3A_28, %swap3A_29] {strides = array<i32>} : memref<128x32xf32, #tpu.memory_space<vmem>>, vector<1x16xf32>,
      %swap3A_31 = vector.shape_cast %swap3A_30 : vector<1x16xf32> to vector<16xf32>
      %swap3A_32 = vector.shape_cast %broadcast_in_dim3A_23 : vector<16xf32> to vector<1x16xf32>
      tpu.vector_store %arg18[%swap3A_28, %swap3A_29], %swap3A_32 {strides = array<i32>} : memref<128x32xf32, #tpu.memory_space<vmem>>, vector<1x16xf32>,
      %scan3A_33 = arith.constant 0 : i32
      scf.yield %scan3A_33 : i32
    }
    %scan3A_6 = arith.constant 128 : i32
    %scan3A_7 = arith.constant 0 : i32
    %scan3A_8 = arith.constant 0 : i32
    %scan3A_9 = arith.constant 8 : i32
    %scan3A_10 = arith.addi %scan3A_8, %scan3A_9 : i32
    %scan3A_11 = arith.constant 1 : i32
    %scan3A_12 = scf.for %scan3A_21 = %scan3A_8 to %scan3A_10 step %scan3A_11 iter_args(%scan3A_22 = %scan3A_7) -> (i32)  : i32 {
      %mul3A_23 = arith.constant 128 : i32
      %mul3A_24 = arith.muli %scan3A_21, %mul3A_23 : i32
      %add3A = arith.addi %mul3A_0, %mul3A_24 : i32
      "tpu.region"() ({
        %run_scoped3A = tpu.sem_alloc : memref<!tpu.dma_semaphore, #tpu.memory_space<semaphore_mem>>
        %dma_start3A = arith.constant 0 : i32
        %dma_start3A_26 = tpu.memref_slice %arg21[%add3A, %dma_start3A] : memref<16384x32xf32, #tpu.memory_space<vmem_shared>> -> memref<128x32xf32, #tpu.memory_space<vmem_shared>>
        %dma_start3A_27 = arith.constant 0 : i32
        %dma_start3A_28 = tpu.memref_slice %arg21[%add3A, %dma_start3A_27] : memref<16384x32xf32, #tpu.memory_space<vmem_shared>> -> memref<128x32xf32, #tpu.memory_space<vmem_shared>>
        tpu.enqueue_dma source(%arg18 : memref<128x32xf32, #tpu.memory_space<vmem>>) target(%dma_start3A_28 : memref<128x32xf32, #tpu.memory_space<vmem_shared>>) target_semaphore(%run_scoped3A : memref<!tpu.dma_semaphore, #tpu.memory_space<semaphore_mem>>)
        %dma_wait3A = arith.constant 0 : i32
        %dma_wait3A_29 = tpu.memref_slice %arg21[%add3A, %dma_wait3A] : memref<16384x32xf32, #tpu.memory_space<vmem_shared>> -> memref<128x32xf32, #tpu.memory_space<vmem_shared>>
        %dma_wait3A_30 = arith.constant 0 : i32
        %dma_wait3A_31 = tpu.memref_slice %arg21[%add3A, %dma_wait3A_30] : memref<16384x32xf32, #tpu.memory_space<vmem_shared>> -> memref<128x32xf32, #tpu.memory_space<vmem_shared>>
        tpu.wait_dma2 semaphore(%run_scoped3A : memref<!tpu.dma_semaphore, #tpu.memory_space<semaphore_mem>>) src(%arg18 : memref<128x32xf32, #tpu.memory_space<vmem>>) dst(%dma_wait3A_31 : memref<128x32xf32, #tpu.memory_space<vmem_shared>>)
        tpu.yield
      }) : () -> ()
      "tpu.region"() ({
        %run_scoped3A = tpu.sem_alloc : memref<!tpu.dma_semaphore, #tpu.memory_space<semaphore_mem>>
        %dma_start3A = arith.constant 0 : i32
        %dma_start3A_26 = tpu.memref_slice %arg22[%add3A, %dma_start3A] : memref<16384x32xf32, #tpu.memory_space<vmem_shared>> -> memref<128x32xf32, #tpu.memory_space<vmem_shared>>
        %dma_start3A_27 = arith.constant 0 : i32
        %dma_start3A_28 = tpu.memref_slice %arg22[%add3A, %dma_start3A_27] : memref<16384x32xf32, #tpu.memory_space<vmem_shared>> -> memref<128x32xf32, #tpu.memory_space<vmem_shared>>
        tpu.enqueue_dma source(%arg18 : memref<128x32xf32, #tpu.memory_space<vmem>>) target(%dma_start3A_28 : memref<128x32xf32, #tpu.memory_space<vmem_shared>>) target_semaphore(%run_scoped3A : memref<!tpu.dma_semaphore, #tpu.memory_space<semaphore_mem>>)
        %dma_wait3A = arith.constant 0 : i32
        %dma_wait3A_29 = tpu.memref_slice %arg22[%add3A, %dma_wait3A] : memref<16384x32xf32, #tpu.memory_space<vmem_shared>> -> memref<128x32xf32, #tpu.memory_space<vmem_shared>>
        %dma_wait3A_30 = arith.constant 0 : i32
        %dma_wait3A_31 = tpu.memref_slice %arg22[%add3A, %dma_wait3A_30] : memref<16384x32xf32, #tpu.memory_space<vmem_shared>> -> memref<128x32xf32, #tpu.memory_space<vmem_shared>>
        tpu.wait_dma2 semaphore(%run_scoped3A : memref<!tpu.dma_semaphore, #tpu.memory_space<semaphore_mem>>) src(%arg18 : memref<128x32xf32, #tpu.memory_space<vmem>>) dst(%dma_wait3A_31 : memref<128x32xf32, #tpu.memory_space<vmem_shared>>)
        tpu.yield
      }) : () -> ()
      %scan3A_25 = arith.constant 0 : i32
      scf.yield %scan3A_25 : i32
    }
    %scan3A_13 = arith.constant 8 : i32
    %barrier3A = arith.constant 0 : index
    tpu.barrier barrier_id(%barrier3A)
    %scan3A_14 = arith.constant 0 : i32
    %scan3A_15 = arith.constant 0 : i32
    %scan3A_16 = arith.constant 16 : i32
    %scan3A_17 = arith.addi %scan3A_15, %scan3A_16 : i32
    %scan3A_18 = arith.constant 1 : i32
    %scan3A_19 = scf.for %scan3A_21 = %scan3A_15 to %scan3A_17 step %scan3A_18 iter_args(%scan3A_22 = %scan3A_14) -> (i32)  : i32 {
      %mul3A_23 = arith.constant 262144 : i32
      %mul3A_24 = arith.muli %arg0, %mul3A_23 : i32
      %mul3A_25 = arith.constant 16384 : i32
      %mul3A_26 = arith.muli %scan3A_21, %mul3A_25 : i32
      %add3A = arith.addi %mul3A_24, %mul3A_26 : i32
      %scan3A_27 = arith.constant 0 : i32
      %scan3A_28 = arith.constant 0 : i32
      %scan3A_29 = arith.constant 132 : i32
      %scan3A_30 = arith.addi %scan3A_28, %scan3A_29 : i32
      %scan3A_31 = arith.constant 1 : i32
      %scan3A_32 = scf.for %scan3A_51 = %scan3A_28 to %scan3A_30 step %scan3A_31 iter_args(%scan3A_52 = %scan3A_27) -> (i32)  : i32 {
        "tpu.region"() ({
          %run_scoped3A = tpu.sem_alloc : memref<!tpu.dma_semaphore, #tpu.memory_space<semaphore_mem>>
          %dma_start3A_72 = arith.constant 0 : i32
          %dma_start3A_73 = tpu.memref_slice %arg3[%arg1, %scan3A_51, %dma_start3A_72] : memref<16x132x128xi32, #tpu.memory_space<hbm>> -> memref<1x1x128xi32, #tpu.memory_space<hbm>>
          %dma_start3A_74 = tpu.memref_squeeze %dma_start3A_73 : memref<1x1x128xi32, #tpu.memory_space<hbm>> -> memref<128xi32, #tpu.memory_space<hbm>>
          %dma_start3A_75 = arith.constant 0 : i32
          %dma_start3A_76 = tpu.memref_slice %arg3[%arg1, %scan3A_51, %dma_start3A_75] : memref<16x132x128xi32, #tpu.memory_space<hbm>> -> memref<1x1x128xi32, #tpu.memory_space<hbm>>
          %dma_start3A_77 = tpu.memref_squeeze %dma_start3A_76 : memref<1x1x128xi32, #tpu.memory_space<hbm>> -> memref<128xi32, #tpu.memory_space<hbm>>
          tpu.enqueue_dma source(%dma_start3A_77 : memref<128xi32, #tpu.memory_space<hbm>>) target(%arg12 : memref<128xi32, #tpu.memory_space<vmem>>) target_semaphore(%run_scoped3A : memref<!tpu.dma_semaphore, #tpu.memory_space<semaphore_mem>>)
          %dma_wait3A_78 = arith.constant 0 : i32
          %dma_wait3A_79 = tpu.memref_slice %arg3[%arg1, %scan3A_51, %dma_wait3A_78] : memref<16x132x128xi32, #tpu.memory_space<hbm>> -> memref<1x1x128xi32, #tpu.memory_space<hbm>>
          %dma_wait3A_80 = tpu.memref_squeeze %dma_wait3A_79 : memref<1x1x128xi32, #tpu.memory_space<hbm>> -> memref<128xi32, #tpu.memory_space<hbm>>
          %dma_wait3A_81 = arith.constant 0 : i32
          %dma_wait3A_82 = tpu.memref_slice %arg3[%arg1, %scan3A_51, %dma_wait3A_81] : memref<16x132x128xi32, #tpu.memory_space<hbm>> -> memref<1x1x128xi32, #tpu.memory_space<hbm>>
          %dma_wait3A_83 = tpu.memref_squeeze %dma_wait3A_82 : memref<1x1x128xi32, #tpu.memory_space<hbm>> -> memref<128xi32, #tpu.memory_space<hbm>>
          tpu.wait_dma2 semaphore(%run_scoped3A : memref<!tpu.dma_semaphore, #tpu.memory_space<semaphore_mem>>) src(%dma_wait3A_83 : memref<128xi32, #tpu.memory_space<hbm>>) dst(%arg12 : memref<128xi32, #tpu.memory_space<vmem>>)
          tpu.yield
        }) : () -> ()
        "tpu.region"() ({
          %run_scoped3A = tpu.sem_alloc : memref<!tpu.dma_semaphore, #tpu.memory_space<semaphore_mem>>
          %dma_start3A_72 = arith.constant 0 : i32
          %dma_start3A_73 = tpu.memref_slice %arg4[%arg1, %scan3A_51, %dma_start3A_72] : memref<16x132x128xi32, #tpu.memory_space<hbm>> -> memref<1x1x128xi32, #tpu.memory_space<hbm>>
          %dma_start3A_74 = tpu.memref_squeeze %dma_start3A_73 : memref<1x1x128xi32, #tpu.memory_space<hbm>> -> memref<128xi32, #tpu.memory_space<hbm>>
          %dma_start3A_75 = arith.constant 0 : i32
          %dma_start3A_76 = tpu.memref_slice %arg4[%arg1, %scan3A_51, %dma_start3A_75] : memref<16x132x128xi32, #tpu.memory_space<hbm>> -> memref<1x1x128xi32, #tpu.memory_space<hbm>>
          %dma_start3A_77 = tpu.memref_squeeze %dma_start3A_76 : memref<1x1x128xi32, #tpu.memory_space<hbm>> -> memref<128xi32, #tpu.memory_space<hbm>>
          tpu.enqueue_dma source(%dma_start3A_77 : memref<128xi32, #tpu.memory_space<hbm>>) target(%arg14 : memref<128xi32, #tpu.memory_space<vmem>>) target_semaphore(%run_scoped3A : memref<!tpu.dma_semaphore, #tpu.memory_space<semaphore_mem>>)
          %dma_wait3A_78 = arith.constant 0 : i32
          %dma_wait3A_79 = tpu.memref_slice %arg4[%arg1, %scan3A_51, %dma_wait3A_78] : memref<16x132x128xi32, #tpu.memory_space<hbm>> -> memref<1x1x128xi32, #tpu.memory_space<hbm>>
          %dma_wait3A_80 = tpu.memref_squeeze %dma_wait3A_79 : memref<1x1x128xi32, #tpu.memory_space<hbm>> -> memref<128xi32, #tpu.memory_space<hbm>>
          %dma_wait3A_81 = arith.constant 0 : i32
          %dma_wait3A_82 = tpu.memref_slice %arg4[%arg1, %scan3A_51, %dma_wait3A_81] : memref<16x132x128xi32, #tpu.memory_space<hbm>> -> memref<1x1x128xi32, #tpu.memory_space<hbm>>
          %dma_wait3A_83 = tpu.memref_squeeze %dma_wait3A_82 : memref<1x1x128xi32, #tpu.memory_space<hbm>> -> memref<128xi32, #tpu.memory_space<hbm>>
          tpu.wait_dma2 semaphore(%run_scoped3A : memref<!tpu.dma_semaphore, #tpu.memory_space<semaphore_mem>>) src(%dma_wait3A_83 : memref<128xi32, #tpu.memory_space<hbm>>) dst(%arg14 : memref<128xi32, #tpu.memory_space<vmem>>)
          tpu.yield
        }) : () -> ()
        "tpu.region"() ({
          %run_scoped3A = tpu.sem_alloc : memref<!tpu.dma_semaphore, #tpu.memory_space<semaphore_mem>>
          %dma_start3A_72 = arith.constant 0 : i32
          %dma_start3A_73 = tpu.memref_slice %arg5[%arg1, %scan3A_51, %dma_start3A_72] : memref<16x132x128xf32, #tpu.memory_space<hbm>> -> memref<1x1x128xf32, #tpu.memory_space<hbm>>
          %dma_start3A_74 = tpu.memref_squeeze %dma_start3A_73 : memref<1x1x128xf32, #tpu.memory_space<hbm>> -> memref<128xf32, #tpu.memory_space<hbm>>
          %dma_start3A_75 = arith.constant 0 : i32
          %dma_start3A_76 = tpu.memref_slice %arg5[%arg1, %scan3A_51, %dma_start3A_75] : memref<16x132x128xf32, #tpu.memory_space<hbm>> -> memref<1x1x128xf32, #tpu.memory_space<hbm>>
          %dma_start3A_77 = tpu.memref_squeeze %dma_start3A_76 : memref<1x1x128xf32, #tpu.memory_space<hbm>> -> memref<128xf32, #tpu.memory_space<hbm>>
          tpu.enqueue_dma source(%dma_start3A_77 : memref<128xf32, #tpu.memory_space<hbm>>) target(%arg15 : memref<128xf32, #tpu.memory_space<vmem>>) target_semaphore(%run_scoped3A : memref<!tpu.dma_semaphore, #tpu.memory_space<semaphore_mem>>)
          %dma_wait3A_78 = arith.constant 0 : i32
          %dma_wait3A_79 = tpu.memref_slice %arg5[%arg1, %scan3A_51, %dma_wait3A_78] : memref<16x132x128xf32, #tpu.memory_space<hbm>> -> memref<1x1x128xf32, #tpu.memory_space<hbm>>
          %dma_wait3A_80 = tpu.memref_squeeze %dma_wait3A_79 : memref<1x1x128xf32, #tpu.memory_space<hbm>> -> memref<128xf32, #tpu.memory_space<hbm>>
          %dma_wait3A_81 = arith.constant 0 : i32
          %dma_wait3A_82 = tpu.memref_slice %arg5[%arg1, %scan3A_51, %dma_wait3A_81] : memref<16x132x128xf32, #tpu.memory_space<hbm>> -> memref<1x1x128xf32, #tpu.memory_space<hbm>>
          %dma_wait3A_83 = tpu.memref_squeeze %dma_wait3A_82 : memref<1x1x128xf32, #tpu.memory_space<hbm>> -> memref<128xf32, #tpu.memory_space<hbm>>
          tpu.wait_dma2 semaphore(%run_scoped3A : memref<!tpu.dma_semaphore, #tpu.memory_space<semaphore_mem>>) src(%dma_wait3A_83 : memref<128xf32, #tpu.memory_space<hbm>>) dst(%arg15 : memref<128xf32, #tpu.memory_space<vmem>>)
          tpu.yield
        }) : () -> ()
        %scan3A_53 = arith.constant 0 : i32
        %scan3A_54 = arith.constant 0 : i32
        %scan3A_55 = arith.constant 8 : i32
        %scan3A_56 = arith.addi %scan3A_54, %scan3A_55 : i32
        %scan3A_57 = arith.constant 1 : i32
        %scan3A_58 = scf.for %scan3A_72 = %scan3A_54 to %scan3A_56 step %scan3A_57 iter_args(%scan3A_73 = %scan3A_53) -> (i32)  : i32 {
          %mul3A_74 = arith.constant 16 : i32
          %mul3A_75 = arith.muli %scan3A_72, %mul3A_74 : i32
          %get3A = arith.index_cast %mul3A_75 : i32 to index
          %get3A_76 = tpu.vector_load %arg12[%get3A] {strides = array<i32>} : memref<128xi32, #tpu.memory_space<vmem>>, vector<16xi32>,
          %get3A_77 = vector.shape_cast %get3A_76 : vector<16xi32> to vector<16xi32>
          %add3A_78 = vector.broadcast %add3A : i32 to vector<16xi32>
          %add3A_79 = arith.addi %get3A_77, %add3A_78 : vector<16xi32>
          %swap3A = arith.index_cast %mul3A_75 : i32 to index
          %swap3A_80 = tpu.vector_load %arg13[%swap3A] {strides = array<i32>} : memref<128xi32, #tpu.memory_space<vmem>>, vector<16xi32>,
          %swap3A_81 = vector.shape_cast %swap3A_80 : vector<16xi32> to vector<16xi32>
          %swap3A_82 = vector.shape_cast %add3A_79 : vector<16xi32> to vector<16xi32>
          tpu.vector_store %arg13[%swap3A], %swap3A_82 {strides = array<i32>} : memref<128xi32, #tpu.memory_space<vmem>>, vector<16xi32>,
          %scan3A_83 = arith.constant 0 : i32
          scf.yield %scan3A_83 : i32
        }
        %scan3A_59 = arith.constant 8 : i32
        %dma_start3A = arith.constant 0 : i32
        %dma_start3A_60 = arith.constant 0 : i32
        %dma_start3A_61 = tpu.memref_slice %arg2[%dma_start3A, %dma_start3A_60] : memref<524288x32xf32, #tpu.memory_space<hbm>> -> memref<524288x32xf32, #tpu.memory_space<hbm>>
        tpu.enqueue_indirect_dma source(%dma_start3A_61 : memref<524288x32xf32, #tpu.memory_space<hbm>>) target(%arg16 : memref<128x32xf32, #tpu.memory_space<vmem>>) offsets(%arg13 : memref<128xi32, #tpu.memory_space<vmem>>) semaphore(%arg23 : memref<!tpu.dma_semaphore, #tpu.memory_space<semaphore_mem>>)
        %dma_wait3A = arith.constant 0 : i32
        %dma_wait3A_62 = arith.constant 0 : i32
        %dma_wait3A_63 = tpu.memref_slice %arg2[%dma_wait3A, %dma_wait3A_62] : memref<524288x32xf32, #tpu.memory_space<hbm>> -> memref<524288x32xf32, #tpu.memory_space<hbm>>
        tpu.wait_indirect_dma semaphore(%arg23 : memref<!tpu.dma_semaphore, #tpu.memory_space<semaphore_mem>>) src(%dma_wait3A_63 : memref<524288x32xf32, #tpu.memory_space<hbm>>) dst(%arg16 : memref<128x32xf32, #tpu.memory_space<vmem>>)
        %scan3A_64 = arith.constant 0 : i32
        %scan3A_65 = arith.constant 0 : i32
        %scan3A_66 = arith.constant 8 : i32
        %scan3A_67 = arith.addi %scan3A_65, %scan3A_66 : i32
        %scan3A_68 = arith.constant 1 : i32
        %scan3A_69 = scf.for %scan3A_72 = %scan3A_65 to %scan3A_67 step %scan3A_68 iter_args(%scan3A_73 = %scan3A_64) -> (i32)  : i32 {
          %mul3A_74 = arith.constant 16 : i32
          %mul3A_75 = arith.muli %scan3A_72, %mul3A_74 : i32
          %get3A = arith.index_cast %mul3A_75 : i32 to index
          %get3A_76 = tpu.vector_load %arg15[%get3A] {strides = array<i32>} : memref<128xf32, #tpu.memory_space<vmem>>, vector<16xf32>,
          %get3A_77 = vector.shape_cast %get3A_76 : vector<16xf32> to vector<16xf32>
          %mul3A_78 = arith.constant 16 : i32
          %mul3A_79 = arith.muli %scan3A_72, %mul3A_78 : i32
          %add3A_80 = arith.constant 0 : i32
          %add3A_81 = arith.addi %mul3A_79, %add3A_80 : i32
          %slice3A = vector.extract_strided_slice %get3A_77 {offsets = [0], sizes = [1], strides = [1]} : vector<16xf32> to vector<1xf32>
          %squeeze3A = vector.extract %slice3A[0] : f32 from vector<1xf32>
          %get3A_82 = arith.index_cast %add3A_81 : i32 to index
          %get3A_83 = arith.constant 0 : index
          %get3A_84 = tpu.vector_load %arg16[%get3A_82, %get3A_83] {strides = array<i32>} : memref<128x32xf32, #tpu.memory_space<vmem>>, vector<1x16xf32>,
          %get3A_85 = vector.shape_cast %get3A_84 : vector<1x16xf32> to vector<16xf32>
          %mul3A_86 = vector.broadcast %squeeze3A : f32 to vector<16xf32>
          %mul3A_87 = arith.mulf %get3A_85, %mul3A_86 : vector<16xf32>
          %swap3A = arith.index_cast %add3A_81 : i32 to index
          %swap3A_88 = arith.constant 0 : index
          %swap3A_89 = tpu.vector_load %arg16[%swap3A, %swap3A_88] {strides = array<i32>} : memref<128x32xf32, #tpu.memory_space<vmem>>, vector<1x16xf32>,
          %swap3A_90 = vector.shape_cast %swap3A_89 : vector<1x16xf32> to vector<16xf32>
          %swap3A_91 = vector.shape_cast %mul3A_87 : vector<16xf32> to vector<1x16xf32>
          tpu.vector_store %arg16[%swap3A, %swap3A_88], %swap3A_91 {strides = array<i32>} : memref<128x32xf32, #tpu.memory_space<vmem>>, vector<1x16xf32>,
          %get3A_92 = arith.index_cast %add3A_81 : i32 to index
          %get3A_93 = arith.constant 16 : index
          %get3A_94 = tpu.vector_load %arg16[%get3A_92, %get3A_93] {strides = array<i32>} : memref<128x32xf32, #tpu.memory_space<vmem>>, vector<1x16xf32>,
          %get3A_95 = vector.shape_cast %get3A_94 : vector<1x16xf32> to vector<16xf32>
          %mul3A_96 = vector.broadcast %squeeze3A : f32 to vector<16xf32>
          %mul3A_97 = arith.mulf %get3A_95, %mul3A_96 : vector<16xf32>
          %swap3A_98 = arith.index_cast %add3A_81 : i32 to index
          %swap3A_99 = arith.constant 16 : index
          %swap3A_100 = tpu.vector_load %arg16[%swap3A_98, %swap3A_99] {strides = array<i32>} : memref<128x32xf32, #tpu.memory_space<vmem>>, vector<1x16xf32>,
          %swap3A_101 = vector.shape_cast %swap3A_100 : vector<1x16xf32> to vector<16xf32>
          %swap3A_102 = vector.shape_cast %mul3A_97 : vector<16xf32> to vector<1x16xf32>
          tpu.vector_store %arg16[%swap3A_98, %swap3A_99], %swap3A_102 {strides = array<i32>} : memref<128x32xf32, #tpu.memory_space<vmem>>, vector<1x16xf32>,
          %mul3A_103 = arith.constant 16 : i32
          %mul3A_104 = arith.muli %scan3A_72, %mul3A_103 : i32
          %add3A_105 = arith.constant 1 : i32
          %add3A_106 = arith.addi %mul3A_104, %add3A_105 : i32
          %slice3A_107 = vector.extract_strided_slice %get3A_77 {offsets = [1], sizes = [1], strides = [1]} : vector<16xf32> to vector<1xf32>
          %squeeze3A_108 = vector.extract %slice3A_107[0] : f32 from vector<1xf32>
          %get3A_109 = arith.index_cast %add3A_106 : i32 to index
          %get3A_110 = arith.constant 0 : index
          %get3A_111 = tpu.vector_load %arg16[%get3A_109, %get3A_110] {strides = array<i32>} : memref<128x32xf32, #tpu.memory_space<vmem>>, vector<1x16xf32>,
          %get3A_112 = vector.shape_cast %get3A_111 : vector<1x16xf32> to vector<16xf32>
          %mul3A_113 = vector.broadcast %squeeze3A_108 : f32 to vector<16xf32>
          %mul3A_114 = arith.mulf %get3A_112, %mul3A_113 : vector<16xf32>
          %swap3A_115 = arith.index_cast %add3A_106 : i32 to index
          %swap3A_116 = arith.constant 0 : index
          %swap3A_117 = tpu.vector_load %arg16[%swap3A_115, %swap3A_116] {strides = array<i32>} : memref<128x32xf32, #tpu.memory_space<vmem>>, vector<1x16xf32>,
          %swap3A_118 = vector.shape_cast %swap3A_117 : vector<1x16xf32> to vector<16xf32>
          %swap3A_119 = vector.shape_cast %mul3A_114 : vector<16xf32> to vector<1x16xf32>
          tpu.vector_store %arg16[%swap3A_115, %swap3A_116], %swap3A_119 {strides = array<i32>} : memref<128x32xf32, #tpu.memory_space<vmem>>, vector<1x16xf32>,
          %get3A_120 = arith.index_cast %add3A_106 : i32 to index
          %get3A_121 = arith.constant 16 : index
          %get3A_122 = tpu.vector_load %arg16[%get3A_120, %get3A_121] {strides = array<i32>} : memref<128x32xf32, #tpu.memory_space<vmem>>, vector<1x16xf32>,
          %get3A_123 = vector.shape_cast %get3A_122 : vector<1x16xf32> to vector<16xf32>
          %mul3A_124 = vector.broadcast %squeeze3A_108 : f32 to vector<16xf32>
          %mul3A_125 = arith.mulf %get3A_123, %mul3A_124 : vector<16xf32>
          %swap3A_126 = arith.index_cast %add3A_106 : i32 to index
          %swap3A_127 = arith.constant 16 : index
          %swap3A_128 = tpu.vector_load %arg16[%swap3A_126, %swap3A_127] {strides = array<i32>} : memref<128x32xf32, #tpu.memory_space<vmem>>, vector<1x16xf32>,
          %swap3A_129 = vector.shape_cast %swap3A_128 : vector<1x16xf32> to vector<16xf32>
          %swap3A_130 = vector.shape_cast %mul3A_125 : vector<16xf32> to vector<1x16xf32>
          tpu.vector_store %arg16[%swap3A_126, %swap3A_127], %swap3A_130 {strides = array<i32>} : memref<128x32xf32, #tpu.memory_space<vmem>>, vector<1x16xf32>,
          %mul3A_131 = arith.constant 16 : i32
          %mul3A_132 = arith.muli %scan3A_72, %mul3A_131 : i32
          %add3A_133 = arith.constant 2 : i32
          %add3A_134 = arith.addi %mul3A_132, %add3A_133 : i32
          %slice3A_135 = vector.extract_strided_slice %get3A_77 {offsets = [2], sizes = [1], strides = [1]} : vector<16xf32> to vector<1xf32>
          %squeeze3A_136 = vector.extract %slice3A_135[0] : f32 from vector<1xf32>
          %get3A_137 = arith.index_cast %add3A_134 : i32 to index
          %get3A_138 = arith.constant 0 : index
          %get3A_139 = tpu.vector_load %arg16[%get3A_137, %get3A_138] {strides = array<i32>} : memref<128x32xf32, #tpu.memory_space<vmem>>, vector<1x16xf32>,
          %get3A_140 = vector.shape_cast %get3A_139 : vector<1x16xf32> to vector<16xf32>
          %mul3A_141 = vector.broadcast %squeeze3A_136 : f32 to vector<16xf32>
          %mul3A_142 = arith.mulf %get3A_140, %mul3A_141 : vector<16xf32>
          %swap3A_143 = arith.index_cast %add3A_134 : i32 to index
          %swap3A_144 = arith.constant 0 : index
          %swap3A_145 = tpu.vector_load %arg16[%swap3A_143, %swap3A_144] {strides = array<i32>} : memref<128x32xf32, #tpu.memory_space<vmem>>, vector<1x16xf32>,
          %swap3A_146 = vector.shape_cast %swap3A_145 : vector<1x16xf32> to vector<16xf32>
          %swap3A_147 = vector.shape_cast %mul3A_142 : vector<16xf32> to vector<1x16xf32>
          tpu.vector_store %arg16[%swap3A_143, %swap3A_144], %swap3A_147 {strides = array<i32>} : memref<128x32xf32, #tpu.memory_space<vmem>>, vector<1x16xf32>,
          %get3A_148 = arith.index_cast %add3A_134 : i32 to index
          %get3A_149 = arith.constant 16 : index
          %get3A_150 = tpu.vector_load %arg16[%get3A_148, %get3A_149] {strides = array<i32>} : memref<128x32xf32, #tpu.memory_space<vmem>>, vector<1x16xf32>,
          %get3A_151 = vector.shape_cast %get3A_150 : vector<1x16xf32> to vector<16xf32>
          %mul3A_152 = vector.broadcast %squeeze3A_136 : f32 to vector<16xf32>
          %mul3A_153 = arith.mulf %get3A_151, %mul3A_152 : vector<16xf32>
          %swap3A_154 = arith.index_cast %add3A_134 : i32 to index
          %swap3A_155 = arith.constant 16 : index
          %swap3A_156 = tpu.vector_load %arg16[%swap3A_154, %swap3A_155] {strides = array<i32>} : memref<128x32xf32, #tpu.memory_space<vmem>>, vector<1x16xf32>,
          %swap3A_157 = vector.shape_cast %swap3A_156 : vector<1x16xf32> to vector<16xf32>
          %swap3A_158 = vector.shape_cast %mul3A_153 : vector<16xf32> to vector<1x16xf32>
          tpu.vector_store %arg16[%swap3A_154, %swap3A_155], %swap3A_158 {strides = array<i32>} : memref<128x32xf32, #tpu.memory_space<vmem>>, vector<1x16xf32>,
          %mul3A_159 = arith.constant 16 : i32
          %mul3A_160 = arith.muli %scan3A_72, %mul3A_159 : i32
          %add3A_161 = arith.constant 3 : i32
          %add3A_162 = arith.addi %mul3A_160, %add3A_161 : i32
          %slice3A_163 = vector.extract_strided_slice %get3A_77 {offsets = [3], sizes = [1], strides = [1]} : vector<16xf32> to vector<1xf32>
          %squeeze3A_164 = vector.extract %slice3A_163[0] : f32 from vector<1xf32>
          %get3A_165 = arith.index_cast %add3A_162 : i32 to index
          %get3A_166 = arith.constant 0 : index
          %get3A_167 = tpu.vector_load %arg16[%get3A_165, %get3A_166] {strides = array<i32>} : memref<128x32xf32, #tpu.memory_space<vmem>>, vector<1x16xf32>,
          %get3A_168 = vector.shape_cast %get3A_167 : vector<1x16xf32> to vector<16xf32>
          %mul3A_169 = vector.broadcast %squeeze3A_164 : f32 to vector<16xf32>
          %mul3A_170 = arith.mulf %get3A_168, %mul3A_169 : vector<16xf32>
          %swap3A_171 = arith.index_cast %add3A_162 : i32 to index
          %swap3A_172 = arith.constant 0 : index
          %swap3A_173 = tpu.vector_load %arg16[%swap3A_171, %swap3A_172] {strides = array<i32>} : memref<128x32xf32, #tpu.memory_space<vmem>>, vector<1x16xf32>,
          %swap3A_174 = vector.shape_cast %swap3A_173 : vector<1x16xf32> to vector<16xf32>
          %swap3A_175 = vector.shape_cast %mul3A_170 : vector<16xf32> to vector<1x16xf32>
          tpu.vector_store %arg16[%swap3A_171, %swap3A_172], %swap3A_175 {strides = array<i32>} : memref<128x32xf32, #tpu.memory_space<vmem>>, vector<1x16xf32>,
          %get3A_176 = arith.index_cast %add3A_162 : i32 to index
          %get3A_177 = arith.constant 16 : index
          %get3A_178 = tpu.vector_load %arg16[%get3A_176, %get3A_177] {strides = array<i32>} : memref<128x32xf32, #tpu.memory_space<vmem>>, vector<1x16xf32>,
          %get3A_179 = vector.shape_cast %get3A_178 : vector<1x16xf32> to vector<16xf32>
          %mul3A_180 = vector.broadcast %squeeze3A_164 : f32 to vector<16xf32>
          %mul3A_181 = arith.mulf %get3A_179, %mul3A_180 : vector<16xf32>
          %swap3A_182 = arith.index_cast %add3A_162 : i32 to index
          %swap3A_183 = arith.constant 16 : index
          %swap3A_184 = tpu.vector_load %arg16[%swap3A_182, %swap3A_183] {strides = array<i32>} : memref<128x32xf32, #tpu.memory_space<vmem>>, vector<1x16xf32>,
          %swap3A_185 = vector.shape_cast %swap3A_184 : vector<1x16xf32> to vector<16xf32>
          %swap3A_186 = vector.shape_cast %mul3A_181 : vector<16xf32> to vector<1x16xf32>
          tpu.vector_store %arg16[%swap3A_182, %swap3A_183], %swap3A_186 {strides = array<i32>} : memref<128x32xf32, #tpu.memory_space<vmem>>, vector<1x16xf32>,
          %mul3A_187 = arith.constant 16 : i32
          %mul3A_188 = arith.muli %scan3A_72, %mul3A_187 : i32
          %add3A_189 = arith.constant 4 : i32
          %add3A_190 = arith.addi %mul3A_188, %add3A_189 : i32
          %slice3A_191 = vector.extract_strided_slice %get3A_77 {offsets = [4], sizes = [1], strides = [1]} : vector<16xf32> to vector<1xf32>
          %squeeze3A_192 = vector.extract %slice3A_191[0] : f32 from vector<1xf32>
          %get3A_193 = arith.index_cast %add3A_190 : i32 to index
          %get3A_194 = arith.constant 0 : index
          %get3A_195 = tpu.vector_load %arg16[%get3A_193, %get3A_194] {strides = array<i32>} : memref<128x32xf32, #tpu.memory_space<vmem>>, vector<1x16xf32>,
          %get3A_196 = vector.shape_cast %get3A_195 : vector<1x16xf32> to vector<16xf32>
          %mul3A_197 = vector.broadcast %squeeze3A_192 : f32 to vector<16xf32>
          %mul3A_198 = arith.mulf %get3A_196, %mul3A_197 : vector<16xf32>
          %swap3A_199 = arith.index_cast %add3A_190 : i32 to index
          %swap3A_200 = arith.constant 0 : index
          %swap3A_201 = tpu.vector_load %arg16[%swap3A_199, %swap3A_200] {strides = array<i32>} : memref<128x32xf32, #tpu.memory_space<vmem>>, vector<1x16xf32>,
          %swap3A_202 = vector.shape_cast %swap3A_201 : vector<1x16xf32> to vector<16xf32>
          %swap3A_203 = vector.shape_cast %mul3A_198 : vector<16xf32> to vector<1x16xf32>
          tpu.vector_store %arg16[%swap3A_199, %swap3A_200], %swap3A_203 {strides = array<i32>} : memref<128x32xf32, #tpu.memory_space<vmem>>, vector<1x16xf32>,
          %get3A_204 = arith.index_cast %add3A_190 : i32 to index
          %get3A_205 = arith.constant 16 : index
          %get3A_206 = tpu.vector_load %arg16[%get3A_204, %get3A_205] {strides = array<i32>} : memref<128x32xf32, #tpu.memory_space<vmem>>, vector<1x16xf32>,
          %get3A_207 = vector.shape_cast %get3A_206 : vector<1x16xf32> to vector<16xf32>
          %mul3A_208 = vector.broadcast %squeeze3A_192 : f32 to vector<16xf32>
          %mul3A_209 = arith.mulf %get3A_207, %mul3A_208 : vector<16xf32>
          %swap3A_210 = arith.index_cast %add3A_190 : i32 to index
          %swap3A_211 = arith.constant 16 : index
          %swap3A_212 = tpu.vector_load %arg16[%swap3A_210, %swap3A_211] {strides = array<i32>} : memref<128x32xf32, #tpu.memory_space<vmem>>, vector<1x16xf32>,
          %swap3A_213 = vector.shape_cast %swap3A_212 : vector<1x16xf32> to vector<16xf32>
          %swap3A_214 = vector.shape_cast %mul3A_209 : vector<16xf32> to vector<1x16xf32>
          tpu.vector_store %arg16[%swap3A_210, %swap3A_211], %swap3A_214 {strides = array<i32>} : memref<128x32xf32, #tpu.memory_space<vmem>>, vector<1x16xf32>,
          %mul3A_215 = arith.constant 16 : i32
          %mul3A_216 = arith.muli %scan3A_72, %mul3A_215 : i32
          %add3A_217 = arith.constant 5 : i32
          %add3A_218 = arith.addi %mul3A_216, %add3A_217 : i32
          %slice3A_219 = vector.extract_strided_slice %get3A_77 {offsets = [5], sizes = [1], strides = [1]} : vector<16xf32> to vector<1xf32>
          %squeeze3A_220 = vector.extract %slice3A_219[0] : f32 from vector<1xf32>
          %get3A_221 = arith.index_cast %add3A_218 : i32 to index
          %get3A_222 = arith.constant 0 : index
          %get3A_223 = tpu.vector_load %arg16[%get3A_221, %get3A_222] {strides = array<i32>} : memref<128x32xf32, #tpu.memory_space<vmem>>, vector<1x16xf32>,
          %get3A_224 = vector.shape_cast %get3A_223 : vector<1x16xf32> to vector<16xf32>
          %mul3A_225 = vector.broadcast %squeeze3A_220 : f32 to vector<16xf32>
          %mul3A_226 = arith.mulf %get3A_224, %mul3A_225 : vector<16xf32>
          %swap3A_227 = arith.index_cast %add3A_218 : i32 to index
          %swap3A_228 = arith.constant 0 : index
          %swap3A_229 = tpu.vector_load %arg16[%swap3A_227, %swap3A_228] {strides = array<i32>} : memref<128x32xf32, #tpu.memory_space<vmem>>, vector<1x16xf32>,
          %swap3A_230 = vector.shape_cast %swap3A_229 : vector<1x16xf32> to vector<16xf32>
          %swap3A_231 = vector.shape_cast %mul3A_226 : vector<16xf32> to vector<1x16xf32>
          tpu.vector_store %arg16[%swap3A_227, %swap3A_228], %swap3A_231 {strides = array<i32>} : memref<128x32xf32, #tpu.memory_space<vmem>>, vector<1x16xf32>,
          %get3A_232 = arith.index_cast %add3A_218 : i32 to index
          %get3A_233 = arith.constant 16 : index
          %get3A_234 = tpu.vector_load %arg16[%get3A_232, %get3A_233] {strides = array<i32>} : memref<128x32xf32, #tpu.memory_space<vmem>>, vector<1x16xf32>,
          %get3A_235 = vector.shape_cast %get3A_234 : vector<1x16xf32> to vector<16xf32>
          %mul3A_236 = vector.broadcast %squeeze3A_220 : f32 to vector<16xf32>
          %mul3A_237 = arith.mulf %get3A_235, %mul3A_236 : vector<16xf32>
          %swap3A_238 = arith.index_cast %add3A_218 : i32 to index
          %swap3A_239 = arith.constant 16 : index
          %swap3A_240 = tpu.vector_load %arg16[%swap3A_238, %swap3A_239] {strides = array<i32>} : memref<128x32xf32, #tpu.memory_space<vmem>>, vector<1x16xf32>,
          %swap3A_241 = vector.shape_cast %swap3A_240 : vector<1x16xf32> to vector<16xf32>
          %swap3A_242 = vector.shape_cast %mul3A_237 : vector<16xf32> to vector<1x16xf32>
          tpu.vector_store %arg16[%swap3A_238, %swap3A_239], %swap3A_242 {strides = array<i32>} : memref<128x32xf32, #tpu.memory_space<vmem>>, vector<1x16xf32>,
          %mul3A_243 = arith.constant 16 : i32
          %mul3A_244 = arith.muli %scan3A_72, %mul3A_243 : i32
          %add3A_245 = arith.constant 6 : i32
          %add3A_246 = arith.addi %mul3A_244, %add3A_245 : i32
          %slice3A_247 = vector.extract_strided_slice %get3A_77 {offsets = [6], sizes = [1], strides = [1]} : vector<16xf32> to vector<1xf32>
          %squeeze3A_248 = vector.extract %slice3A_247[0] : f32 from vector<1xf32>
          %get3A_249 = arith.index_cast %add3A_246 : i32 to index
          %get3A_250 = arith.constant 0 : index
          %get3A_251 = tpu.vector_load %arg16[%get3A_249, %get3A_250] {strides = array<i32>} : memref<128x32xf32, #tpu.memory_space<vmem>>, vector<1x16xf32>,
          %get3A_252 = vector.shape_cast %get3A_251 : vector<1x16xf32> to vector<16xf32>
          %mul3A_253 = vector.broadcast %squeeze3A_248 : f32 to vector<16xf32>
          %mul3A_254 = arith.mulf %get3A_252, %mul3A_253 : vector<16xf32>
          %swap3A_255 = arith.index_cast %add3A_246 : i32 to index
          %swap3A_256 = arith.constant 0 : index
          %swap3A_257 = tpu.vector_load %arg16[%swap3A_255, %swap3A_256] {strides = array<i32>} : memref<128x32xf32, #tpu.memory_space<vmem>>, vector<1x16xf32>,
          %swap3A_258 = vector.shape_cast %swap3A_257 : vector<1x16xf32> to vector<16xf32>
          %swap3A_259 = vector.shape_cast %mul3A_254 : vector<16xf32> to vector<1x16xf32>
          tpu.vector_store %arg16[%swap3A_255, %swap3A_256], %swap3A_259 {strides = array<i32>} : memref<128x32xf32, #tpu.memory_space<vmem>>, vector<1x16xf32>,
          %get3A_260 = arith.index_cast %add3A_246 : i32 to index
          %get3A_261 = arith.constant 16 : index
          %get3A_262 = tpu.vector_load %arg16[%get3A_260, %get3A_261] {strides = array<i32>} : memref<128x32xf32, #tpu.memory_space<vmem>>, vector<1x16xf32>,
          %get3A_263 = vector.shape_cast %get3A_262 : vector<1x16xf32> to vector<16xf32>
          %mul3A_264 = vector.broadcast %squeeze3A_248 : f32 to vector<16xf32>
          %mul3A_265 = arith.mulf %get3A_263, %mul3A_264 : vector<16xf32>
          %swap3A_266 = arith.index_cast %add3A_246 : i32 to index
          %swap3A_267 = arith.constant 16 : index
          %swap3A_268 = tpu.vector_load %arg16[%swap3A_266, %swap3A_267] {strides = array<i32>} : memref<128x32xf32, #tpu.memory_space<vmem>>, vector<1x16xf32>,
          %swap3A_269 = vector.shape_cast %swap3A_268 : vector<1x16xf32> to vector<16xf32>
          %swap3A_270 = vector.shape_cast %mul3A_265 : vector<16xf32> to vector<1x16xf32>
          tpu.vector_store %arg16[%swap3A_266, %swap3A_267], %swap3A_270 {strides = array<i32>} : memref<128x32xf32, #tpu.memory_space<vmem>>, vector<1x16xf32>,
          %mul3A_271 = arith.constant 16 : i32
          %mul3A_272 = arith.muli %scan3A_72, %mul3A_271 : i32
          %add3A_273 = arith.constant 7 : i32
          %add3A_274 = arith.addi %mul3A_272, %add3A_273 : i32
          %slice3A_275 = vector.extract_strided_slice %get3A_77 {offsets = [7], sizes = [1], strides = [1]} : vector<16xf32> to vector<1xf32>
          %squeeze3A_276 = vector.extract %slice3A_275[0] : f32 from vector<1xf32>
          %get3A_277 = arith.index_cast %add3A_274 : i32 to index
          %get3A_278 = arith.constant 0 : index
          %get3A_279 = tpu.vector_load %arg16[%get3A_277, %get3A_278] {strides = array<i32>} : memref<128x32xf32, #tpu.memory_space<vmem>>, vector<1x16xf32>,
          %get3A_280 = vector.shape_cast %get3A_279 : vector<1x16xf32> to vector<16xf32>
          %mul3A_281 = vector.broadcast %squeeze3A_276 : f32 to vector<16xf32>
          %mul3A_282 = arith.mulf %get3A_280, %mul3A_281 : vector<16xf32>
          %swap3A_283 = arith.index_cast %add3A_274 : i32 to index
          %swap3A_284 = arith.constant 0 : index
          %swap3A_285 = tpu.vector_load %arg16[%swap3A_283, %swap3A_284] {strides = array<i32>} : memref<128x32xf32, #tpu.memory_space<vmem>>, vector<1x16xf32>,
          %swap3A_286 = vector.shape_cast %swap3A_285 : vector<1x16xf32> to vector<16xf32>
          %swap3A_287 = vector.shape_cast %mul3A_282 : vector<16xf32> to vector<1x16xf32>
          tpu.vector_store %arg16[%swap3A_283, %swap3A_284], %swap3A_287 {strides = array<i32>} : memref<128x32xf32, #tpu.memory_space<vmem>>, vector<1x16xf32>,
          %get3A_288 = arith.index_cast %add3A_274 : i32 to index
          %get3A_289 = arith.constant 16 : index
          %get3A_290 = tpu.vector_load %arg16[%get3A_288, %get3A_289] {strides = array<i32>} : memref<128x32xf32, #tpu.memory_space<vmem>>, vector<1x16xf32>,
          %get3A_291 = vector.shape_cast %get3A_290 : vector<1x16xf32> to vector<16xf32>
          %mul3A_292 = vector.broadcast %squeeze3A_276 : f32 to vector<16xf32>
          %mul3A_293 = arith.mulf %get3A_291, %mul3A_292 : vector<16xf32>
          %swap3A_294 = arith.index_cast %add3A_274 : i32 to index
          %swap3A_295 = arith.constant 16 : index
          %swap3A_296 = tpu.vector_load %arg16[%swap3A_294, %swap3A_295] {strides = array<i32>} : memref<128x32xf32, #tpu.memory_space<vmem>>, vector<1x16xf32>,
          %swap3A_297 = vector.shape_cast %swap3A_296 : vector<1x16xf32> to vector<16xf32>
          %swap3A_298 = vector.shape_cast %mul3A_293 : vector<16xf32> to vector<1x16xf32>
          tpu.vector_store %arg16[%swap3A_294, %swap3A_295], %swap3A_298 {strides = array<i32>} : memref<128x32xf32, #tpu.memory_space<vmem>>, vector<1x16xf32>,
          %mul3A_299 = arith.constant 16 : i32
          %mul3A_300 = arith.muli %scan3A_72, %mul3A_299 : i32
          %add3A_301 = arith.constant 8 : i32
          %add3A_302 = arith.addi %mul3A_300, %add3A_301 : i32
          %slice3A_303 = vector.extract_strided_slice %get3A_77 {offsets = [8], sizes = [1], strides = [1]} : vector<16xf32> to vector<1xf32>
          %squeeze3A_304 = vector.extract %slice3A_303[0] : f32 from vector<1xf32>
          %get3A_305 = arith.index_cast %add3A_302 : i32 to index
          %get3A_306 = arith.constant 0 : index
          %get3A_307 = tpu.vector_load %arg16[%get3A_305, %get3A_306] {strides = array<i32>} : memref<128x32xf32, #tpu.memory_space<vmem>>, vector<1x16xf32>,
          %get3A_308 = vector.shape_cast %get3A_307 : vector<1x16xf32> to vector<16xf32>
          %mul3A_309 = vector.broadcast %squeeze3A_304 : f32 to vector<16xf32>
          %mul3A_310 = arith.mulf %get3A_308, %mul3A_309 : vector<16xf32>
          %swap3A_311 = arith.index_cast %add3A_302 : i32 to index
          %swap3A_312 = arith.constant 0 : index
          %swap3A_313 = tpu.vector_load %arg16[%swap3A_311, %swap3A_312] {strides = array<i32>} : memref<128x32xf32, #tpu.memory_space<vmem>>, vector<1x16xf32>,
          %swap3A_314 = vector.shape_cast %swap3A_313 : vector<1x16xf32> to vector<16xf32>
          %swap3A_315 = vector.shape_cast %mul3A_310 : vector<16xf32> to vector<1x16xf32>
          tpu.vector_store %arg16[%swap3A_311, %swap3A_312], %swap3A_315 {strides = array<i32>} : memref<128x32xf32, #tpu.memory_space<vmem>>, vector<1x16xf32>,
          %get3A_316 = arith.index_cast %add3A_302 : i32 to index
          %get3A_317 = arith.constant 16 : index
          %get3A_318 = tpu.vector_load %arg16[%get3A_316, %get3A_317] {strides = array<i32>} : memref<128x32xf32, #tpu.memory_space<vmem>>, vector<1x16xf32>,
          %get3A_319 = vector.shape_cast %get3A_318 : vector<1x16xf32> to vector<16xf32>
          %mul3A_320 = vector.broadcast %squeeze3A_304 : f32 to vector<16xf32>
          %mul3A_321 = arith.mulf %get3A_319, %mul3A_320 : vector<16xf32>
          %swap3A_322 = arith.index_cast %add3A_302 : i32 to index
          %swap3A_323 = arith.constant 16 : index
          %swap3A_324 = tpu.vector_load %arg16[%swap3A_322, %swap3A_323] {strides = array<i32>} : memref<128x32xf32, #tpu.memory_space<vmem>>, vector<1x16xf32>,
          %swap3A_325 = vector.shape_cast %swap3A_324 : vector<1x16xf32> to vector<16xf32>
          %swap3A_326 = vector.shape_cast %mul3A_321 : vector<16xf32> to vector<1x16xf32>
          tpu.vector_store %arg16[%swap3A_322, %swap3A_323], %swap3A_326 {strides = array<i32>} : memref<128x32xf32, #tpu.memory_space<vmem>>, vector<1x16xf32>,
          %mul3A_327 = arith.constant 16 : i32
          %mul3A_328 = arith.muli %scan3A_72, %mul3A_327 : i32
          %add3A_329 = arith.constant 9 : i32
          %add3A_330 = arith.addi %mul3A_328, %add3A_329 : i32
          %slice3A_331 = vector.extract_strided_slice %get3A_77 {offsets = [9], sizes = [1], strides = [1]} : vector<16xf32> to vector<1xf32>
          %squeeze3A_332 = vector.extract %slice3A_331[0] : f32 from vector<1xf32>
          %get3A_333 = arith.index_cast %add3A_330 : i32 to index
          %get3A_334 = arith.constant 0 : index
          %get3A_335 = tpu.vector_load %arg16[%get3A_333, %get3A_334] {strides = array<i32>} : memref<128x32xf32, #tpu.memory_space<vmem>>, vector<1x16xf32>,
          %get3A_336 = vector.shape_cast %get3A_335 : vector<1x16xf32> to vector<16xf32>
          %mul3A_337 = vector.broadcast %squeeze3A_332 : f32 to vector<16xf32>
          %mul3A_338 = arith.mulf %get3A_336, %mul3A_337 : vector<16xf32>
          %swap3A_339 = arith.index_cast %add3A_330 : i32 to index
          %swap3A_340 = arith.constant 0 : index
          %swap3A_341 = tpu.vector_load %arg16[%swap3A_339, %swap3A_340] {strides = array<i32>} : memref<128x32xf32, #tpu.memory_space<vmem>>, vector<1x16xf32>,
          %swap3A_342 = vector.shape_cast %swap3A_341 : vector<1x16xf32> to vector<16xf32>
          %swap3A_343 = vector.shape_cast %mul3A_338 : vector<16xf32> to vector<1x16xf32>
          tpu.vector_store %arg16[%swap3A_339, %swap3A_340], %swap3A_343 {strides = array<i32>} : memref<128x32xf32, #tpu.memory_space<vmem>>, vector<1x16xf32>,
          %get3A_344 = arith.index_cast %add3A_330 : i32 to index
          %get3A_345 = arith.constant 16 : index
          %get3A_346 = tpu.vector_load %arg16[%get3A_344, %get3A_345] {strides = array<i32>} : memref<128x32xf32, #tpu.memory_space<vmem>>, vector<1x16xf32>,
          %get3A_347 = vector.shape_cast %get3A_346 : vector<1x16xf32> to vector<16xf32>
          %mul3A_348 = vector.broadcast %squeeze3A_332 : f32 to vector<16xf32>
          %mul3A_349 = arith.mulf %get3A_347, %mul3A_348 : vector<16xf32>
          %swap3A_350 = arith.index_cast %add3A_330 : i32 to index
          %swap3A_351 = arith.constant 16 : index
          %swap3A_352 = tpu.vector_load %arg16[%swap3A_350, %swap3A_351] {strides = array<i32>} : memref<128x32xf32, #tpu.memory_space<vmem>>, vector<1x16xf32>,
          %swap3A_353 = vector.shape_cast %swap3A_352 : vector<1x16xf32> to vector<16xf32>
          %swap3A_354 = vector.shape_cast %mul3A_349 : vector<16xf32> to vector<1x16xf32>
          tpu.vector_store %arg16[%swap3A_350, %swap3A_351], %swap3A_354 {strides = array<i32>} : memref<128x32xf32, #tpu.memory_space<vmem>>, vector<1x16xf32>,
          %mul3A_355 = arith.constant 16 : i32
          %mul3A_356 = arith.muli %scan3A_72, %mul3A_355 : i32
          %add3A_357 = arith.constant 10 : i32
          %add3A_358 = arith.addi %mul3A_356, %add3A_357 : i32
          %slice3A_359 = vector.extract_strided_slice %get3A_77 {offsets = [10], sizes = [1], strides = [1]} : vector<16xf32> to vector<1xf32>
          %squeeze3A_360 = vector.extract %slice3A_359[0] : f32 from vector<1xf32>
          %get3A_361 = arith.index_cast %add3A_358 : i32 to index
          %get3A_362 = arith.constant 0 : index
          %get3A_363 = tpu.vector_load %arg16[%get3A_361, %get3A_362] {strides = array<i32>} : memref<128x32xf32, #tpu.memory_space<vmem>>, vector<1x16xf32>,
          %get3A_364 = vector.shape_cast %get3A_363 : vector<1x16xf32> to vector<16xf32>
          %mul3A_365 = vector.broadcast %squeeze3A_360 : f32 to vector<16xf32>
          %mul3A_366 = arith.mulf %get3A_364, %mul3A_365 : vector<16xf32>
          %swap3A_367 = arith.index_cast %add3A_358 : i32 to index
          %swap3A_368 = arith.constant 0 : index
          %swap3A_369 = tpu.vector_load %arg16[%swap3A_367, %swap3A_368] {strides = array<i32>} : memref<128x32xf32, #tpu.memory_space<vmem>>, vector<1x16xf32>,
          %swap3A_370 = vector.shape_cast %swap3A_369 : vector<1x16xf32> to vector<16xf32>
          %swap3A_371 = vector.shape_cast %mul3A_366 : vector<16xf32> to vector<1x16xf32>
          tpu.vector_store %arg16[%swap3A_367, %swap3A_368], %swap3A_371 {strides = array<i32>} : memref<128x32xf32, #tpu.memory_space<vmem>>, vector<1x16xf32>,
          %get3A_372 = arith.index_cast %add3A_358 : i32 to index
          %get3A_373 = arith.constant 16 : index
          %get3A_374 = tpu.vector_load %arg16[%get3A_372, %get3A_373] {strides = array<i32>} : memref<128x32xf32, #tpu.memory_space<vmem>>, vector<1x16xf32>,
          %get3A_375 = vector.shape_cast %get3A_374 : vector<1x16xf32> to vector<16xf32>
          %mul3A_376 = vector.broadcast %squeeze3A_360 : f32 to vector<16xf32>
          %mul3A_377 = arith.mulf %get3A_375, %mul3A_376 : vector<16xf32>
          %swap3A_378 = arith.index_cast %add3A_358 : i32 to index
          %swap3A_379 = arith.constant 16 : index
          %swap3A_380 = tpu.vector_load %arg16[%swap3A_378, %swap3A_379] {strides = array<i32>} : memref<128x32xf32, #tpu.memory_space<vmem>>, vector<1x16xf32>,
          %swap3A_381 = vector.shape_cast %swap3A_380 : vector<1x16xf32> to vector<16xf32>
          %swap3A_382 = vector.shape_cast %mul3A_377 : vector<16xf32> to vector<1x16xf32>
          tpu.vector_store %arg16[%swap3A_378, %swap3A_379], %swap3A_382 {strides = array<i32>} : memref<128x32xf32, #tpu.memory_space<vmem>>, vector<1x16xf32>,
          %mul3A_383 = arith.constant 16 : i32
          %mul3A_384 = arith.muli %scan3A_72, %mul3A_383 : i32
          %add3A_385 = arith.constant 11 : i32
          %add3A_386 = arith.addi %mul3A_384, %add3A_385 : i32
          %slice3A_387 = vector.extract_strided_slice %get3A_77 {offsets = [11], sizes = [1], strides = [1]} : vector<16xf32> to vector<1xf32>
          %squeeze3A_388 = vector.extract %slice3A_387[0] : f32 from vector<1xf32>
          %get3A_389 = arith.index_cast %add3A_386 : i32 to index
          %get3A_390 = arith.constant 0 : index
          %get3A_391 = tpu.vector_load %arg16[%get3A_389, %get3A_390] {strides = array<i32>} : memref<128x32xf32, #tpu.memory_space<vmem>>, vector<1x16xf32>,
          %get3A_392 = vector.shape_cast %get3A_391 : vector<1x16xf32> to vector<16xf32>
          %mul3A_393 = vector.broadcast %squeeze3A_388 : f32 to vector<16xf32>
          %mul3A_394 = arith.mulf %get3A_392, %mul3A_393 : vector<16xf32>
          %swap3A_395 = arith.index_cast %add3A_386 : i32 to index
          %swap3A_396 = arith.constant 0 : index
          %swap3A_397 = tpu.vector_load %arg16[%swap3A_395, %swap3A_396] {strides = array<i32>} : memref<128x32xf32, #tpu.memory_space<vmem>>, vector<1x16xf32>,
          %swap3A_398 = vector.shape_cast %swap3A_397 : vector<1x16xf32> to vector<16xf32>
          %swap3A_399 = vector.shape_cast %mul3A_394 : vector<16xf32> to vector<1x16xf32>
          tpu.vector_store %arg16[%swap3A_395, %swap3A_396], %swap3A_399 {strides = array<i32>} : memref<128x32xf32, #tpu.memory_space<vmem>>, vector<1x16xf32>,
          %get3A_400 = arith.index_cast %add3A_386 : i32 to index
          %get3A_401 = arith.constant 16 : index
          %get3A_402 = tpu.vector_load %arg16[%get3A_400, %get3A_401] {strides = array<i32>} : memref<128x32xf32, #tpu.memory_space<vmem>>, vector<1x16xf32>,
          %get3A_403 = vector.shape_cast %get3A_402 : vector<1x16xf32> to vector<16xf32>
          %mul3A_404 = vector.broadcast %squeeze3A_388 : f32 to vector<16xf32>
          %mul3A_405 = arith.mulf %get3A_403, %mul3A_404 : vector<16xf32>
          %swap3A_406 = arith.index_cast %add3A_386 : i32 to index
          %swap3A_407 = arith.constant 16 : index
          %swap3A_408 = tpu.vector_load %arg16[%swap3A_406, %swap3A_407] {strides = array<i32>} : memref<128x32xf32, #tpu.memory_space<vmem>>, vector<1x16xf32>,
          %swap3A_409 = vector.shape_cast %swap3A_408 : vector<1x16xf32> to vector<16xf32>
          %swap3A_410 = vector.shape_cast %mul3A_405 : vector<16xf32> to vector<1x16xf32>
          tpu.vector_store %arg16[%swap3A_406, %swap3A_407], %swap3A_410 {strides = array<i32>} : memref<128x32xf32, #tpu.memory_space<vmem>>, vector<1x16xf32>,
          %mul3A_411 = arith.constant 16 : i32
          %mul3A_412 = arith.muli %scan3A_72, %mul3A_411 : i32
          %add3A_413 = arith.constant 12 : i32
          %add3A_414 = arith.addi %mul3A_412, %add3A_413 : i32
          %slice3A_415 = vector.extract_strided_slice %get3A_77 {offsets = [12], sizes = [1], strides = [1]} : vector<16xf32> to vector<1xf32>
          %squeeze3A_416 = vector.extract %slice3A_415[0] : f32 from vector<1xf32>
          %get3A_417 = arith.index_cast %add3A_414 : i32 to index
          %get3A_418 = arith.constant 0 : index
          %get3A_419 = tpu.vector_load %arg16[%get3A_417, %get3A_418] {strides = array<i32>} : memref<128x32xf32, #tpu.memory_space<vmem>>, vector<1x16xf32>,
          %get3A_420 = vector.shape_cast %get3A_419 : vector<1x16xf32> to vector<16xf32>
          %mul3A_421 = vector.broadcast %squeeze3A_416 : f32 to vector<16xf32>
          %mul3A_422 = arith.mulf %get3A_420, %mul3A_421 : vector<16xf32>
          %swap3A_423 = arith.index_cast %add3A_414 : i32 to index
          %swap3A_424 = arith.constant 0 : index
          %swap3A_425 = tpu.vector_load %arg16[%swap3A_423, %swap3A_424] {strides = array<i32>} : memref<128x32xf32, #tpu.memory_space<vmem>>, vector<1x16xf32>,
          %swap3A_426 = vector.shape_cast %swap3A_425 : vector<1x16xf32> to vector<16xf32>
          %swap3A_427 = vector.shape_cast %mul3A_422 : vector<16xf32> to vector<1x16xf32>
          tpu.vector_store %arg16[%swap3A_423, %swap3A_424], %swap3A_427 {strides = array<i32>} : memref<128x32xf32, #tpu.memory_space<vmem>>, vector<1x16xf32>,
          %get3A_428 = arith.index_cast %add3A_414 : i32 to index
          %get3A_429 = arith.constant 16 : index
          %get3A_430 = tpu.vector_load %arg16[%get3A_428, %get3A_429] {strides = array<i32>} : memref<128x32xf32, #tpu.memory_space<vmem>>, vector<1x16xf32>,
          %get3A_431 = vector.shape_cast %get3A_430 : vector<1x16xf32> to vector<16xf32>
          %mul3A_432 = vector.broadcast %squeeze3A_416 : f32 to vector<16xf32>
          %mul3A_433 = arith.mulf %get3A_431, %mul3A_432 : vector<16xf32>
          %swap3A_434 = arith.index_cast %add3A_414 : i32 to index
          %swap3A_435 = arith.constant 16 : index
          %swap3A_436 = tpu.vector_load %arg16[%swap3A_434, %swap3A_435] {strides = array<i32>} : memref<128x32xf32, #tpu.memory_space<vmem>>, vector<1x16xf32>,
          %swap3A_437 = vector.shape_cast %swap3A_436 : vector<1x16xf32> to vector<16xf32>
          %swap3A_438 = vector.shape_cast %mul3A_433 : vector<16xf32> to vector<1x16xf32>
          tpu.vector_store %arg16[%swap3A_434, %swap3A_435], %swap3A_438 {strides = array<i32>} : memref<128x32xf32, #tpu.memory_space<vmem>>, vector<1x16xf32>,
          %mul3A_439 = arith.constant 16 : i32
          %mul3A_440 = arith.muli %scan3A_72, %mul3A_439 : i32
          %add3A_441 = arith.constant 13 : i32
          %add3A_442 = arith.addi %mul3A_440, %add3A_441 : i32
          %slice3A_443 = vector.extract_strided_slice %get3A_77 {offsets = [13], sizes = [1], strides = [1]} : vector<16xf32> to vector<1xf32>
          %squeeze3A_444 = vector.extract %slice3A_443[0] : f32 from vector<1xf32>
          %get3A_445 = arith.index_cast %add3A_442 : i32 to index
          %get3A_446 = arith.constant 0 : index
          %get3A_447 = tpu.vector_load %arg16[%get3A_445, %get3A_446] {strides = array<i32>} : memref<128x32xf32, #tpu.memory_space<vmem>>, vector<1x16xf32>,
          %get3A_448 = vector.shape_cast %get3A_447 : vector<1x16xf32> to vector<16xf32>
          %mul3A_449 = vector.broadcast %squeeze3A_444 : f32 to vector<16xf32>
          %mul3A_450 = arith.mulf %get3A_448, %mul3A_449 : vector<16xf32>
          %swap3A_451 = arith.index_cast %add3A_442 : i32 to index
          %swap3A_452 = arith.constant 0 : index
          %swap3A_453 = tpu.vector_load %arg16[%swap3A_451, %swap3A_452] {strides = array<i32>} : memref<128x32xf32, #tpu.memory_space<vmem>>, vector<1x16xf32>,
          %swap3A_454 = vector.shape_cast %swap3A_453 : vector<1x16xf32> to vector<16xf32>
          %swap3A_455 = vector.shape_cast %mul3A_450 : vector<16xf32> to vector<1x16xf32>
          tpu.vector_store %arg16[%swap3A_451, %swap3A_452], %swap3A_455 {strides = array<i32>} : memref<128x32xf32, #tpu.memory_space<vmem>>, vector<1x16xf32>,
          %get3A_456 = arith.index_cast %add3A_442 : i32 to index
          %get3A_457 = arith.constant 16 : index
          %get3A_458 = tpu.vector_load %arg16[%get3A_456, %get3A_457] {strides = array<i32>} : memref<128x32xf32, #tpu.memory_space<vmem>>, vector<1x16xf32>,
          %get3A_459 = vector.shape_cast %get3A_458 : vector<1x16xf32> to vector<16xf32>
          %mul3A_460 = vector.broadcast %squeeze3A_444 : f32 to vector<16xf32>
          %mul3A_461 = arith.mulf %get3A_459, %mul3A_460 : vector<16xf32>
          %swap3A_462 = arith.index_cast %add3A_442 : i32 to index
          %swap3A_463 = arith.constant 16 : index
          %swap3A_464 = tpu.vector_load %arg16[%swap3A_462, %swap3A_463] {strides = array<i32>} : memref<128x32xf32, #tpu.memory_space<vmem>>, vector<1x16xf32>,
          %swap3A_465 = vector.shape_cast %swap3A_464 : vector<1x16xf32> to vector<16xf32>
          %swap3A_466 = vector.shape_cast %mul3A_461 : vector<16xf32> to vector<1x16xf32>
          tpu.vector_store %arg16[%swap3A_462, %swap3A_463], %swap3A_466 {strides = array<i32>} : memref<128x32xf32, #tpu.memory_space<vmem>>, vector<1x16xf32>,
          %mul3A_467 = arith.constant 16 : i32
          %mul3A_468 = arith.muli %scan3A_72, %mul3A_467 : i32
          %add3A_469 = arith.constant 14 : i32
          %add3A_470 = arith.addi %mul3A_468, %add3A_469 : i32
          %slice3A_471 = vector.extract_strided_slice %get3A_77 {offsets = [14], sizes = [1], strides = [1]} : vector<16xf32> to vector<1xf32>
          %squeeze3A_472 = vector.extract %slice3A_471[0] : f32 from vector<1xf32>
          %get3A_473 = arith.index_cast %add3A_470 : i32 to index
          %get3A_474 = arith.constant 0 : index
          %get3A_475 = tpu.vector_load %arg16[%get3A_473, %get3A_474] {strides = array<i32>} : memref<128x32xf32, #tpu.memory_space<vmem>>, vector<1x16xf32>,
          %get3A_476 = vector.shape_cast %get3A_475 : vector<1x16xf32> to vector<16xf32>
          %mul3A_477 = vector.broadcast %squeeze3A_472 : f32 to vector<16xf32>
          %mul3A_478 = arith.mulf %get3A_476, %mul3A_477 : vector<16xf32>
          %swap3A_479 = arith.index_cast %add3A_470 : i32 to index
          %swap3A_480 = arith.constant 0 : index
          %swap3A_481 = tpu.vector_load %arg16[%swap3A_479, %swap3A_480] {strides = array<i32>} : memref<128x32xf32, #tpu.memory_space<vmem>>, vector<1x16xf32>,
          %swap3A_482 = vector.shape_cast %swap3A_481 : vector<1x16xf32> to vector<16xf32>
          %swap3A_483 = vector.shape_cast %mul3A_478 : vector<16xf32> to vector<1x16xf32>
          tpu.vector_store %arg16[%swap3A_479, %swap3A_480], %swap3A_483 {strides = array<i32>} : memref<128x32xf32, #tpu.memory_space<vmem>>, vector<1x16xf32>,
          %get3A_484 = arith.index_cast %add3A_470 : i32 to index
          %get3A_485 = arith.constant 16 : index
          %get3A_486 = tpu.vector_load %arg16[%get3A_484, %get3A_485] {strides = array<i32>} : memref<128x32xf32, #tpu.memory_space<vmem>>, vector<1x16xf32>,
          %get3A_487 = vector.shape_cast %get3A_486 : vector<1x16xf32> to vector<16xf32>
          %mul3A_488 = vector.broadcast %squeeze3A_472 : f32 to vector<16xf32>
          %mul3A_489 = arith.mulf %get3A_487, %mul3A_488 : vector<16xf32>
          %swap3A_490 = arith.index_cast %add3A_470 : i32 to index
          %swap3A_491 = arith.constant 16 : index
          %swap3A_492 = tpu.vector_load %arg16[%swap3A_490, %swap3A_491] {strides = array<i32>} : memref<128x32xf32, #tpu.memory_space<vmem>>, vector<1x16xf32>,
          %swap3A_493 = vector.shape_cast %swap3A_492 : vector<1x16xf32> to vector<16xf32>
          %swap3A_494 = vector.shape_cast %mul3A_489 : vector<16xf32> to vector<1x16xf32>
          tpu.vector_store %arg16[%swap3A_490, %swap3A_491], %swap3A_494 {strides = array<i32>} : memref<128x32xf32, #tpu.memory_space<vmem>>, vector<1x16xf32>,
          %mul3A_495 = arith.constant 16 : i32
          %mul3A_496 = arith.muli %scan3A_72, %mul3A_495 : i32
          %add3A_497 = arith.constant 15 : i32
          %add3A_498 = arith.addi %mul3A_496, %add3A_497 : i32
          %slice3A_499 = vector.extract_strided_slice %get3A_77 {offsets = [15], sizes = [1], strides = [1]} : vector<16xf32> to vector<1xf32>
          %squeeze3A_500 = vector.extract %slice3A_499[0] : f32 from vector<1xf32>
          %get3A_501 = arith.index_cast %add3A_498 : i32 to index
          %get3A_502 = arith.constant 0 : index
          %get3A_503 = tpu.vector_load %arg16[%get3A_501, %get3A_502] {strides = array<i32>} : memref<128x32xf32, #tpu.memory_space<vmem>>, vector<1x16xf32>,
          %get3A_504 = vector.shape_cast %get3A_503 : vector<1x16xf32> to vector<16xf32>
          %mul3A_505 = vector.broadcast %squeeze3A_500 : f32 to vector<16xf32>
          %mul3A_506 = arith.mulf %get3A_504, %mul3A_505 : vector<16xf32>
          %swap3A_507 = arith.index_cast %add3A_498 : i32 to index
          %swap3A_508 = arith.constant 0 : index
          %swap3A_509 = tpu.vector_load %arg16[%swap3A_507, %swap3A_508] {strides = array<i32>} : memref<128x32xf32, #tpu.memory_space<vmem>>, vector<1x16xf32>,
          %swap3A_510 = vector.shape_cast %swap3A_509 : vector<1x16xf32> to vector<16xf32>
          %swap3A_511 = vector.shape_cast %mul3A_506 : vector<16xf32> to vector<1x16xf32>
          tpu.vector_store %arg16[%swap3A_507, %swap3A_508], %swap3A_511 {strides = array<i32>} : memref<128x32xf32, #tpu.memory_space<vmem>>, vector<1x16xf32>,
          %get3A_512 = arith.index_cast %add3A_498 : i32 to index
          %get3A_513 = arith.constant 16 : index
          %get3A_514 = tpu.vector_load %arg16[%get3A_512, %get3A_513] {strides = array<i32>} : memref<128x32xf32, #tpu.memory_space<vmem>>, vector<1x16xf32>,
          %get3A_515 = vector.shape_cast %get3A_514 : vector<1x16xf32> to vector<16xf32>
          %mul3A_516 = vector.broadcast %squeeze3A_500 : f32 to vector<16xf32>
          %mul3A_517 = arith.mulf %get3A_515, %mul3A_516 : vector<16xf32>
          %swap3A_518 = arith.index_cast %add3A_498 : i32 to index
          %swap3A_519 = arith.constant 16 : index
          %swap3A_520 = tpu.vector_load %arg16[%swap3A_518, %swap3A_519] {strides = array<i32>} : memref<128x32xf32, #tpu.memory_space<vmem>>, vector<1x16xf32>,
          %swap3A_521 = vector.shape_cast %swap3A_520 : vector<1x16xf32> to vector<16xf32>
          %swap3A_522 = vector.shape_cast %mul3A_517 : vector<16xf32> to vector<1x16xf32>
          tpu.vector_store %arg16[%swap3A_518, %swap3A_519], %swap3A_522 {strides = array<i32>} : memref<128x32xf32, #tpu.memory_space<vmem>>, vector<1x16xf32>,
          %scan3A_523 = arith.constant 0 : i32
          scf.yield %scan3A_523 : i32
        }
        %scan3A_70 = arith.constant 8 : i32
        "tpu.region"() ({
          %run_scoped3A = tpu.sem_alloc : memref<!tpu.dma_semaphore, #tpu.memory_space<semaphore_mem>>
          %dma_start3A_72 = arith.constant 0 : i32
          %dma_start3A_73 = arith.constant 0 : i32
          %dma_start3A_74 = tpu.memref_slice %arg22[%dma_start3A_72, %dma_start3A_73] : memref<16384x32xf32, #tpu.memory_space<vmem_shared>> -> memref<16384x32xf32, #tpu.memory_space<vmem_shared>>
          tpu.enqueue_indirect_dma source(%arg16 : memref<128x32xf32, #tpu.memory_space<vmem>>) target(%dma_start3A_74 : memref<16384x32xf32, #tpu.memory_space<vmem_shared>>) offsets(%arg14 : memref<128xi32, #tpu.memory_space<vmem>>) semaphore(%run_scoped3A : memref<!tpu.dma_semaphore, #tpu.memory_space<semaphore_mem>>) {add = true}
          %dma_wait3A_75 = arith.constant 0 : i32
          %dma_wait3A_76 = arith.constant 0 : i32
          %dma_wait3A_77 = tpu.memref_slice %arg22[%dma_wait3A_75, %dma_wait3A_76] : memref<16384x32xf32, #tpu.memory_space<vmem_shared>> -> memref<16384x32xf32, #tpu.memory_space<vmem_shared>>
          tpu.wait_indirect_dma semaphore(%run_scoped3A : memref<!tpu.dma_semaphore, #tpu.memory_space<semaphore_mem>>) src(%arg16 : memref<128x32xf32, #tpu.memory_space<vmem>>) dst(%dma_wait3A_77 : memref<16384x32xf32, #tpu.memory_space<vmem_shared>>)
          tpu.yield
        }) : () -> ()
        %scan3A_71 = arith.constant 0 : i32
        scf.yield %scan3A_71 : i32
      }
      %scan3A_33 = arith.constant 132 : i32
      %scan3A_34 = arith.constant 0 : i32
      %scan3A_35 = arith.constant 0 : i32
      %scan3A_36 = arith.constant 132 : i32
      %scan3A_37 = arith.addi %scan3A_35, %scan3A_36 : i32
      %scan3A_38 = arith.constant 1 : i32
      %scan3A_39 = scf.for %scan3A_51 = %scan3A_35 to %scan3A_37 step %scan3A_38 iter_args(%scan3A_52 = %scan3A_34) -> (i32)  : i32 {
        "tpu.region"() ({
          %run_scoped3A = tpu.sem_alloc : memref<!tpu.dma_semaphore, #tpu.memory_space<semaphore_mem>>
          %dma_start3A_65 = arith.constant 0 : i32
          %dma_start3A_66 = tpu.memref_slice %arg6[%arg1, %scan3A_51, %dma_start3A_65] : memref<16x132x128xi32, #tpu.memory_space<hbm>> -> memref<1x1x128xi32, #tpu.memory_space<hbm>>
          %dma_start3A_67 = tpu.memref_squeeze %dma_start3A_66 : memref<1x1x128xi32, #tpu.memory_space<hbm>> -> memref<128xi32, #tpu.memory_space<hbm>>
          %dma_start3A_68 = arith.constant 0 : i32
          %dma_start3A_69 = tpu.memref_slice %arg6[%arg1, %scan3A_51, %dma_start3A_68] : memref<16x132x128xi32, #tpu.memory_space<hbm>> -> memref<1x1x128xi32, #tpu.memory_space<hbm>>
          %dma_start3A_70 = tpu.memref_squeeze %dma_start3A_69 : memref<1x1x128xi32, #tpu.memory_space<hbm>> -> memref<128xi32, #tpu.memory_space<hbm>>
          tpu.enqueue_dma source(%dma_start3A_70 : memref<128xi32, #tpu.memory_space<hbm>>) target(%arg12 : memref<128xi32, #tpu.memory_space<vmem>>) target_semaphore(%run_scoped3A : memref<!tpu.dma_semaphore, #tpu.memory_space<semaphore_mem>>)
          %dma_wait3A_71 = arith.constant 0 : i32
          %dma_wait3A_72 = tpu.memref_slice %arg6[%arg1, %scan3A_51, %dma_wait3A_71] : memref<16x132x128xi32, #tpu.memory_space<hbm>> -> memref<1x1x128xi32, #tpu.memory_space<hbm>>
          %dma_wait3A_73 = tpu.memref_squeeze %dma_wait3A_72 : memref<1x1x128xi32, #tpu.memory_space<hbm>> -> memref<128xi32, #tpu.memory_space<hbm>>
          %dma_wait3A_74 = arith.constant 0 : i32
          %dma_wait3A_75 = tpu.memref_slice %arg6[%arg1, %scan3A_51, %dma_wait3A_74] : memref<16x132x128xi32, #tpu.memory_space<hbm>> -> memref<1x1x128xi32, #tpu.memory_space<hbm>>
          %dma_wait3A_76 = tpu.memref_squeeze %dma_wait3A_75 : memref<1x1x128xi32, #tpu.memory_space<hbm>> -> memref<128xi32, #tpu.memory_space<hbm>>
          tpu.wait_dma2 semaphore(%run_scoped3A : memref<!tpu.dma_semaphore, #tpu.memory_space<semaphore_mem>>) src(%dma_wait3A_76 : memref<128xi32, #tpu.memory_space<hbm>>) dst(%arg12 : memref<128xi32, #tpu.memory_space<vmem>>)
          tpu.yield
        }) : () -> ()
        "tpu.region"() ({
          %run_scoped3A = tpu.sem_alloc : memref<!tpu.dma_semaphore, #tpu.memory_space<semaphore_mem>>
          %dma_start3A_65 = arith.constant 0 : i32
          %dma_start3A_66 = tpu.memref_slice %arg7[%arg1, %scan3A_51, %dma_start3A_65] : memref<16x132x128xi32, #tpu.memory_space<hbm>> -> memref<1x1x128xi32, #tpu.memory_space<hbm>>
          %dma_start3A_67 = tpu.memref_squeeze %dma_start3A_66 : memref<1x1x128xi32, #tpu.memory_space<hbm>> -> memref<128xi32, #tpu.memory_space<hbm>>
          %dma_start3A_68 = arith.constant 0 : i32
          %dma_start3A_69 = tpu.memref_slice %arg7[%arg1, %scan3A_51, %dma_start3A_68] : memref<16x132x128xi32, #tpu.memory_space<hbm>> -> memref<1x1x128xi32, #tpu.memory_space<hbm>>
          %dma_start3A_70 = tpu.memref_squeeze %dma_start3A_69 : memref<1x1x128xi32, #tpu.memory_space<hbm>> -> memref<128xi32, #tpu.memory_space<hbm>>
          tpu.enqueue_dma source(%dma_start3A_70 : memref<128xi32, #tpu.memory_space<hbm>>) target(%arg14 : memref<128xi32, #tpu.memory_space<vmem>>) target_semaphore(%run_scoped3A : memref<!tpu.dma_semaphore, #tpu.memory_space<semaphore_mem>>)
          %dma_wait3A_71 = arith.constant 0 : i32
          %dma_wait3A_72 = tpu.memref_slice %arg7[%arg1, %scan3A_51, %dma_wait3A_71] : memref<16x132x128xi32, #tpu.memory_space<hbm>> -> memref<1x1x128xi32, #tpu.memory_space<hbm>>
          %dma_wait3A_73 = tpu.memref_squeeze %dma_wait3A_72 : memref<1x1x128xi32, #tpu.memory_space<hbm>> -> memref<128xi32, #tpu.memory_space<hbm>>
          %dma_wait3A_74 = arith.constant 0 : i32
          %dma_wait3A_75 = tpu.memref_slice %arg7[%arg1, %scan3A_51, %dma_wait3A_74] : memref<16x132x128xi32, #tpu.memory_space<hbm>> -> memref<1x1x128xi32, #tpu.memory_space<hbm>>
          %dma_wait3A_76 = tpu.memref_squeeze %dma_wait3A_75 : memref<1x1x128xi32, #tpu.memory_space<hbm>> -> memref<128xi32, #tpu.memory_space<hbm>>
          tpu.wait_dma2 semaphore(%run_scoped3A : memref<!tpu.dma_semaphore, #tpu.memory_space<semaphore_mem>>) src(%dma_wait3A_76 : memref<128xi32, #tpu.memory_space<hbm>>) dst(%arg14 : memref<128xi32, #tpu.memory_space<vmem>>)
          tpu.yield
        }) : () -> ()
        "tpu.region"() ({
          %run_scoped3A = tpu.sem_alloc : memref<!tpu.dma_semaphore, #tpu.memory_space<semaphore_mem>>
          %dma_start3A_65 = arith.constant 0 : i32
          %dma_start3A_66 = tpu.memref_slice %arg8[%arg1, %scan3A_51, %dma_start3A_65] : memref<16x132x128xf32, #tpu.memory_space<hbm>> -> memref<1x1x128xf32, #tpu.memory_space<hbm>>
          %dma_start3A_67 = tpu.memref_squeeze %dma_start3A_66 : memref<1x1x128xf32, #tpu.memory_space<hbm>> -> memref<128xf32, #tpu.memory_space<hbm>>
          %dma_start3A_68 = arith.constant 0 : i32
          %dma_start3A_69 = tpu.memref_slice %arg8[%arg1, %scan3A_51, %dma_start3A_68] : memref<16x132x128xf32, #tpu.memory_space<hbm>> -> memref<1x1x128xf32, #tpu.memory_space<hbm>>
          %dma_start3A_70 = tpu.memref_squeeze %dma_start3A_69 : memref<1x1x128xf32, #tpu.memory_space<hbm>> -> memref<128xf32, #tpu.memory_space<hbm>>
          tpu.enqueue_dma source(%dma_start3A_70 : memref<128xf32, #tpu.memory_space<hbm>>) target(%arg15 : memref<128xf32, #tpu.memory_space<vmem>>) target_semaphore(%run_scoped3A : memref<!tpu.dma_semaphore, #tpu.memory_space<semaphore_mem>>)
          %dma_wait3A_71 = arith.constant 0 : i32
          %dma_wait3A_72 = tpu.memref_slice %arg8[%arg1, %scan3A_51, %dma_wait3A_71] : memref<16x132x128xf32, #tpu.memory_space<hbm>> -> memref<1x1x128xf32, #tpu.memory_space<hbm>>
          %dma_wait3A_73 = tpu.memref_squeeze %dma_wait3A_72 : memref<1x1x128xf32, #tpu.memory_space<hbm>> -> memref<128xf32, #tpu.memory_space<hbm>>
          %dma_wait3A_74 = arith.constant 0 : i32
          %dma_wait3A_75 = tpu.memref_slice %arg8[%arg1, %scan3A_51, %dma_wait3A_74] : memref<16x132x128xf32, #tpu.memory_space<hbm>> -> memref<1x1x128xf32, #tpu.memory_space<hbm>>
          %dma_wait3A_76 = tpu.memref_squeeze %dma_wait3A_75 : memref<1x1x128xf32, #tpu.memory_space<hbm>> -> memref<128xf32, #tpu.memory_space<hbm>>
          tpu.wait_dma2 semaphore(%run_scoped3A : memref<!tpu.dma_semaphore, #tpu.memory_space<semaphore_mem>>) src(%dma_wait3A_76 : memref<128xf32, #tpu.memory_space<hbm>>) dst(%arg15 : memref<128xf32, #tpu.memory_space<vmem>>)
          tpu.yield
        }) : () -> ()
        %dma_start3A = arith.constant 0 : i32
        %dma_start3A_53 = arith.constant 0 : i32
        %dma_start3A_54 = tpu.memref_slice %arg21[%dma_start3A, %dma_start3A_53] : memref<16384x32xf32, #tpu.memory_space<vmem_shared>> -> memref<16384x32xf32, #tpu.memory_space<vmem_shared>>
        tpu.enqueue_indirect_dma source(%dma_start3A_54 : memref<16384x32xf32, #tpu.memory_space<vmem_shared>>) target(%arg16 : memref<128x32xf32, #tpu.memory_space<vmem>>) offsets(%arg12 : memref<128xi32, #tpu.memory_space<vmem>>) semaphore(%arg23 : memref<!tpu.dma_semaphore, #tpu.memory_space<semaphore_mem>>)
        %dma_wait3A = arith.constant 0 : i32
        %dma_wait3A_55 = arith.constant 0 : i32
        %dma_wait3A_56 = tpu.memref_slice %arg21[%dma_wait3A, %dma_wait3A_55] : memref<16384x32xf32, #tpu.memory_space<vmem_shared>> -> memref<16384x32xf32, #tpu.memory_space<vmem_shared>>
        tpu.wait_indirect_dma semaphore(%arg23 : memref<!tpu.dma_semaphore, #tpu.memory_space<semaphore_mem>>) src(%dma_wait3A_56 : memref<16384x32xf32, #tpu.memory_space<vmem_shared>>) dst(%arg16 : memref<128x32xf32, #tpu.memory_space<vmem>>)
        %scan3A_57 = arith.constant 0 : i32
        %scan3A_58 = arith.constant 0 : i32
        %scan3A_59 = arith.constant 8 : i32
        %scan3A_60 = arith.addi %scan3A_58, %scan3A_59 : i32
        %scan3A_61 = arith.constant 1 : i32
        %scan3A_62 = scf.for %scan3A_65 = %scan3A_58 to %scan3A_60 step %scan3A_61 iter_args(%scan3A_66 = %scan3A_57) -> (i32)  : i32 {
          %mul3A_67 = arith.constant 16 : i32
          %mul3A_68 = arith.muli %scan3A_65, %mul3A_67 : i32
          %get3A = arith.index_cast %mul3A_68 : i32 to index
          %get3A_69 = tpu.vector_load %arg15[%get3A] {strides = array<i32>} : memref<128xf32, #tpu.memory_space<vmem>>, vector<16xf32>,
          %get3A_70 = vector.shape_cast %get3A_69 : vector<16xf32> to vector<16xf32>
          %mul3A_71 = arith.constant 16 : i32
          %mul3A_72 = arith.muli %scan3A_65, %mul3A_71 : i32
          %add3A_73 = arith.constant 0 : i32
          %add3A_74 = arith.addi %mul3A_72, %add3A_73 : i32
          %slice3A = vector.extract_strided_slice %get3A_70 {offsets = [0], sizes = [1], strides = [1]} : vector<16xf32> to vector<1xf32>
          %squeeze3A = vector.extract %slice3A[0] : f32 from vector<1xf32>
          %get3A_75 = arith.index_cast %add3A_74 : i32 to index
          %get3A_76 = arith.constant 0 : index
          %get3A_77 = tpu.vector_load %arg16[%get3A_75, %get3A_76] {strides = array<i32>} : memref<128x32xf32, #tpu.memory_space<vmem>>, vector<1x16xf32>,
          %get3A_78 = vector.shape_cast %get3A_77 : vector<1x16xf32> to vector<16xf32>
          %mul3A_79 = vector.broadcast %squeeze3A : f32 to vector<16xf32>
          %mul3A_80 = arith.mulf %get3A_78, %mul3A_79 : vector<16xf32>
          %swap3A = arith.index_cast %add3A_74 : i32 to index
          %swap3A_81 = arith.constant 0 : index
          %swap3A_82 = tpu.vector_load %arg16[%swap3A, %swap3A_81] {strides = array<i32>} : memref<128x32xf32, #tpu.memory_space<vmem>>, vector<1x16xf32>,
          %swap3A_83 = vector.shape_cast %swap3A_82 : vector<1x16xf32> to vector<16xf32>
          %swap3A_84 = vector.shape_cast %mul3A_80 : vector<16xf32> to vector<1x16xf32>
          tpu.vector_store %arg16[%swap3A, %swap3A_81], %swap3A_84 {strides = array<i32>} : memref<128x32xf32, #tpu.memory_space<vmem>>, vector<1x16xf32>,
          %get3A_85 = arith.index_cast %add3A_74 : i32 to index
          %get3A_86 = arith.constant 16 : index
          %get3A_87 = tpu.vector_load %arg16[%get3A_85, %get3A_86] {strides = array<i32>} : memref<128x32xf32, #tpu.memory_space<vmem>>, vector<1x16xf32>,
          %get3A_88 = vector.shape_cast %get3A_87 : vector<1x16xf32> to vector<16xf32>
          %mul3A_89 = vector.broadcast %squeeze3A : f32 to vector<16xf32>
          %mul3A_90 = arith.mulf %get3A_88, %mul3A_89 : vector<16xf32>
          %swap3A_91 = arith.index_cast %add3A_74 : i32 to index
          %swap3A_92 = arith.constant 16 : index
          %swap3A_93 = tpu.vector_load %arg16[%swap3A_91, %swap3A_92] {strides = array<i32>} : memref<128x32xf32, #tpu.memory_space<vmem>>, vector<1x16xf32>,
          %swap3A_94 = vector.shape_cast %swap3A_93 : vector<1x16xf32> to vector<16xf32>
          %swap3A_95 = vector.shape_cast %mul3A_90 : vector<16xf32> to vector<1x16xf32>
          tpu.vector_store %arg16[%swap3A_91, %swap3A_92], %swap3A_95 {strides = array<i32>} : memref<128x32xf32, #tpu.memory_space<vmem>>, vector<1x16xf32>,
          %mul3A_96 = arith.constant 16 : i32
          %mul3A_97 = arith.muli %scan3A_65, %mul3A_96 : i32
          %add3A_98 = arith.constant 1 : i32
          %add3A_99 = arith.addi %mul3A_97, %add3A_98 : i32
          %slice3A_100 = vector.extract_strided_slice %get3A_70 {offsets = [1], sizes = [1], strides = [1]} : vector<16xf32> to vector<1xf32>
          %squeeze3A_101 = vector.extract %slice3A_100[0] : f32 from vector<1xf32>
          %get3A_102 = arith.index_cast %add3A_99 : i32 to index
          %get3A_103 = arith.constant 0 : index
          %get3A_104 = tpu.vector_load %arg16[%get3A_102, %get3A_103] {strides = array<i32>} : memref<128x32xf32, #tpu.memory_space<vmem>>, vector<1x16xf32>,
          %get3A_105 = vector.shape_cast %get3A_104 : vector<1x16xf32> to vector<16xf32>
          %mul3A_106 = vector.broadcast %squeeze3A_101 : f32 to vector<16xf32>
          %mul3A_107 = arith.mulf %get3A_105, %mul3A_106 : vector<16xf32>
          %swap3A_108 = arith.index_cast %add3A_99 : i32 to index
          %swap3A_109 = arith.constant 0 : index
          %swap3A_110 = tpu.vector_load %arg16[%swap3A_108, %swap3A_109] {strides = array<i32>} : memref<128x32xf32, #tpu.memory_space<vmem>>, vector<1x16xf32>,
          %swap3A_111 = vector.shape_cast %swap3A_110 : vector<1x16xf32> to vector<16xf32>
          %swap3A_112 = vector.shape_cast %mul3A_107 : vector<16xf32> to vector<1x16xf32>
          tpu.vector_store %arg16[%swap3A_108, %swap3A_109], %swap3A_112 {strides = array<i32>} : memref<128x32xf32, #tpu.memory_space<vmem>>, vector<1x16xf32>,
          %get3A_113 = arith.index_cast %add3A_99 : i32 to index
          %get3A_114 = arith.constant 16 : index
          %get3A_115 = tpu.vector_load %arg16[%get3A_113, %get3A_114] {strides = array<i32>} : memref<128x32xf32, #tpu.memory_space<vmem>>, vector<1x16xf32>,
          %get3A_116 = vector.shape_cast %get3A_115 : vector<1x16xf32> to vector<16xf32>
          %mul3A_117 = vector.broadcast %squeeze3A_101 : f32 to vector<16xf32>
          %mul3A_118 = arith.mulf %get3A_116, %mul3A_117 : vector<16xf32>
          %swap3A_119 = arith.index_cast %add3A_99 : i32 to index
          %swap3A_120 = arith.constant 16 : index
          %swap3A_121 = tpu.vector_load %arg16[%swap3A_119, %swap3A_120] {strides = array<i32>} : memref<128x32xf32, #tpu.memory_space<vmem>>, vector<1x16xf32>,
          %swap3A_122 = vector.shape_cast %swap3A_121 : vector<1x16xf32> to vector<16xf32>
          %swap3A_123 = vector.shape_cast %mul3A_118 : vector<16xf32> to vector<1x16xf32>
          tpu.vector_store %arg16[%swap3A_119, %swap3A_120], %swap3A_123 {strides = array<i32>} : memref<128x32xf32, #tpu.memory_space<vmem>>, vector<1x16xf32>,
          %mul3A_124 = arith.constant 16 : i32
          %mul3A_125 = arith.muli %scan3A_65, %mul3A_124 : i32
          %add3A_126 = arith.constant 2 : i32
          %add3A_127 = arith.addi %mul3A_125, %add3A_126 : i32
          %slice3A_128 = vector.extract_strided_slice %get3A_70 {offsets = [2], sizes = [1], strides = [1]} : vector<16xf32> to vector<1xf32>
          %squeeze3A_129 = vector.extract %slice3A_128[0] : f32 from vector<1xf32>
          %get3A_130 = arith.index_cast %add3A_127 : i32 to index
          %get3A_131 = arith.constant 0 : index
          %get3A_132 = tpu.vector_load %arg16[%get3A_130, %get3A_131] {strides = array<i32>} : memref<128x32xf32, #tpu.memory_space<vmem>>, vector<1x16xf32>,
          %get3A_133 = vector.shape_cast %get3A_132 : vector<1x16xf32> to vector<16xf32>
          %mul3A_134 = vector.broadcast %squeeze3A_129 : f32 to vector<16xf32>
          %mul3A_135 = arith.mulf %get3A_133, %mul3A_134 : vector<16xf32>
          %swap3A_136 = arith.index_cast %add3A_127 : i32 to index
          %swap3A_137 = arith.constant 0 : index
          %swap3A_138 = tpu.vector_load %arg16[%swap3A_136, %swap3A_137] {strides = array<i32>} : memref<128x32xf32, #tpu.memory_space<vmem>>, vector<1x16xf32>,
          %swap3A_139 = vector.shape_cast %swap3A_138 : vector<1x16xf32> to vector<16xf32>
          %swap3A_140 = vector.shape_cast %mul3A_135 : vector<16xf32> to vector<1x16xf32>
          tpu.vector_store %arg16[%swap3A_136, %swap3A_137], %swap3A_140 {strides = array<i32>} : memref<128x32xf32, #tpu.memory_space<vmem>>, vector<1x16xf32>,
          %get3A_141 = arith.index_cast %add3A_127 : i32 to index
          %get3A_142 = arith.constant 16 : index
          %get3A_143 = tpu.vector_load %arg16[%get3A_141, %get3A_142] {strides = array<i32>} : memref<128x32xf32, #tpu.memory_space<vmem>>, vector<1x16xf32>,
          %get3A_144 = vector.shape_cast %get3A_143 : vector<1x16xf32> to vector<16xf32>
          %mul3A_145 = vector.broadcast %squeeze3A_129 : f32 to vector<16xf32>
          %mul3A_146 = arith.mulf %get3A_144, %mul3A_145 : vector<16xf32>
          %swap3A_147 = arith.index_cast %add3A_127 : i32 to index
          %swap3A_148 = arith.constant 16 : index
          %swap3A_149 = tpu.vector_load %arg16[%swap3A_147, %swap3A_148] {strides = array<i32>} : memref<128x32xf32, #tpu.memory_space<vmem>>, vector<1x16xf32>,
          %swap3A_150 = vector.shape_cast %swap3A_149 : vector<1x16xf32> to vector<16xf32>
          %swap3A_151 = vector.shape_cast %mul3A_146 : vector<16xf32> to vector<1x16xf32>
          tpu.vector_store %arg16[%swap3A_147, %swap3A_148], %swap3A_151 {strides = array<i32>} : memref<128x32xf32, #tpu.memory_space<vmem>>, vector<1x16xf32>,
          %mul3A_152 = arith.constant 16 : i32
          %mul3A_153 = arith.muli %scan3A_65, %mul3A_152 : i32
          %add3A_154 = arith.constant 3 : i32
          %add3A_155 = arith.addi %mul3A_153, %add3A_154 : i32
          %slice3A_156 = vector.extract_strided_slice %get3A_70 {offsets = [3], sizes = [1], strides = [1]} : vector<16xf32> to vector<1xf32>
          %squeeze3A_157 = vector.extract %slice3A_156[0] : f32 from vector<1xf32>
          %get3A_158 = arith.index_cast %add3A_155 : i32 to index
          %get3A_159 = arith.constant 0 : index
          %get3A_160 = tpu.vector_load %arg16[%get3A_158, %get3A_159] {strides = array<i32>} : memref<128x32xf32, #tpu.memory_space<vmem>>, vector<1x16xf32>,
          %get3A_161 = vector.shape_cast %get3A_160 : vector<1x16xf32> to vector<16xf32>
          %mul3A_162 = vector.broadcast %squeeze3A_157 : f32 to vector<16xf32>
          %mul3A_163 = arith.mulf %get3A_161, %mul3A_162 : vector<16xf32>
          %swap3A_164 = arith.index_cast %add3A_155 : i32 to index
          %swap3A_165 = arith.constant 0 : index
          %swap3A_166 = tpu.vector_load %arg16[%swap3A_164, %swap3A_165] {strides = array<i32>} : memref<128x32xf32, #tpu.memory_space<vmem>>, vector<1x16xf32>,
          %swap3A_167 = vector.shape_cast %swap3A_166 : vector<1x16xf32> to vector<16xf32>
          %swap3A_168 = vector.shape_cast %mul3A_163 : vector<16xf32> to vector<1x16xf32>
          tpu.vector_store %arg16[%swap3A_164, %swap3A_165], %swap3A_168 {strides = array<i32>} : memref<128x32xf32, #tpu.memory_space<vmem>>, vector<1x16xf32>,
          %get3A_169 = arith.index_cast %add3A_155 : i32 to index
          %get3A_170 = arith.constant 16 : index
          %get3A_171 = tpu.vector_load %arg16[%get3A_169, %get3A_170] {strides = array<i32>} : memref<128x32xf32, #tpu.memory_space<vmem>>, vector<1x16xf32>,
          %get3A_172 = vector.shape_cast %get3A_171 : vector<1x16xf32> to vector<16xf32>
          %mul3A_173 = vector.broadcast %squeeze3A_157 : f32 to vector<16xf32>
          %mul3A_174 = arith.mulf %get3A_172, %mul3A_173 : vector<16xf32>
          %swap3A_175 = arith.index_cast %add3A_155 : i32 to index
          %swap3A_176 = arith.constant 16 : index
          %swap3A_177 = tpu.vector_load %arg16[%swap3A_175, %swap3A_176] {strides = array<i32>} : memref<128x32xf32, #tpu.memory_space<vmem>>, vector<1x16xf32>,
          %swap3A_178 = vector.shape_cast %swap3A_177 : vector<1x16xf32> to vector<16xf32>
          %swap3A_179 = vector.shape_cast %mul3A_174 : vector<16xf32> to vector<1x16xf32>
          tpu.vector_store %arg16[%swap3A_175, %swap3A_176], %swap3A_179 {strides = array<i32>} : memref<128x32xf32, #tpu.memory_space<vmem>>, vector<1x16xf32>,
          %mul3A_180 = arith.constant 16 : i32
          %mul3A_181 = arith.muli %scan3A_65, %mul3A_180 : i32
          %add3A_182 = arith.constant 4 : i32
          %add3A_183 = arith.addi %mul3A_181, %add3A_182 : i32
          %slice3A_184 = vector.extract_strided_slice %get3A_70 {offsets = [4], sizes = [1], strides = [1]} : vector<16xf32> to vector<1xf32>
          %squeeze3A_185 = vector.extract %slice3A_184[0] : f32 from vector<1xf32>
          %get3A_186 = arith.index_cast %add3A_183 : i32 to index
          %get3A_187 = arith.constant 0 : index
          %get3A_188 = tpu.vector_load %arg16[%get3A_186, %get3A_187] {strides = array<i32>} : memref<128x32xf32, #tpu.memory_space<vmem>>, vector<1x16xf32>,
          %get3A_189 = vector.shape_cast %get3A_188 : vector<1x16xf32> to vector<16xf32>
          %mul3A_190 = vector.broadcast %squeeze3A_185 : f32 to vector<16xf32>
          %mul3A_191 = arith.mulf %get3A_189, %mul3A_190 : vector<16xf32>
          %swap3A_192 = arith.index_cast %add3A_183 : i32 to index
          %swap3A_193 = arith.constant 0 : index
          %swap3A_194 = tpu.vector_load %arg16[%swap3A_192, %swap3A_193] {strides = array<i32>} : memref<128x32xf32, #tpu.memory_space<vmem>>, vector<1x16xf32>,
          %swap3A_195 = vector.shape_cast %swap3A_194 : vector<1x16xf32> to vector<16xf32>
          %swap3A_196 = vector.shape_cast %mul3A_191 : vector<16xf32> to vector<1x16xf32>
          tpu.vector_store %arg16[%swap3A_192, %swap3A_193], %swap3A_196 {strides = array<i32>} : memref<128x32xf32, #tpu.memory_space<vmem>>, vector<1x16xf32>,
          %get3A_197 = arith.index_cast %add3A_183 : i32 to index
          %get3A_198 = arith.constant 16 : index
          %get3A_199 = tpu.vector_load %arg16[%get3A_197, %get3A_198] {strides = array<i32>} : memref<128x32xf32, #tpu.memory_space<vmem>>, vector<1x16xf32>,
          %get3A_200 = vector.shape_cast %get3A_199 : vector<1x16xf32> to vector<16xf32>
          %mul3A_201 = vector.broadcast %squeeze3A_185 : f32 to vector<16xf32>
          %mul3A_202 = arith.mulf %get3A_200, %mul3A_201 : vector<16xf32>
          %swap3A_203 = arith.index_cast %add3A_183 : i32 to index
          %swap3A_204 = arith.constant 16 : index
          %swap3A_205 = tpu.vector_load %arg16[%swap3A_203, %swap3A_204] {strides = array<i32>} : memref<128x32xf32, #tpu.memory_space<vmem>>, vector<1x16xf32>,
          %swap3A_206 = vector.shape_cast %swap3A_205 : vector<1x16xf32> to vector<16xf32>
          %swap3A_207 = vector.shape_cast %mul3A_202 : vector<16xf32> to vector<1x16xf32>
          tpu.vector_store %arg16[%swap3A_203, %swap3A_204], %swap3A_207 {strides = array<i32>} : memref<128x32xf32, #tpu.memory_space<vmem>>, vector<1x16xf32>,
          %mul3A_208 = arith.constant 16 : i32
          %mul3A_209 = arith.muli %scan3A_65, %mul3A_208 : i32
          %add3A_210 = arith.constant 5 : i32
          %add3A_211 = arith.addi %mul3A_209, %add3A_210 : i32
          %slice3A_212 = vector.extract_strided_slice %get3A_70 {offsets = [5], sizes = [1], strides = [1]} : vector<16xf32> to vector<1xf32>
          %squeeze3A_213 = vector.extract %slice3A_212[0] : f32 from vector<1xf32>
          %get3A_214 = arith.index_cast %add3A_211 : i32 to index
          %get3A_215 = arith.constant 0 : index
          %get3A_216 = tpu.vector_load %arg16[%get3A_214, %get3A_215] {strides = array<i32>} : memref<128x32xf32, #tpu.memory_space<vmem>>, vector<1x16xf32>,
          %get3A_217 = vector.shape_cast %get3A_216 : vector<1x16xf32> to vector<16xf32>
          %mul3A_218 = vector.broadcast %squeeze3A_213 : f32 to vector<16xf32>
          %mul3A_219 = arith.mulf %get3A_217, %mul3A_218 : vector<16xf32>
          %swap3A_220 = arith.index_cast %add3A_211 : i32 to index
          %swap3A_221 = arith.constant 0 : index
          %swap3A_222 = tpu.vector_load %arg16[%swap3A_220, %swap3A_221] {strides = array<i32>} : memref<128x32xf32, #tpu.memory_space<vmem>>, vector<1x16xf32>,
          %swap3A_223 = vector.shape_cast %swap3A_222 : vector<1x16xf32> to vector<16xf32>
          %swap3A_224 = vector.shape_cast %mul3A_219 : vector<16xf32> to vector<1x16xf32>
          tpu.vector_store %arg16[%swap3A_220, %swap3A_221], %swap3A_224 {strides = array<i32>} : memref<128x32xf32, #tpu.memory_space<vmem>>, vector<1x16xf32>,
          %get3A_225 = arith.index_cast %add3A_211 : i32 to index
          %get3A_226 = arith.constant 16 : index
          %get3A_227 = tpu.vector_load %arg16[%get3A_225, %get3A_226] {strides = array<i32>} : memref<128x32xf32, #tpu.memory_space<vmem>>, vector<1x16xf32>,
          %get3A_228 = vector.shape_cast %get3A_227 : vector<1x16xf32> to vector<16xf32>
          %mul3A_229 = vector.broadcast %squeeze3A_213 : f32 to vector<16xf32>
          %mul3A_230 = arith.mulf %get3A_228, %mul3A_229 : vector<16xf32>
          %swap3A_231 = arith.index_cast %add3A_211 : i32 to index
          %swap3A_232 = arith.constant 16 : index
          %swap3A_233 = tpu.vector_load %arg16[%swap3A_231, %swap3A_232] {strides = array<i32>} : memref<128x32xf32, #tpu.memory_space<vmem>>, vector<1x16xf32>,
          %swap3A_234 = vector.shape_cast %swap3A_233 : vector<1x16xf32> to vector<16xf32>
          %swap3A_235 = vector.shape_cast %mul3A_230 : vector<16xf32> to vector<1x16xf32>
          tpu.vector_store %arg16[%swap3A_231, %swap3A_232], %swap3A_235 {strides = array<i32>} : memref<128x32xf32, #tpu.memory_space<vmem>>, vector<1x16xf32>,
          %mul3A_236 = arith.constant 16 : i32
          %mul3A_237 = arith.muli %scan3A_65, %mul3A_236 : i32
          %add3A_238 = arith.constant 6 : i32
          %add3A_239 = arith.addi %mul3A_237, %add3A_238 : i32
          %slice3A_240 = vector.extract_strided_slice %get3A_70 {offsets = [6], sizes = [1], strides = [1]} : vector<16xf32> to vector<1xf32>
          %squeeze3A_241 = vector.extract %slice3A_240[0] : f32 from vector<1xf32>
          %get3A_242 = arith.index_cast %add3A_239 : i32 to index
          %get3A_243 = arith.constant 0 : index
          %get3A_244 = tpu.vector_load %arg16[%get3A_242, %get3A_243] {strides = array<i32>} : memref<128x32xf32, #tpu.memory_space<vmem>>, vector<1x16xf32>,
          %get3A_245 = vector.shape_cast %get3A_244 : vector<1x16xf32> to vector<16xf32>
          %mul3A_246 = vector.broadcast %squeeze3A_241 : f32 to vector<16xf32>
          %mul3A_247 = arith.mulf %get3A_245, %mul3A_246 : vector<16xf32>
          %swap3A_248 = arith.index_cast %add3A_239 : i32 to index
          %swap3A_249 = arith.constant 0 : index
          %swap3A_250 = tpu.vector_load %arg16[%swap3A_248, %swap3A_249] {strides = array<i32>} : memref<128x32xf32, #tpu.memory_space<vmem>>, vector<1x16xf32>,
          %swap3A_251 = vector.shape_cast %swap3A_250 : vector<1x16xf32> to vector<16xf32>
          %swap3A_252 = vector.shape_cast %mul3A_247 : vector<16xf32> to vector<1x16xf32>
          tpu.vector_store %arg16[%swap3A_248, %swap3A_249], %swap3A_252 {strides = array<i32>} : memref<128x32xf32, #tpu.memory_space<vmem>>, vector<1x16xf32>,
          %get3A_253 = arith.index_cast %add3A_239 : i32 to index
          %get3A_254 = arith.constant 16 : index
          %get3A_255 = tpu.vector_load %arg16[%get3A_253, %get3A_254] {strides = array<i32>} : memref<128x32xf32, #tpu.memory_space<vmem>>, vector<1x16xf32>,
          %get3A_256 = vector.shape_cast %get3A_255 : vector<1x16xf32> to vector<16xf32>
          %mul3A_257 = vector.broadcast %squeeze3A_241 : f32 to vector<16xf32>
          %mul3A_258 = arith.mulf %get3A_256, %mul3A_257 : vector<16xf32>
          %swap3A_259 = arith.index_cast %add3A_239 : i32 to index
          %swap3A_260 = arith.constant 16 : index
          %swap3A_261 = tpu.vector_load %arg16[%swap3A_259, %swap3A_260] {strides = array<i32>} : memref<128x32xf32, #tpu.memory_space<vmem>>, vector<1x16xf32>,
          %swap3A_262 = vector.shape_cast %swap3A_261 : vector<1x16xf32> to vector<16xf32>
          %swap3A_263 = vector.shape_cast %mul3A_258 : vector<16xf32> to vector<1x16xf32>
          tpu.vector_store %arg16[%swap3A_259, %swap3A_260], %swap3A_263 {strides = array<i32>} : memref<128x32xf32, #tpu.memory_space<vmem>>, vector<1x16xf32>,
          %mul3A_264 = arith.constant 16 : i32
          %mul3A_265 = arith.muli %scan3A_65, %mul3A_264 : i32
          %add3A_266 = arith.constant 7 : i32
          %add3A_267 = arith.addi %mul3A_265, %add3A_266 : i32
          %slice3A_268 = vector.extract_strided_slice %get3A_70 {offsets = [7], sizes = [1], strides = [1]} : vector<16xf32> to vector<1xf32>
          %squeeze3A_269 = vector.extract %slice3A_268[0] : f32 from vector<1xf32>
          %get3A_270 = arith.index_cast %add3A_267 : i32 to index
          %get3A_271 = arith.constant 0 : index
          %get3A_272 = tpu.vector_load %arg16[%get3A_270, %get3A_271] {strides = array<i32>} : memref<128x32xf32, #tpu.memory_space<vmem>>, vector<1x16xf32>,
          %get3A_273 = vector.shape_cast %get3A_272 : vector<1x16xf32> to vector<16xf32>
          %mul3A_274 = vector.broadcast %squeeze3A_269 : f32 to vector<16xf32>
          %mul3A_275 = arith.mulf %get3A_273, %mul3A_274 : vector<16xf32>
          %swap3A_276 = arith.index_cast %add3A_267 : i32 to index
          %swap3A_277 = arith.constant 0 : index
          %swap3A_278 = tpu.vector_load %arg16[%swap3A_276, %swap3A_277] {strides = array<i32>} : memref<128x32xf32, #tpu.memory_space<vmem>>, vector<1x16xf32>,
          %swap3A_279 = vector.shape_cast %swap3A_278 : vector<1x16xf32> to vector<16xf32>
          %swap3A_280 = vector.shape_cast %mul3A_275 : vector<16xf32> to vector<1x16xf32>
          tpu.vector_store %arg16[%swap3A_276, %swap3A_277], %swap3A_280 {strides = array<i32>} : memref<128x32xf32, #tpu.memory_space<vmem>>, vector<1x16xf32>,
          %get3A_281 = arith.index_cast %add3A_267 : i32 to index
          %get3A_282 = arith.constant 16 : index
          %get3A_283 = tpu.vector_load %arg16[%get3A_281, %get3A_282] {strides = array<i32>} : memref<128x32xf32, #tpu.memory_space<vmem>>, vector<1x16xf32>,
          %get3A_284 = vector.shape_cast %get3A_283 : vector<1x16xf32> to vector<16xf32>
          %mul3A_285 = vector.broadcast %squeeze3A_269 : f32 to vector<16xf32>
          %mul3A_286 = arith.mulf %get3A_284, %mul3A_285 : vector<16xf32>
          %swap3A_287 = arith.index_cast %add3A_267 : i32 to index
          %swap3A_288 = arith.constant 16 : index
          %swap3A_289 = tpu.vector_load %arg16[%swap3A_287, %swap3A_288] {strides = array<i32>} : memref<128x32xf32, #tpu.memory_space<vmem>>, vector<1x16xf32>,
          %swap3A_290 = vector.shape_cast %swap3A_289 : vector<1x16xf32> to vector<16xf32>
          %swap3A_291 = vector.shape_cast %mul3A_286 : vector<16xf32> to vector<1x16xf32>
          tpu.vector_store %arg16[%swap3A_287, %swap3A_288], %swap3A_291 {strides = array<i32>} : memref<128x32xf32, #tpu.memory_space<vmem>>, vector<1x16xf32>,
          %mul3A_292 = arith.constant 16 : i32
          %mul3A_293 = arith.muli %scan3A_65, %mul3A_292 : i32
          %add3A_294 = arith.constant 8 : i32
          %add3A_295 = arith.addi %mul3A_293, %add3A_294 : i32
          %slice3A_296 = vector.extract_strided_slice %get3A_70 {offsets = [8], sizes = [1], strides = [1]} : vector<16xf32> to vector<1xf32>
          %squeeze3A_297 = vector.extract %slice3A_296[0] : f32 from vector<1xf32>
          %get3A_298 = arith.index_cast %add3A_295 : i32 to index
          %get3A_299 = arith.constant 0 : index
          %get3A_300 = tpu.vector_load %arg16[%get3A_298, %get3A_299] {strides = array<i32>} : memref<128x32xf32, #tpu.memory_space<vmem>>, vector<1x16xf32>,
          %get3A_301 = vector.shape_cast %get3A_300 : vector<1x16xf32> to vector<16xf32>
          %mul3A_302 = vector.broadcast %squeeze3A_297 : f32 to vector<16xf32>
          %mul3A_303 = arith.mulf %get3A_301, %mul3A_302 : vector<16xf32>
          %swap3A_304 = arith.index_cast %add3A_295 : i32 to index
          %swap3A_305 = arith.constant 0 : index
          %swap3A_306 = tpu.vector_load %arg16[%swap3A_304, %swap3A_305] {strides = array<i32>} : memref<128x32xf32, #tpu.memory_space<vmem>>, vector<1x16xf32>,
          %swap3A_307 = vector.shape_cast %swap3A_306 : vector<1x16xf32> to vector<16xf32>
          %swap3A_308 = vector.shape_cast %mul3A_303 : vector<16xf32> to vector<1x16xf32>
          tpu.vector_store %arg16[%swap3A_304, %swap3A_305], %swap3A_308 {strides = array<i32>} : memref<128x32xf32, #tpu.memory_space<vmem>>, vector<1x16xf32>,
          %get3A_309 = arith.index_cast %add3A_295 : i32 to index
          %get3A_310 = arith.constant 16 : index
          %get3A_311 = tpu.vector_load %arg16[%get3A_309, %get3A_310] {strides = array<i32>} : memref<128x32xf32, #tpu.memory_space<vmem>>, vector<1x16xf32>,
          %get3A_312 = vector.shape_cast %get3A_311 : vector<1x16xf32> to vector<16xf32>
          %mul3A_313 = vector.broadcast %squeeze3A_297 : f32 to vector<16xf32>
          %mul3A_314 = arith.mulf %get3A_312, %mul3A_313 : vector<16xf32>
          %swap3A_315 = arith.index_cast %add3A_295 : i32 to index
          %swap3A_316 = arith.constant 16 : index
          %swap3A_317 = tpu.vector_load %arg16[%swap3A_315, %swap3A_316] {strides = array<i32>} : memref<128x32xf32, #tpu.memory_space<vmem>>, vector<1x16xf32>,
          %swap3A_318 = vector.shape_cast %swap3A_317 : vector<1x16xf32> to vector<16xf32>
          %swap3A_319 = vector.shape_cast %mul3A_314 : vector<16xf32> to vector<1x16xf32>
          tpu.vector_store %arg16[%swap3A_315, %swap3A_316], %swap3A_319 {strides = array<i32>} : memref<128x32xf32, #tpu.memory_space<vmem>>, vector<1x16xf32>,
          %mul3A_320 = arith.constant 16 : i32
          %mul3A_321 = arith.muli %scan3A_65, %mul3A_320 : i32
          %add3A_322 = arith.constant 9 : i32
          %add3A_323 = arith.addi %mul3A_321, %add3A_322 : i32
          %slice3A_324 = vector.extract_strided_slice %get3A_70 {offsets = [9], sizes = [1], strides = [1]} : vector<16xf32> to vector<1xf32>
          %squeeze3A_325 = vector.extract %slice3A_324[0] : f32 from vector<1xf32>
          %get3A_326 = arith.index_cast %add3A_323 : i32 to index
          %get3A_327 = arith.constant 0 : index
          %get3A_328 = tpu.vector_load %arg16[%get3A_326, %get3A_327] {strides = array<i32>} : memref<128x32xf32, #tpu.memory_space<vmem>>, vector<1x16xf32>,
          %get3A_329 = vector.shape_cast %get3A_328 : vector<1x16xf32> to vector<16xf32>
          %mul3A_330 = vector.broadcast %squeeze3A_325 : f32 to vector<16xf32>
          %mul3A_331 = arith.mulf %get3A_329, %mul3A_330 : vector<16xf32>
          %swap3A_332 = arith.index_cast %add3A_323 : i32 to index
          %swap3A_333 = arith.constant 0 : index
          %swap3A_334 = tpu.vector_load %arg16[%swap3A_332, %swap3A_333] {strides = array<i32>} : memref<128x32xf32, #tpu.memory_space<vmem>>, vector<1x16xf32>,
          %swap3A_335 = vector.shape_cast %swap3A_334 : vector<1x16xf32> to vector<16xf32>
          %swap3A_336 = vector.shape_cast %mul3A_331 : vector<16xf32> to vector<1x16xf32>
          tpu.vector_store %arg16[%swap3A_332, %swap3A_333], %swap3A_336 {strides = array<i32>} : memref<128x32xf32, #tpu.memory_space<vmem>>, vector<1x16xf32>,
          %get3A_337 = arith.index_cast %add3A_323 : i32 to index
          %get3A_338 = arith.constant 16 : index
          %get3A_339 = tpu.vector_load %arg16[%get3A_337, %get3A_338] {strides = array<i32>} : memref<128x32xf32, #tpu.memory_space<vmem>>, vector<1x16xf32>,
          %get3A_340 = vector.shape_cast %get3A_339 : vector<1x16xf32> to vector<16xf32>
          %mul3A_341 = vector.broadcast %squeeze3A_325 : f32 to vector<16xf32>
          %mul3A_342 = arith.mulf %get3A_340, %mul3A_341 : vector<16xf32>
          %swap3A_343 = arith.index_cast %add3A_323 : i32 to index
          %swap3A_344 = arith.constant 16 : index
          %swap3A_345 = tpu.vector_load %arg16[%swap3A_343, %swap3A_344] {strides = array<i32>} : memref<128x32xf32, #tpu.memory_space<vmem>>, vector<1x16xf32>,
          %swap3A_346 = vector.shape_cast %swap3A_345 : vector<1x16xf32> to vector<16xf32>
          %swap3A_347 = vector.shape_cast %mul3A_342 : vector<16xf32> to vector<1x16xf32>
          tpu.vector_store %arg16[%swap3A_343, %swap3A_344], %swap3A_347 {strides = array<i32>} : memref<128x32xf32, #tpu.memory_space<vmem>>, vector<1x16xf32>,
          %mul3A_348 = arith.constant 16 : i32
          %mul3A_349 = arith.muli %scan3A_65, %mul3A_348 : i32
          %add3A_350 = arith.constant 10 : i32
          %add3A_351 = arith.addi %mul3A_349, %add3A_350 : i32
          %slice3A_352 = vector.extract_strided_slice %get3A_70 {offsets = [10], sizes = [1], strides = [1]} : vector<16xf32> to vector<1xf32>
          %squeeze3A_353 = vector.extract %slice3A_352[0] : f32 from vector<1xf32>
          %get3A_354 = arith.index_cast %add3A_351 : i32 to index
          %get3A_355 = arith.constant 0 : index
          %get3A_356 = tpu.vector_load %arg16[%get3A_354, %get3A_355] {strides = array<i32>} : memref<128x32xf32, #tpu.memory_space<vmem>>, vector<1x16xf32>,
          %get3A_357 = vector.shape_cast %get3A_356 : vector<1x16xf32> to vector<16xf32>
          %mul3A_358 = vector.broadcast %squeeze3A_353 : f32 to vector<16xf32>
          %mul3A_359 = arith.mulf %get3A_357, %mul3A_358 : vector<16xf32>
          %swap3A_360 = arith.index_cast %add3A_351 : i32 to index
          %swap3A_361 = arith.constant 0 : index
          %swap3A_362 = tpu.vector_load %arg16[%swap3A_360, %swap3A_361] {strides = array<i32>} : memref<128x32xf32, #tpu.memory_space<vmem>>, vector<1x16xf32>,
          %swap3A_363 = vector.shape_cast %swap3A_362 : vector<1x16xf32> to vector<16xf32>
          %swap3A_364 = vector.shape_cast %mul3A_359 : vector<16xf32> to vector<1x16xf32>
          tpu.vector_store %arg16[%swap3A_360, %swap3A_361], %swap3A_364 {strides = array<i32>} : memref<128x32xf32, #tpu.memory_space<vmem>>, vector<1x16xf32>,
          %get3A_365 = arith.index_cast %add3A_351 : i32 to index
          %get3A_366 = arith.constant 16 : index
          %get3A_367 = tpu.vector_load %arg16[%get3A_365, %get3A_366] {strides = array<i32>} : memref<128x32xf32, #tpu.memory_space<vmem>>, vector<1x16xf32>,
          %get3A_368 = vector.shape_cast %get3A_367 : vector<1x16xf32> to vector<16xf32>
          %mul3A_369 = vector.broadcast %squeeze3A_353 : f32 to vector<16xf32>
          %mul3A_370 = arith.mulf %get3A_368, %mul3A_369 : vector<16xf32>
          %swap3A_371 = arith.index_cast %add3A_351 : i32 to index
          %swap3A_372 = arith.constant 16 : index
          %swap3A_373 = tpu.vector_load %arg16[%swap3A_371, %swap3A_372] {strides = array<i32>} : memref<128x32xf32, #tpu.memory_space<vmem>>, vector<1x16xf32>,
          %swap3A_374 = vector.shape_cast %swap3A_373 : vector<1x16xf32> to vector<16xf32>
          %swap3A_375 = vector.shape_cast %mul3A_370 : vector<16xf32> to vector<1x16xf32>
          tpu.vector_store %arg16[%swap3A_371, %swap3A_372], %swap3A_375 {strides = array<i32>} : memref<128x32xf32, #tpu.memory_space<vmem>>, vector<1x16xf32>,
          %mul3A_376 = arith.constant 16 : i32
          %mul3A_377 = arith.muli %scan3A_65, %mul3A_376 : i32
          %add3A_378 = arith.constant 11 : i32
          %add3A_379 = arith.addi %mul3A_377, %add3A_378 : i32
          %slice3A_380 = vector.extract_strided_slice %get3A_70 {offsets = [11], sizes = [1], strides = [1]} : vector<16xf32> to vector<1xf32>
          %squeeze3A_381 = vector.extract %slice3A_380[0] : f32 from vector<1xf32>
          %get3A_382 = arith.index_cast %add3A_379 : i32 to index
          %get3A_383 = arith.constant 0 : index
          %get3A_384 = tpu.vector_load %arg16[%get3A_382, %get3A_383] {strides = array<i32>} : memref<128x32xf32, #tpu.memory_space<vmem>>, vector<1x16xf32>,
          %get3A_385 = vector.shape_cast %get3A_384 : vector<1x16xf32> to vector<16xf32>
          %mul3A_386 = vector.broadcast %squeeze3A_381 : f32 to vector<16xf32>
          %mul3A_387 = arith.mulf %get3A_385, %mul3A_386 : vector<16xf32>
          %swap3A_388 = arith.index_cast %add3A_379 : i32 to index
          %swap3A_389 = arith.constant 0 : index
          %swap3A_390 = tpu.vector_load %arg16[%swap3A_388, %swap3A_389] {strides = array<i32>} : memref<128x32xf32, #tpu.memory_space<vmem>>, vector<1x16xf32>,
          %swap3A_391 = vector.shape_cast %swap3A_390 : vector<1x16xf32> to vector<16xf32>
          %swap3A_392 = vector.shape_cast %mul3A_387 : vector<16xf32> to vector<1x16xf32>
          tpu.vector_store %arg16[%swap3A_388, %swap3A_389], %swap3A_392 {strides = array<i32>} : memref<128x32xf32, #tpu.memory_space<vmem>>, vector<1x16xf32>,
          %get3A_393 = arith.index_cast %add3A_379 : i32 to index
          %get3A_394 = arith.constant 16 : index
          %get3A_395 = tpu.vector_load %arg16[%get3A_393, %get3A_394] {strides = array<i32>} : memref<128x32xf32, #tpu.memory_space<vmem>>, vector<1x16xf32>,
          %get3A_396 = vector.shape_cast %get3A_395 : vector<1x16xf32> to vector<16xf32>
          %mul3A_397 = vector.broadcast %squeeze3A_381 : f32 to vector<16xf32>
          %mul3A_398 = arith.mulf %get3A_396, %mul3A_397 : vector<16xf32>
          %swap3A_399 = arith.index_cast %add3A_379 : i32 to index
          %swap3A_400 = arith.constant 16 : index
          %swap3A_401 = tpu.vector_load %arg16[%swap3A_399, %swap3A_400] {strides = array<i32>} : memref<128x32xf32, #tpu.memory_space<vmem>>, vector<1x16xf32>,
          %swap3A_402 = vector.shape_cast %swap3A_401 : vector<1x16xf32> to vector<16xf32>
          %swap3A_403 = vector.shape_cast %mul3A_398 : vector<16xf32> to vector<1x16xf32>
          tpu.vector_store %arg16[%swap3A_399, %swap3A_400], %swap3A_403 {strides = array<i32>} : memref<128x32xf32, #tpu.memory_space<vmem>>, vector<1x16xf32>,
          %mul3A_404 = arith.constant 16 : i32
          %mul3A_405 = arith.muli %scan3A_65, %mul3A_404 : i32
          %add3A_406 = arith.constant 12 : i32
          %add3A_407 = arith.addi %mul3A_405, %add3A_406 : i32
          %slice3A_408 = vector.extract_strided_slice %get3A_70 {offsets = [12], sizes = [1], strides = [1]} : vector<16xf32> to vector<1xf32>
          %squeeze3A_409 = vector.extract %slice3A_408[0] : f32 from vector<1xf32>
          %get3A_410 = arith.index_cast %add3A_407 : i32 to index
          %get3A_411 = arith.constant 0 : index
          %get3A_412 = tpu.vector_load %arg16[%get3A_410, %get3A_411] {strides = array<i32>} : memref<128x32xf32, #tpu.memory_space<vmem>>, vector<1x16xf32>,
          %get3A_413 = vector.shape_cast %get3A_412 : vector<1x16xf32> to vector<16xf32>
          %mul3A_414 = vector.broadcast %squeeze3A_409 : f32 to vector<16xf32>
          %mul3A_415 = arith.mulf %get3A_413, %mul3A_414 : vector<16xf32>
          %swap3A_416 = arith.index_cast %add3A_407 : i32 to index
          %swap3A_417 = arith.constant 0 : index
          %swap3A_418 = tpu.vector_load %arg16[%swap3A_416, %swap3A_417] {strides = array<i32>} : memref<128x32xf32, #tpu.memory_space<vmem>>, vector<1x16xf32>,
          %swap3A_419 = vector.shape_cast %swap3A_418 : vector<1x16xf32> to vector<16xf32>
          %swap3A_420 = vector.shape_cast %mul3A_415 : vector<16xf32> to vector<1x16xf32>
          tpu.vector_store %arg16[%swap3A_416, %swap3A_417], %swap3A_420 {strides = array<i32>} : memref<128x32xf32, #tpu.memory_space<vmem>>, vector<1x16xf32>,
          %get3A_421 = arith.index_cast %add3A_407 : i32 to index
          %get3A_422 = arith.constant 16 : index
          %get3A_423 = tpu.vector_load %arg16[%get3A_421, %get3A_422] {strides = array<i32>} : memref<128x32xf32, #tpu.memory_space<vmem>>, vector<1x16xf32>,
          %get3A_424 = vector.shape_cast %get3A_423 : vector<1x16xf32> to vector<16xf32>
          %mul3A_425 = vector.broadcast %squeeze3A_409 : f32 to vector<16xf32>
          %mul3A_426 = arith.mulf %get3A_424, %mul3A_425 : vector<16xf32>
          %swap3A_427 = arith.index_cast %add3A_407 : i32 to index
          %swap3A_428 = arith.constant 16 : index
          %swap3A_429 = tpu.vector_load %arg16[%swap3A_427, %swap3A_428] {strides = array<i32>} : memref<128x32xf32, #tpu.memory_space<vmem>>, vector<1x16xf32>,
          %swap3A_430 = vector.shape_cast %swap3A_429 : vector<1x16xf32> to vector<16xf32>
          %swap3A_431 = vector.shape_cast %mul3A_426 : vector<16xf32> to vector<1x16xf32>
          tpu.vector_store %arg16[%swap3A_427, %swap3A_428], %swap3A_431 {strides = array<i32>} : memref<128x32xf32, #tpu.memory_space<vmem>>, vector<1x16xf32>,
          %mul3A_432 = arith.constant 16 : i32
          %mul3A_433 = arith.muli %scan3A_65, %mul3A_432 : i32
          %add3A_434 = arith.constant 13 : i32
          %add3A_435 = arith.addi %mul3A_433, %add3A_434 : i32
          %slice3A_436 = vector.extract_strided_slice %get3A_70 {offsets = [13], sizes = [1], strides = [1]} : vector<16xf32> to vector<1xf32>
          %squeeze3A_437 = vector.extract %slice3A_436[0] : f32 from vector<1xf32>
          %get3A_438 = arith.index_cast %add3A_435 : i32 to index
          %get3A_439 = arith.constant 0 : index
          %get3A_440 = tpu.vector_load %arg16[%get3A_438, %get3A_439] {strides = array<i32>} : memref<128x32xf32, #tpu.memory_space<vmem>>, vector<1x16xf32>,
          %get3A_441 = vector.shape_cast %get3A_440 : vector<1x16xf32> to vector<16xf32>
          %mul3A_442 = vector.broadcast %squeeze3A_437 : f32 to vector<16xf32>
          %mul3A_443 = arith.mulf %get3A_441, %mul3A_442 : vector<16xf32>
          %swap3A_444 = arith.index_cast %add3A_435 : i32 to index
          %swap3A_445 = arith.constant 0 : index
          %swap3A_446 = tpu.vector_load %arg16[%swap3A_444, %swap3A_445] {strides = array<i32>} : memref<128x32xf32, #tpu.memory_space<vmem>>, vector<1x16xf32>,
          %swap3A_447 = vector.shape_cast %swap3A_446 : vector<1x16xf32> to vector<16xf32>
          %swap3A_448 = vector.shape_cast %mul3A_443 : vector<16xf32> to vector<1x16xf32>
          tpu.vector_store %arg16[%swap3A_444, %swap3A_445], %swap3A_448 {strides = array<i32>} : memref<128x32xf32, #tpu.memory_space<vmem>>, vector<1x16xf32>,
          %get3A_449 = arith.index_cast %add3A_435 : i32 to index
          %get3A_450 = arith.constant 16 : index
          %get3A_451 = tpu.vector_load %arg16[%get3A_449, %get3A_450] {strides = array<i32>} : memref<128x32xf32, #tpu.memory_space<vmem>>, vector<1x16xf32>,
          %get3A_452 = vector.shape_cast %get3A_451 : vector<1x16xf32> to vector<16xf32>
          %mul3A_453 = vector.broadcast %squeeze3A_437 : f32 to vector<16xf32>
          %mul3A_454 = arith.mulf %get3A_452, %mul3A_453 : vector<16xf32>
          %swap3A_455 = arith.index_cast %add3A_435 : i32 to index
          %swap3A_456 = arith.constant 16 : index
          %swap3A_457 = tpu.vector_load %arg16[%swap3A_455, %swap3A_456] {strides = array<i32>} : memref<128x32xf32, #tpu.memory_space<vmem>>, vector<1x16xf32>,
          %swap3A_458 = vector.shape_cast %swap3A_457 : vector<1x16xf32> to vector<16xf32>
          %swap3A_459 = vector.shape_cast %mul3A_454 : vector<16xf32> to vector<1x16xf32>
          tpu.vector_store %arg16[%swap3A_455, %swap3A_456], %swap3A_459 {strides = array<i32>} : memref<128x32xf32, #tpu.memory_space<vmem>>, vector<1x16xf32>,
          %mul3A_460 = arith.constant 16 : i32
          %mul3A_461 = arith.muli %scan3A_65, %mul3A_460 : i32
          %add3A_462 = arith.constant 14 : i32
          %add3A_463 = arith.addi %mul3A_461, %add3A_462 : i32
          %slice3A_464 = vector.extract_strided_slice %get3A_70 {offsets = [14], sizes = [1], strides = [1]} : vector<16xf32> to vector<1xf32>
          %squeeze3A_465 = vector.extract %slice3A_464[0] : f32 from vector<1xf32>
          %get3A_466 = arith.index_cast %add3A_463 : i32 to index
          %get3A_467 = arith.constant 0 : index
          %get3A_468 = tpu.vector_load %arg16[%get3A_466, %get3A_467] {strides = array<i32>} : memref<128x32xf32, #tpu.memory_space<vmem>>, vector<1x16xf32>,
          %get3A_469 = vector.shape_cast %get3A_468 : vector<1x16xf32> to vector<16xf32>
          %mul3A_470 = vector.broadcast %squeeze3A_465 : f32 to vector<16xf32>
          %mul3A_471 = arith.mulf %get3A_469, %mul3A_470 : vector<16xf32>
          %swap3A_472 = arith.index_cast %add3A_463 : i32 to index
          %swap3A_473 = arith.constant 0 : index
          %swap3A_474 = tpu.vector_load %arg16[%swap3A_472, %swap3A_473] {strides = array<i32>} : memref<128x32xf32, #tpu.memory_space<vmem>>, vector<1x16xf32>,
          %swap3A_475 = vector.shape_cast %swap3A_474 : vector<1x16xf32> to vector<16xf32>
          %swap3A_476 = vector.shape_cast %mul3A_471 : vector<16xf32> to vector<1x16xf32>
          tpu.vector_store %arg16[%swap3A_472, %swap3A_473], %swap3A_476 {strides = array<i32>} : memref<128x32xf32, #tpu.memory_space<vmem>>, vector<1x16xf32>,
          %get3A_477 = arith.index_cast %add3A_463 : i32 to index
          %get3A_478 = arith.constant 16 : index
          %get3A_479 = tpu.vector_load %arg16[%get3A_477, %get3A_478] {strides = array<i32>} : memref<128x32xf32, #tpu.memory_space<vmem>>, vector<1x16xf32>,
          %get3A_480 = vector.shape_cast %get3A_479 : vector<1x16xf32> to vector<16xf32>
          %mul3A_481 = vector.broadcast %squeeze3A_465 : f32 to vector<16xf32>
          %mul3A_482 = arith.mulf %get3A_480, %mul3A_481 : vector<16xf32>
          %swap3A_483 = arith.index_cast %add3A_463 : i32 to index
          %swap3A_484 = arith.constant 16 : index
          %swap3A_485 = tpu.vector_load %arg16[%swap3A_483, %swap3A_484] {strides = array<i32>} : memref<128x32xf32, #tpu.memory_space<vmem>>, vector<1x16xf32>,
          %swap3A_486 = vector.shape_cast %swap3A_485 : vector<1x16xf32> to vector<16xf32>
          %swap3A_487 = vector.shape_cast %mul3A_482 : vector<16xf32> to vector<1x16xf32>
          tpu.vector_store %arg16[%swap3A_483, %swap3A_484], %swap3A_487 {strides = array<i32>} : memref<128x32xf32, #tpu.memory_space<vmem>>, vector<1x16xf32>,
          %mul3A_488 = arith.constant 16 : i32
          %mul3A_489 = arith.muli %scan3A_65, %mul3A_488 : i32
          %add3A_490 = arith.constant 15 : i32
          %add3A_491 = arith.addi %mul3A_489, %add3A_490 : i32
          %slice3A_492 = vector.extract_strided_slice %get3A_70 {offsets = [15], sizes = [1], strides = [1]} : vector<16xf32> to vector<1xf32>
          %squeeze3A_493 = vector.extract %slice3A_492[0] : f32 from vector<1xf32>
          %get3A_494 = arith.index_cast %add3A_491 : i32 to index
          %get3A_495 = arith.constant 0 : index
          %get3A_496 = tpu.vector_load %arg16[%get3A_494, %get3A_495] {strides = array<i32>} : memref<128x32xf32, #tpu.memory_space<vmem>>, vector<1x16xf32>,
          %get3A_497 = vector.shape_cast %get3A_496 : vector<1x16xf32> to vector<16xf32>
          %mul3A_498 = vector.broadcast %squeeze3A_493 : f32 to vector<16xf32>
          %mul3A_499 = arith.mulf %get3A_497, %mul3A_498 : vector<16xf32>
          %swap3A_500 = arith.index_cast %add3A_491 : i32 to index
          %swap3A_501 = arith.constant 0 : index
          %swap3A_502 = tpu.vector_load %arg16[%swap3A_500, %swap3A_501] {strides = array<i32>} : memref<128x32xf32, #tpu.memory_space<vmem>>, vector<1x16xf32>,
          %swap3A_503 = vector.shape_cast %swap3A_502 : vector<1x16xf32> to vector<16xf32>
          %swap3A_504 = vector.shape_cast %mul3A_499 : vector<16xf32> to vector<1x16xf32>
          tpu.vector_store %arg16[%swap3A_500, %swap3A_501], %swap3A_504 {strides = array<i32>} : memref<128x32xf32, #tpu.memory_space<vmem>>, vector<1x16xf32>,
          %get3A_505 = arith.index_cast %add3A_491 : i32 to index
          %get3A_506 = arith.constant 16 : index
          %get3A_507 = tpu.vector_load %arg16[%get3A_505, %get3A_506] {strides = array<i32>} : memref<128x32xf32, #tpu.memory_space<vmem>>, vector<1x16xf32>,
          %get3A_508 = vector.shape_cast %get3A_507 : vector<1x16xf32> to vector<16xf32>
          %mul3A_509 = vector.broadcast %squeeze3A_493 : f32 to vector<16xf32>
          %mul3A_510 = arith.mulf %get3A_508, %mul3A_509 : vector<16xf32>
          %swap3A_511 = arith.index_cast %add3A_491 : i32 to index
          %swap3A_512 = arith.constant 16 : index
          %swap3A_513 = tpu.vector_load %arg16[%swap3A_511, %swap3A_512] {strides = array<i32>} : memref<128x32xf32, #tpu.memory_space<vmem>>, vector<1x16xf32>,
          %swap3A_514 = vector.shape_cast %swap3A_513 : vector<1x16xf32> to vector<16xf32>
          %swap3A_515 = vector.shape_cast %mul3A_510 : vector<16xf32> to vector<1x16xf32>
          tpu.vector_store %arg16[%swap3A_511, %swap3A_512], %swap3A_515 {strides = array<i32>} : memref<128x32xf32, #tpu.memory_space<vmem>>, vector<1x16xf32>,
          %scan3A_516 = arith.constant 0 : i32
          scf.yield %scan3A_516 : i32
        }
        %scan3A_63 = arith.constant 8 : i32
        "tpu.region"() ({
          %run_scoped3A = tpu.sem_alloc : memref<!tpu.dma_semaphore, #tpu.memory_space<semaphore_mem>>
          %dma_start3A_65 = arith.constant 0 : i32
          %dma_start3A_66 = arith.constant 0 : i32
          %dma_start3A_67 = tpu.memref_slice %arg22[%dma_start3A_65, %dma_start3A_66] : memref<16384x32xf32, #tpu.memory_space<vmem_shared>> -> memref<16384x32xf32, #tpu.memory_space<vmem_shared>>
          tpu.enqueue_indirect_dma source(%arg16 : memref<128x32xf32, #tpu.memory_space<vmem>>) target(%dma_start3A_67 : memref<16384x32xf32, #tpu.memory_space<vmem_shared>>) offsets(%arg14 : memref<128xi32, #tpu.memory_space<vmem>>) semaphore(%run_scoped3A : memref<!tpu.dma_semaphore, #tpu.memory_space<semaphore_mem>>) {add = true}
          %dma_wait3A_68 = arith.constant 0 : i32
          %dma_wait3A_69 = arith.constant 0 : i32
          %dma_wait3A_70 = tpu.memref_slice %arg22[%dma_wait3A_68, %dma_wait3A_69] : memref<16384x32xf32, #tpu.memory_space<vmem_shared>> -> memref<16384x32xf32, #tpu.memory_space<vmem_shared>>
          tpu.wait_indirect_dma semaphore(%run_scoped3A : memref<!tpu.dma_semaphore, #tpu.memory_space<semaphore_mem>>) src(%arg16 : memref<128x32xf32, #tpu.memory_space<vmem>>) dst(%dma_wait3A_70 : memref<16384x32xf32, #tpu.memory_space<vmem_shared>>)
          tpu.yield
        }) : () -> ()
        %scan3A_64 = arith.constant 0 : i32
        scf.yield %scan3A_64 : i32
      }
      %scan3A_40 = arith.constant 132 : i32
      %barrier3A_41 = arith.constant 0 : index
      tpu.barrier barrier_id(%barrier3A_41)
      %scan3A_42 = arith.constant 0 : i32
      %scan3A_43 = arith.constant 0 : i32
      %scan3A_44 = arith.constant 8 : i32
      %scan3A_45 = arith.addi %scan3A_43, %scan3A_44 : i32
      %scan3A_46 = arith.constant 1 : i32
      %scan3A_47 = scf.for %scan3A_51 = %scan3A_43 to %scan3A_45 step %scan3A_46 iter_args(%scan3A_52 = %scan3A_42) -> (i32)  : i32 {
        %mul3A_53 = arith.constant 128 : i32
        %mul3A_54 = arith.muli %scan3A_51, %mul3A_53 : i32
        %add3A_55 = arith.addi %mul3A_0, %mul3A_54 : i32
        "tpu.region"() ({
          %run_scoped3A = tpu.sem_alloc : memref<!tpu.dma_semaphore, #tpu.memory_space<semaphore_mem>>
          %dma_start3A = arith.constant 0 : i32
          %dma_start3A_71 = tpu.memref_slice %arg22[%add3A_55, %dma_start3A] : memref<16384x32xf32, #tpu.memory_space<vmem_shared>> -> memref<128x32xf32, #tpu.memory_space<vmem_shared>>
          %dma_start3A_72 = arith.constant 0 : i32
          %dma_start3A_73 = tpu.memref_slice %arg22[%add3A_55, %dma_start3A_72] : memref<16384x32xf32, #tpu.memory_space<vmem_shared>> -> memref<128x32xf32, #tpu.memory_space<vmem_shared>>
          tpu.enqueue_dma source(%dma_start3A_73 : memref<128x32xf32, #tpu.memory_space<vmem_shared>>) target(%arg17 : memref<128x32xf32, #tpu.memory_space<vmem>>) target_semaphore(%run_scoped3A : memref<!tpu.dma_semaphore, #tpu.memory_space<semaphore_mem>>)
          %dma_wait3A = arith.constant 0 : i32
          %dma_wait3A_74 = tpu.memref_slice %arg22[%add3A_55, %dma_wait3A] : memref<16384x32xf32, #tpu.memory_space<vmem_shared>> -> memref<128x32xf32, #tpu.memory_space<vmem_shared>>
          %dma_wait3A_75 = arith.constant 0 : i32
          %dma_wait3A_76 = tpu.memref_slice %arg22[%add3A_55, %dma_wait3A_75] : memref<16384x32xf32, #tpu.memory_space<vmem_shared>> -> memref<128x32xf32, #tpu.memory_space<vmem_shared>>
          tpu.wait_dma2 semaphore(%run_scoped3A : memref<!tpu.dma_semaphore, #tpu.memory_space<semaphore_mem>>) src(%dma_wait3A_76 : memref<128x32xf32, #tpu.memory_space<vmem_shared>>) dst(%arg17 : memref<128x32xf32, #tpu.memory_space<vmem>>)
          tpu.yield
        }) : () -> ()
        "tpu.region"() ({
          %run_scoped3A = tpu.sem_alloc : memref<!tpu.dma_semaphore, #tpu.memory_space<semaphore_mem>>
          %dma_start3A = arith.constant 0 : i32
          %dma_start3A_71 = tpu.memref_slice %arg22[%add3A_55, %dma_start3A] : memref<16384x32xf32, #tpu.memory_space<vmem_shared>> -> memref<128x32xf32, #tpu.memory_space<vmem_shared>>
          %dma_start3A_72 = arith.constant 0 : i32
          %dma_start3A_73 = tpu.memref_slice %arg22[%add3A_55, %dma_start3A_72] : memref<16384x32xf32, #tpu.memory_space<vmem_shared>> -> memref<128x32xf32, #tpu.memory_space<vmem_shared>>
          tpu.enqueue_dma source(%arg18 : memref<128x32xf32, #tpu.memory_space<vmem>>) target(%dma_start3A_73 : memref<128x32xf32, #tpu.memory_space<vmem_shared>>) target_semaphore(%run_scoped3A : memref<!tpu.dma_semaphore, #tpu.memory_space<semaphore_mem>>)
          %dma_wait3A = arith.constant 0 : i32
          %dma_wait3A_74 = tpu.memref_slice %arg22[%add3A_55, %dma_wait3A] : memref<16384x32xf32, #tpu.memory_space<vmem_shared>> -> memref<128x32xf32, #tpu.memory_space<vmem_shared>>
          %dma_wait3A_75 = arith.constant 0 : i32
          %dma_wait3A_76 = tpu.memref_slice %arg22[%add3A_55, %dma_wait3A_75] : memref<16384x32xf32, #tpu.memory_space<vmem_shared>> -> memref<128x32xf32, #tpu.memory_space<vmem_shared>>
          tpu.wait_dma2 semaphore(%run_scoped3A : memref<!tpu.dma_semaphore, #tpu.memory_space<semaphore_mem>>) src(%arg18 : memref<128x32xf32, #tpu.memory_space<vmem>>) dst(%dma_wait3A_76 : memref<128x32xf32, #tpu.memory_space<vmem_shared>>)
          tpu.yield
        }) : () -> ()
        "tpu.region"() ({
          %run_scoped3A = tpu.sem_alloc : memref<!tpu.dma_semaphore, #tpu.memory_space<semaphore_mem>>
          %dma_start3A = tpu.memref_slice %arg9[%add3A_55] : memref<16384xf32, #tpu.memory_space<hbm>> -> memref<128xf32, #tpu.memory_space<hbm>>
          %dma_start3A_71 = tpu.memref_slice %arg9[%add3A_55] : memref<16384xf32, #tpu.memory_space<hbm>> -> memref<128xf32, #tpu.memory_space<hbm>>
          tpu.enqueue_dma source(%dma_start3A_71 : memref<128xf32, #tpu.memory_space<hbm>>) target(%arg19 : memref<128xf32, #tpu.memory_space<vmem>>) target_semaphore(%run_scoped3A : memref<!tpu.dma_semaphore, #tpu.memory_space<semaphore_mem>>)
          %dma_wait3A = tpu.memref_slice %arg9[%add3A_55] : memref<16384xf32, #tpu.memory_space<hbm>> -> memref<128xf32, #tpu.memory_space<hbm>>
          %dma_wait3A_72 = tpu.memref_slice %arg9[%add3A_55] : memref<16384xf32, #tpu.memory_space<hbm>> -> memref<128xf32, #tpu.memory_space<hbm>>
          tpu.wait_dma2 semaphore(%run_scoped3A : memref<!tpu.dma_semaphore, #tpu.memory_space<semaphore_mem>>) src(%dma_wait3A_72 : memref<128xf32, #tpu.memory_space<hbm>>) dst(%arg19 : memref<128xf32, #tpu.memory_space<vmem>>)
          tpu.yield
        }) : () -> ()
        "tpu.region"() ({
          %run_scoped3A = tpu.sem_alloc : memref<!tpu.dma_semaphore, #tpu.memory_space<semaphore_mem>>
          %dma_start3A = tpu.memref_slice %arg10[%add3A_55] : memref<16384xf32, #tpu.memory_space<hbm>> -> memref<128xf32, #tpu.memory_space<hbm>>
          %dma_start3A_71 = tpu.memref_slice %arg10[%add3A_55] : memref<16384xf32, #tpu.memory_space<hbm>> -> memref<128xf32, #tpu.memory_space<hbm>>
          tpu.enqueue_dma source(%dma_start3A_71 : memref<128xf32, #tpu.memory_space<hbm>>) target(%arg20 : memref<128xf32, #tpu.memory_space<vmem>>) target_semaphore(%run_scoped3A : memref<!tpu.dma_semaphore, #tpu.memory_space<semaphore_mem>>)
          %dma_wait3A = tpu.memref_slice %arg10[%add3A_55] : memref<16384xf32, #tpu.memory_space<hbm>> -> memref<128xf32, #tpu.memory_space<hbm>>
          %dma_wait3A_72 = tpu.memref_slice %arg10[%add3A_55] : memref<16384xf32, #tpu.memory_space<hbm>> -> memref<128xf32, #tpu.memory_space<hbm>>
          tpu.wait_dma2 semaphore(%run_scoped3A : memref<!tpu.dma_semaphore, #tpu.memory_space<semaphore_mem>>) src(%dma_wait3A_72 : memref<128xf32, #tpu.memory_space<hbm>>) dst(%arg20 : memref<128xf32, #tpu.memory_space<vmem>>)
          tpu.yield
        }) : () -> ()
        %scan3A_56 = arith.constant 0 : i32
        %scan3A_57 = arith.constant 0 : i32
        %scan3A_58 = arith.constant 8 : i32
        %scan3A_59 = arith.addi %scan3A_57, %scan3A_58 : i32
        %scan3A_60 = arith.constant 1 : i32
        %scan3A_61 = scf.for %scan3A_71 = %scan3A_57 to %scan3A_59 step %scan3A_60 iter_args(%scan3A_72 = %scan3A_56) -> (i32)  : i32 {
          %mul3A_73 = arith.constant 16 : i32
          %mul3A_74 = arith.muli %scan3A_71, %mul3A_73 : i32
          %get3A = arith.index_cast %mul3A_74 : i32 to index
          %get3A_75 = tpu.vector_load %arg19[%get3A] {strides = array<i32>} : memref<128xf32, #tpu.memory_space<vmem>>, vector<16xf32>,
          %get3A_76 = vector.shape_cast %get3A_75 : vector<16xf32> to vector<16xf32>
          %get3A_77 = arith.index_cast %mul3A_74 : i32 to index
          %get3A_78 = tpu.vector_load %arg20[%get3A_77] {strides = array<i32>} : memref<128xf32, #tpu.memory_space<vmem>>, vector<16xf32>,
          %get3A_79 = vector.shape_cast %get3A_78 : vector<16xf32> to vector<16xf32>
          %add3A_80 = arith.addf %get3A_76, %get3A_79 : vector<16xf32>
          %swap3A = arith.index_cast %mul3A_74 : i32 to index
          %swap3A_81 = tpu.vector_load %arg19[%swap3A] {strides = array<i32>} : memref<128xf32, #tpu.memory_space<vmem>>, vector<16xf32>,
          %swap3A_82 = vector.shape_cast %swap3A_81 : vector<16xf32> to vector<16xf32>
          %swap3A_83 = vector.shape_cast %add3A_80 : vector<16xf32> to vector<16xf32>
          tpu.vector_store %arg19[%swap3A], %swap3A_83 {strides = array<i32>} : memref<128xf32, #tpu.memory_space<vmem>>, vector<16xf32>,
          %scan3A_84 = arith.constant 0 : i32
          scf.yield %scan3A_84 : i32
        }
        %scan3A_62 = arith.constant 8 : i32
        %scan3A_63 = arith.constant 0 : i32
        %scan3A_64 = arith.constant 0 : i32
        %scan3A_65 = arith.constant 8 : i32
        %scan3A_66 = arith.addi %scan3A_64, %scan3A_65 : i32
        %scan3A_67 = arith.constant 1 : i32
        %scan3A_68 = scf.for %scan3A_71 = %scan3A_64 to %scan3A_66 step %scan3A_67 iter_args(%scan3A_72 = %scan3A_63) -> (i32)  : i32 {
          %mul3A_73 = arith.constant 16 : i32
          %mul3A_74 = arith.muli %scan3A_71, %mul3A_73 : i32
          %get3A = arith.index_cast %mul3A_74 : i32 to index
          %get3A_75 = tpu.vector_load %arg19[%get3A] {strides = array<i32>} : memref<128xf32, #tpu.memory_space<vmem>>, vector<16xf32>,
          %get3A_76 = vector.shape_cast %get3A_75 : vector<16xf32> to vector<16xf32>
          %mul3A_77 = arith.constant 16 : i32
          %mul3A_78 = arith.muli %scan3A_71, %mul3A_77 : i32
          %add3A_79 = arith.constant 0 : i32
          %add3A_80 = arith.addi %mul3A_78, %add3A_79 : i32
          %slice3A = vector.extract_strided_slice %get3A_76 {offsets = [0], sizes = [1], strides = [1]} : vector<16xf32> to vector<1xf32>
          %squeeze3A = vector.extract %slice3A[0] : f32 from vector<1xf32>
          %get3A_81 = arith.index_cast %add3A_80 : i32 to index
          %get3A_82 = arith.constant 0 : index
          %get3A_83 = tpu.vector_load %arg17[%get3A_81, %get3A_82] {strides = array<i32>} : memref<128x32xf32, #tpu.memory_space<vmem>>, vector<1x16xf32>,
          %get3A_84 = vector.shape_cast %get3A_83 : vector<1x16xf32> to vector<16xf32>
          %add3A_85 = vector.broadcast %squeeze3A : f32 to vector<16xf32>
          %add3A_86 = arith.addf %get3A_84, %add3A_85 : vector<16xf32>
          %mul3A_87 = arith.constant 2.000000e+00 : f32
          %mul3A_88 = vector.broadcast %mul3A_87 : f32 to vector<16xf32>
          %mul3A_89 = arith.mulf %add3A_86, %mul3A_88 : vector<16xf32>
          %exp3A = math.exp %mul3A_89 : vector<16xf32>
          %add3A_90 = arith.constant 1.000000e+00 : f32
          %add3A_91 = vector.broadcast %add3A_90 : f32 to vector<16xf32>
          %add3A_92 = arith.addf %exp3A, %add3A_91 : vector<16xf32>
          %div3A = arith.constant 2.000000e+00 : f32
          %div3A_93 = vector.broadcast %div3A : f32 to vector<16xf32>
          %div3A_94 = arith.divf %div3A_93, %add3A_92 : vector<16xf32>
          %sub3A = arith.constant 1.000000e+00 : f32
          %sub3A_95 = vector.broadcast %sub3A : f32 to vector<16xf32>
          %sub3A_96 = arith.subf %sub3A_95, %div3A_94 : vector<16xf32>
          %swap3A = arith.index_cast %add3A_80 : i32 to index
          %swap3A_97 = arith.constant 0 : index
          %swap3A_98 = tpu.vector_load %arg17[%swap3A, %swap3A_97] {strides = array<i32>} : memref<128x32xf32, #tpu.memory_space<vmem>>, vector<1x16xf32>,
          %swap3A_99 = vector.shape_cast %swap3A_98 : vector<1x16xf32> to vector<16xf32>
          %swap3A_100 = vector.shape_cast %sub3A_96 : vector<16xf32> to vector<1x16xf32>
          tpu.vector_store %arg17[%swap3A, %swap3A_97], %swap3A_100 {strides = array<i32>} : memref<128x32xf32, #tpu.memory_space<vmem>>, vector<1x16xf32>,
          %get3A_101 = arith.index_cast %add3A_80 : i32 to index
          %get3A_102 = arith.constant 16 : index
          %get3A_103 = tpu.vector_load %arg17[%get3A_101, %get3A_102] {strides = array<i32>} : memref<128x32xf32, #tpu.memory_space<vmem>>, vector<1x16xf32>,
          %get3A_104 = vector.shape_cast %get3A_103 : vector<1x16xf32> to vector<16xf32>
          %add3A_105 = vector.broadcast %squeeze3A : f32 to vector<16xf32>
          %add3A_106 = arith.addf %get3A_104, %add3A_105 : vector<16xf32>
          %mul3A_107 = arith.constant 2.000000e+00 : f32
          %mul3A_108 = vector.broadcast %mul3A_107 : f32 to vector<16xf32>
          %mul3A_109 = arith.mulf %add3A_106, %mul3A_108 : vector<16xf32>
          %exp3A_110 = math.exp %mul3A_109 : vector<16xf32>
          %add3A_111 = arith.constant 1.000000e+00 : f32
          %add3A_112 = vector.broadcast %add3A_111 : f32 to vector<16xf32>
          %add3A_113 = arith.addf %exp3A_110, %add3A_112 : vector<16xf32>
          %div3A_114 = arith.constant 2.000000e+00 : f32
          %div3A_115 = vector.broadcast %div3A_114 : f32 to vector<16xf32>
          %div3A_116 = arith.divf %div3A_115, %add3A_113 : vector<16xf32>
          %sub3A_117 = arith.constant 1.000000e+00 : f32
          %sub3A_118 = vector.broadcast %sub3A_117 : f32 to vector<16xf32>
          %sub3A_119 = arith.subf %sub3A_118, %div3A_116 : vector<16xf32>
          %swap3A_120 = arith.index_cast %add3A_80 : i32 to index
          %swap3A_121 = arith.constant 16 : index
          %swap3A_122 = tpu.vector_load %arg17[%swap3A_120, %swap3A_121] {strides = array<i32>} : memref<128x32xf32, #tpu.memory_space<vmem>>, vector<1x16xf32>,
          %swap3A_123 = vector.shape_cast %swap3A_122 : vector<1x16xf32> to vector<16xf32>
          %swap3A_124 = vector.shape_cast %sub3A_119 : vector<16xf32> to vector<1x16xf32>
          tpu.vector_store %arg17[%swap3A_120, %swap3A_121], %swap3A_124 {strides = array<i32>} : memref<128x32xf32, #tpu.memory_space<vmem>>, vector<1x16xf32>,
          %mul3A_125 = arith.constant 16 : i32
          %mul3A_126 = arith.muli %scan3A_71, %mul3A_125 : i32
          %add3A_127 = arith.constant 1 : i32
          %add3A_128 = arith.addi %mul3A_126, %add3A_127 : i32
          %slice3A_129 = vector.extract_strided_slice %get3A_76 {offsets = [1], sizes = [1], strides = [1]} : vector<16xf32> to vector<1xf32>
          %squeeze3A_130 = vector.extract %slice3A_129[0] : f32 from vector<1xf32>
          %get3A_131 = arith.index_cast %add3A_128 : i32 to index
          %get3A_132 = arith.constant 0 : index
          %get3A_133 = tpu.vector_load %arg17[%get3A_131, %get3A_132] {strides = array<i32>} : memref<128x32xf32, #tpu.memory_space<vmem>>, vector<1x16xf32>,
          %get3A_134 = vector.shape_cast %get3A_133 : vector<1x16xf32> to vector<16xf32>
          %add3A_135 = vector.broadcast %squeeze3A_130 : f32 to vector<16xf32>
          %add3A_136 = arith.addf %get3A_134, %add3A_135 : vector<16xf32>
          %mul3A_137 = arith.constant 2.000000e+00 : f32
          %mul3A_138 = vector.broadcast %mul3A_137 : f32 to vector<16xf32>
          %mul3A_139 = arith.mulf %add3A_136, %mul3A_138 : vector<16xf32>
          %exp3A_140 = math.exp %mul3A_139 : vector<16xf32>
          %add3A_141 = arith.constant 1.000000e+00 : f32
          %add3A_142 = vector.broadcast %add3A_141 : f32 to vector<16xf32>
          %add3A_143 = arith.addf %exp3A_140, %add3A_142 : vector<16xf32>
          %div3A_144 = arith.constant 2.000000e+00 : f32
          %div3A_145 = vector.broadcast %div3A_144 : f32 to vector<16xf32>
          %div3A_146 = arith.divf %div3A_145, %add3A_143 : vector<16xf32>
          %sub3A_147 = arith.constant 1.000000e+00 : f32
          %sub3A_148 = vector.broadcast %sub3A_147 : f32 to vector<16xf32>
          %sub3A_149 = arith.subf %sub3A_148, %div3A_146 : vector<16xf32>
          %swap3A_150 = arith.index_cast %add3A_128 : i32 to index
          %swap3A_151 = arith.constant 0 : index
          %swap3A_152 = tpu.vector_load %arg17[%swap3A_150, %swap3A_151] {strides = array<i32>} : memref<128x32xf32, #tpu.memory_space<vmem>>, vector<1x16xf32>,
          %swap3A_153 = vector.shape_cast %swap3A_152 : vector<1x16xf32> to vector<16xf32>
          %swap3A_154 = vector.shape_cast %sub3A_149 : vector<16xf32> to vector<1x16xf32>
          tpu.vector_store %arg17[%swap3A_150, %swap3A_151], %swap3A_154 {strides = array<i32>} : memref<128x32xf32, #tpu.memory_space<vmem>>, vector<1x16xf32>,
          %get3A_155 = arith.index_cast %add3A_128 : i32 to index
          %get3A_156 = arith.constant 16 : index
          %get3A_157 = tpu.vector_load %arg17[%get3A_155, %get3A_156] {strides = array<i32>} : memref<128x32xf32, #tpu.memory_space<vmem>>, vector<1x16xf32>,
          %get3A_158 = vector.shape_cast %get3A_157 : vector<1x16xf32> to vector<16xf32>
          %add3A_159 = vector.broadcast %squeeze3A_130 : f32 to vector<16xf32>
          %add3A_160 = arith.addf %get3A_158, %add3A_159 : vector<16xf32>
          %mul3A_161 = arith.constant 2.000000e+00 : f32
          %mul3A_162 = vector.broadcast %mul3A_161 : f32 to vector<16xf32>
          %mul3A_163 = arith.mulf %add3A_160, %mul3A_162 : vector<16xf32>
          %exp3A_164 = math.exp %mul3A_163 : vector<16xf32>
          %add3A_165 = arith.constant 1.000000e+00 : f32
          %add3A_166 = vector.broadcast %add3A_165 : f32 to vector<16xf32>
          %add3A_167 = arith.addf %exp3A_164, %add3A_166 : vector<16xf32>
          %div3A_168 = arith.constant 2.000000e+00 : f32
          %div3A_169 = vector.broadcast %div3A_168 : f32 to vector<16xf32>
          %div3A_170 = arith.divf %div3A_169, %add3A_167 : vector<16xf32>
          %sub3A_171 = arith.constant 1.000000e+00 : f32
          %sub3A_172 = vector.broadcast %sub3A_171 : f32 to vector<16xf32>
          %sub3A_173 = arith.subf %sub3A_172, %div3A_170 : vector<16xf32>
          %swap3A_174 = arith.index_cast %add3A_128 : i32 to index
          %swap3A_175 = arith.constant 16 : index
          %swap3A_176 = tpu.vector_load %arg17[%swap3A_174, %swap3A_175] {strides = array<i32>} : memref<128x32xf32, #tpu.memory_space<vmem>>, vector<1x16xf32>,
          %swap3A_177 = vector.shape_cast %swap3A_176 : vector<1x16xf32> to vector<16xf32>
          %swap3A_178 = vector.shape_cast %sub3A_173 : vector<16xf32> to vector<1x16xf32>
          tpu.vector_store %arg17[%swap3A_174, %swap3A_175], %swap3A_178 {strides = array<i32>} : memref<128x32xf32, #tpu.memory_space<vmem>>, vector<1x16xf32>,
          %mul3A_179 = arith.constant 16 : i32
          %mul3A_180 = arith.muli %scan3A_71, %mul3A_179 : i32
          %add3A_181 = arith.constant 2 : i32
          %add3A_182 = arith.addi %mul3A_180, %add3A_181 : i32
          %slice3A_183 = vector.extract_strided_slice %get3A_76 {offsets = [2], sizes = [1], strides = [1]} : vector<16xf32> to vector<1xf32>
          %squeeze3A_184 = vector.extract %slice3A_183[0] : f32 from vector<1xf32>
          %get3A_185 = arith.index_cast %add3A_182 : i32 to index
          %get3A_186 = arith.constant 0 : index
          %get3A_187 = tpu.vector_load %arg17[%get3A_185, %get3A_186] {strides = array<i32>} : memref<128x32xf32, #tpu.memory_space<vmem>>, vector<1x16xf32>,
          %get3A_188 = vector.shape_cast %get3A_187 : vector<1x16xf32> to vector<16xf32>
          %add3A_189 = vector.broadcast %squeeze3A_184 : f32 to vector<16xf32>
          %add3A_190 = arith.addf %get3A_188, %add3A_189 : vector<16xf32>
          %mul3A_191 = arith.constant 2.000000e+00 : f32
          %mul3A_192 = vector.broadcast %mul3A_191 : f32 to vector<16xf32>
          %mul3A_193 = arith.mulf %add3A_190, %mul3A_192 : vector<16xf32>
          %exp3A_194 = math.exp %mul3A_193 : vector<16xf32>
          %add3A_195 = arith.constant 1.000000e+00 : f32
          %add3A_196 = vector.broadcast %add3A_195 : f32 to vector<16xf32>
          %add3A_197 = arith.addf %exp3A_194, %add3A_196 : vector<16xf32>
          %div3A_198 = arith.constant 2.000000e+00 : f32
          %div3A_199 = vector.broadcast %div3A_198 : f32 to vector<16xf32>
          %div3A_200 = arith.divf %div3A_199, %add3A_197 : vector<16xf32>
          %sub3A_201 = arith.constant 1.000000e+00 : f32
          %sub3A_202 = vector.broadcast %sub3A_201 : f32 to vector<16xf32>
          %sub3A_203 = arith.subf %sub3A_202, %div3A_200 : vector<16xf32>
          %swap3A_204 = arith.index_cast %add3A_182 : i32 to index
          %swap3A_205 = arith.constant 0 : index
          %swap3A_206 = tpu.vector_load %arg17[%swap3A_204, %swap3A_205] {strides = array<i32>} : memref<128x32xf32, #tpu.memory_space<vmem>>, vector<1x16xf32>,
          %swap3A_207 = vector.shape_cast %swap3A_206 : vector<1x16xf32> to vector<16xf32>
          %swap3A_208 = vector.shape_cast %sub3A_203 : vector<16xf32> to vector<1x16xf32>
          tpu.vector_store %arg17[%swap3A_204, %swap3A_205], %swap3A_208 {strides = array<i32>} : memref<128x32xf32, #tpu.memory_space<vmem>>, vector<1x16xf32>,
          %get3A_209 = arith.index_cast %add3A_182 : i32 to index
          %get3A_210 = arith.constant 16 : index
          %get3A_211 = tpu.vector_load %arg17[%get3A_209, %get3A_210] {strides = array<i32>} : memref<128x32xf32, #tpu.memory_space<vmem>>, vector<1x16xf32>,
          %get3A_212 = vector.shape_cast %get3A_211 : vector<1x16xf32> to vector<16xf32>
          %add3A_213 = vector.broadcast %squeeze3A_184 : f32 to vector<16xf32>
          %add3A_214 = arith.addf %get3A_212, %add3A_213 : vector<16xf32>
          %mul3A_215 = arith.constant 2.000000e+00 : f32
          %mul3A_216 = vector.broadcast %mul3A_215 : f32 to vector<16xf32>
          %mul3A_217 = arith.mulf %add3A_214, %mul3A_216 : vector<16xf32>
          %exp3A_218 = math.exp %mul3A_217 : vector<16xf32>
          %add3A_219 = arith.constant 1.000000e+00 : f32
          %add3A_220 = vector.broadcast %add3A_219 : f32 to vector<16xf32>
          %add3A_221 = arith.addf %exp3A_218, %add3A_220 : vector<16xf32>
          %div3A_222 = arith.constant 2.000000e+00 : f32
          %div3A_223 = vector.broadcast %div3A_222 : f32 to vector<16xf32>
          %div3A_224 = arith.divf %div3A_223, %add3A_221 : vector<16xf32>
          %sub3A_225 = arith.constant 1.000000e+00 : f32
          %sub3A_226 = vector.broadcast %sub3A_225 : f32 to vector<16xf32>
          %sub3A_227 = arith.subf %sub3A_226, %div3A_224 : vector<16xf32>
          %swap3A_228 = arith.index_cast %add3A_182 : i32 to index
          %swap3A_229 = arith.constant 16 : index
          %swap3A_230 = tpu.vector_load %arg17[%swap3A_228, %swap3A_229] {strides = array<i32>} : memref<128x32xf32, #tpu.memory_space<vmem>>, vector<1x16xf32>,
          %swap3A_231 = vector.shape_cast %swap3A_230 : vector<1x16xf32> to vector<16xf32>
          %swap3A_232 = vector.shape_cast %sub3A_227 : vector<16xf32> to vector<1x16xf32>
          tpu.vector_store %arg17[%swap3A_228, %swap3A_229], %swap3A_232 {strides = array<i32>} : memref<128x32xf32, #tpu.memory_space<vmem>>, vector<1x16xf32>,
          %mul3A_233 = arith.constant 16 : i32
          %mul3A_234 = arith.muli %scan3A_71, %mul3A_233 : i32
          %add3A_235 = arith.constant 3 : i32
          %add3A_236 = arith.addi %mul3A_234, %add3A_235 : i32
          %slice3A_237 = vector.extract_strided_slice %get3A_76 {offsets = [3], sizes = [1], strides = [1]} : vector<16xf32> to vector<1xf32>
          %squeeze3A_238 = vector.extract %slice3A_237[0] : f32 from vector<1xf32>
          %get3A_239 = arith.index_cast %add3A_236 : i32 to index
          %get3A_240 = arith.constant 0 : index
          %get3A_241 = tpu.vector_load %arg17[%get3A_239, %get3A_240] {strides = array<i32>} : memref<128x32xf32, #tpu.memory_space<vmem>>, vector<1x16xf32>,
          %get3A_242 = vector.shape_cast %get3A_241 : vector<1x16xf32> to vector<16xf32>
          %add3A_243 = vector.broadcast %squeeze3A_238 : f32 to vector<16xf32>
          %add3A_244 = arith.addf %get3A_242, %add3A_243 : vector<16xf32>
          %mul3A_245 = arith.constant 2.000000e+00 : f32
          %mul3A_246 = vector.broadcast %mul3A_245 : f32 to vector<16xf32>
          %mul3A_247 = arith.mulf %add3A_244, %mul3A_246 : vector<16xf32>
          %exp3A_248 = math.exp %mul3A_247 : vector<16xf32>
          %add3A_249 = arith.constant 1.000000e+00 : f32
          %add3A_250 = vector.broadcast %add3A_249 : f32 to vector<16xf32>
          %add3A_251 = arith.addf %exp3A_248, %add3A_250 : vector<16xf32>
          %div3A_252 = arith.constant 2.000000e+00 : f32
          %div3A_253 = vector.broadcast %div3A_252 : f32 to vector<16xf32>
          %div3A_254 = arith.divf %div3A_253, %add3A_251 : vector<16xf32>
          %sub3A_255 = arith.constant 1.000000e+00 : f32
          %sub3A_256 = vector.broadcast %sub3A_255 : f32 to vector<16xf32>
          %sub3A_257 = arith.subf %sub3A_256, %div3A_254 : vector<16xf32>
          %swap3A_258 = arith.index_cast %add3A_236 : i32 to index
          %swap3A_259 = arith.constant 0 : index
          %swap3A_260 = tpu.vector_load %arg17[%swap3A_258, %swap3A_259] {strides = array<i32>} : memref<128x32xf32, #tpu.memory_space<vmem>>, vector<1x16xf32>,
          %swap3A_261 = vector.shape_cast %swap3A_260 : vector<1x16xf32> to vector<16xf32>
          %swap3A_262 = vector.shape_cast %sub3A_257 : vector<16xf32> to vector<1x16xf32>
          tpu.vector_store %arg17[%swap3A_258, %swap3A_259], %swap3A_262 {strides = array<i32>} : memref<128x32xf32, #tpu.memory_space<vmem>>, vector<1x16xf32>,
          %get3A_263 = arith.index_cast %add3A_236 : i32 to index
          %get3A_264 = arith.constant 16 : index
          %get3A_265 = tpu.vector_load %arg17[%get3A_263, %get3A_264] {strides = array<i32>} : memref<128x32xf32, #tpu.memory_space<vmem>>, vector<1x16xf32>,
          %get3A_266 = vector.shape_cast %get3A_265 : vector<1x16xf32> to vector<16xf32>
          %add3A_267 = vector.broadcast %squeeze3A_238 : f32 to vector<16xf32>
          %add3A_268 = arith.addf %get3A_266, %add3A_267 : vector<16xf32>
          %mul3A_269 = arith.constant 2.000000e+00 : f32
          %mul3A_270 = vector.broadcast %mul3A_269 : f32 to vector<16xf32>
          %mul3A_271 = arith.mulf %add3A_268, %mul3A_270 : vector<16xf32>
          %exp3A_272 = math.exp %mul3A_271 : vector<16xf32>
          %add3A_273 = arith.constant 1.000000e+00 : f32
          %add3A_274 = vector.broadcast %add3A_273 : f32 to vector<16xf32>
          %add3A_275 = arith.addf %exp3A_272, %add3A_274 : vector<16xf32>
          %div3A_276 = arith.constant 2.000000e+00 : f32
          %div3A_277 = vector.broadcast %div3A_276 : f32 to vector<16xf32>
          %div3A_278 = arith.divf %div3A_277, %add3A_275 : vector<16xf32>
          %sub3A_279 = arith.constant 1.000000e+00 : f32
          %sub3A_280 = vector.broadcast %sub3A_279 : f32 to vector<16xf32>
          %sub3A_281 = arith.subf %sub3A_280, %div3A_278 : vector<16xf32>
          %swap3A_282 = arith.index_cast %add3A_236 : i32 to index
          %swap3A_283 = arith.constant 16 : index
          %swap3A_284 = tpu.vector_load %arg17[%swap3A_282, %swap3A_283] {strides = array<i32>} : memref<128x32xf32, #tpu.memory_space<vmem>>, vector<1x16xf32>,
          %swap3A_285 = vector.shape_cast %swap3A_284 : vector<1x16xf32> to vector<16xf32>
          %swap3A_286 = vector.shape_cast %sub3A_281 : vector<16xf32> to vector<1x16xf32>
          tpu.vector_store %arg17[%swap3A_282, %swap3A_283], %swap3A_286 {strides = array<i32>} : memref<128x32xf32, #tpu.memory_space<vmem>>, vector<1x16xf32>,
          %mul3A_287 = arith.constant 16 : i32
          %mul3A_288 = arith.muli %scan3A_71, %mul3A_287 : i32
          %add3A_289 = arith.constant 4 : i32
          %add3A_290 = arith.addi %mul3A_288, %add3A_289 : i32
          %slice3A_291 = vector.extract_strided_slice %get3A_76 {offsets = [4], sizes = [1], strides = [1]} : vector<16xf32> to vector<1xf32>
          %squeeze3A_292 = vector.extract %slice3A_291[0] : f32 from vector<1xf32>
          %get3A_293 = arith.index_cast %add3A_290 : i32 to index
          %get3A_294 = arith.constant 0 : index
          %get3A_295 = tpu.vector_load %arg17[%get3A_293, %get3A_294] {strides = array<i32>} : memref<128x32xf32, #tpu.memory_space<vmem>>, vector<1x16xf32>,
          %get3A_296 = vector.shape_cast %get3A_295 : vector<1x16xf32> to vector<16xf32>
          %add3A_297 = vector.broadcast %squeeze3A_292 : f32 to vector<16xf32>
          %add3A_298 = arith.addf %get3A_296, %add3A_297 : vector<16xf32>
          %mul3A_299 = arith.constant 2.000000e+00 : f32
          %mul3A_300 = vector.broadcast %mul3A_299 : f32 to vector<16xf32>
          %mul3A_301 = arith.mulf %add3A_298, %mul3A_300 : vector<16xf32>
          %exp3A_302 = math.exp %mul3A_301 : vector<16xf32>
          %add3A_303 = arith.constant 1.000000e+00 : f32
          %add3A_304 = vector.broadcast %add3A_303 : f32 to vector<16xf32>
          %add3A_305 = arith.addf %exp3A_302, %add3A_304 : vector<16xf32>
          %div3A_306 = arith.constant 2.000000e+00 : f32
          %div3A_307 = vector.broadcast %div3A_306 : f32 to vector<16xf32>
          %div3A_308 = arith.divf %div3A_307, %add3A_305 : vector<16xf32>
          %sub3A_309 = arith.constant 1.000000e+00 : f32
          %sub3A_310 = vector.broadcast %sub3A_309 : f32 to vector<16xf32>
          %sub3A_311 = arith.subf %sub3A_310, %div3A_308 : vector<16xf32>
          %swap3A_312 = arith.index_cast %add3A_290 : i32 to index
          %swap3A_313 = arith.constant 0 : index
          %swap3A_314 = tpu.vector_load %arg17[%swap3A_312, %swap3A_313] {strides = array<i32>} : memref<128x32xf32, #tpu.memory_space<vmem>>, vector<1x16xf32>,
          %swap3A_315 = vector.shape_cast %swap3A_314 : vector<1x16xf32> to vector<16xf32>
          %swap3A_316 = vector.shape_cast %sub3A_311 : vector<16xf32> to vector<1x16xf32>
          tpu.vector_store %arg17[%swap3A_312, %swap3A_313], %swap3A_316 {strides = array<i32>} : memref<128x32xf32, #tpu.memory_space<vmem>>, vector<1x16xf32>,
          %get3A_317 = arith.index_cast %add3A_290 : i32 to index
          %get3A_318 = arith.constant 16 : index
          %get3A_319 = tpu.vector_load %arg17[%get3A_317, %get3A_318] {strides = array<i32>} : memref<128x32xf32, #tpu.memory_space<vmem>>, vector<1x16xf32>,
          %get3A_320 = vector.shape_cast %get3A_319 : vector<1x16xf32> to vector<16xf32>
          %add3A_321 = vector.broadcast %squeeze3A_292 : f32 to vector<16xf32>
          %add3A_322 = arith.addf %get3A_320, %add3A_321 : vector<16xf32>
          %mul3A_323 = arith.constant 2.000000e+00 : f32
          %mul3A_324 = vector.broadcast %mul3A_323 : f32 to vector<16xf32>
          %mul3A_325 = arith.mulf %add3A_322, %mul3A_324 : vector<16xf32>
          %exp3A_326 = math.exp %mul3A_325 : vector<16xf32>
          %add3A_327 = arith.constant 1.000000e+00 : f32
          %add3A_328 = vector.broadcast %add3A_327 : f32 to vector<16xf32>
          %add3A_329 = arith.addf %exp3A_326, %add3A_328 : vector<16xf32>
          %div3A_330 = arith.constant 2.000000e+00 : f32
          %div3A_331 = vector.broadcast %div3A_330 : f32 to vector<16xf32>
          %div3A_332 = arith.divf %div3A_331, %add3A_329 : vector<16xf32>
          %sub3A_333 = arith.constant 1.000000e+00 : f32
          %sub3A_334 = vector.broadcast %sub3A_333 : f32 to vector<16xf32>
          %sub3A_335 = arith.subf %sub3A_334, %div3A_332 : vector<16xf32>
          %swap3A_336 = arith.index_cast %add3A_290 : i32 to index
          %swap3A_337 = arith.constant 16 : index
          %swap3A_338 = tpu.vector_load %arg17[%swap3A_336, %swap3A_337] {strides = array<i32>} : memref<128x32xf32, #tpu.memory_space<vmem>>, vector<1x16xf32>,
          %swap3A_339 = vector.shape_cast %swap3A_338 : vector<1x16xf32> to vector<16xf32>
          %swap3A_340 = vector.shape_cast %sub3A_335 : vector<16xf32> to vector<1x16xf32>
          tpu.vector_store %arg17[%swap3A_336, %swap3A_337], %swap3A_340 {strides = array<i32>} : memref<128x32xf32, #tpu.memory_space<vmem>>, vector<1x16xf32>,
          %mul3A_341 = arith.constant 16 : i32
          %mul3A_342 = arith.muli %scan3A_71, %mul3A_341 : i32
          %add3A_343 = arith.constant 5 : i32
          %add3A_344 = arith.addi %mul3A_342, %add3A_343 : i32
          %slice3A_345 = vector.extract_strided_slice %get3A_76 {offsets = [5], sizes = [1], strides = [1]} : vector<16xf32> to vector<1xf32>
          %squeeze3A_346 = vector.extract %slice3A_345[0] : f32 from vector<1xf32>
          %get3A_347 = arith.index_cast %add3A_344 : i32 to index
          %get3A_348 = arith.constant 0 : index
          %get3A_349 = tpu.vector_load %arg17[%get3A_347, %get3A_348] {strides = array<i32>} : memref<128x32xf32, #tpu.memory_space<vmem>>, vector<1x16xf32>,
          %get3A_350 = vector.shape_cast %get3A_349 : vector<1x16xf32> to vector<16xf32>
          %add3A_351 = vector.broadcast %squeeze3A_346 : f32 to vector<16xf32>
          %add3A_352 = arith.addf %get3A_350, %add3A_351 : vector<16xf32>
          %mul3A_353 = arith.constant 2.000000e+00 : f32
          %mul3A_354 = vector.broadcast %mul3A_353 : f32 to vector<16xf32>
          %mul3A_355 = arith.mulf %add3A_352, %mul3A_354 : vector<16xf32>
          %exp3A_356 = math.exp %mul3A_355 : vector<16xf32>
          %add3A_357 = arith.constant 1.000000e+00 : f32
          %add3A_358 = vector.broadcast %add3A_357 : f32 to vector<16xf32>
          %add3A_359 = arith.addf %exp3A_356, %add3A_358 : vector<16xf32>
          %div3A_360 = arith.constant 2.000000e+00 : f32
          %div3A_361 = vector.broadcast %div3A_360 : f32 to vector<16xf32>
          %div3A_362 = arith.divf %div3A_361, %add3A_359 : vector<16xf32>
          %sub3A_363 = arith.constant 1.000000e+00 : f32
          %sub3A_364 = vector.broadcast %sub3A_363 : f32 to vector<16xf32>
          %sub3A_365 = arith.subf %sub3A_364, %div3A_362 : vector<16xf32>
          %swap3A_366 = arith.index_cast %add3A_344 : i32 to index
          %swap3A_367 = arith.constant 0 : index
          %swap3A_368 = tpu.vector_load %arg17[%swap3A_366, %swap3A_367] {strides = array<i32>} : memref<128x32xf32, #tpu.memory_space<vmem>>, vector<1x16xf32>,
          %swap3A_369 = vector.shape_cast %swap3A_368 : vector<1x16xf32> to vector<16xf32>
          %swap3A_370 = vector.shape_cast %sub3A_365 : vector<16xf32> to vector<1x16xf32>
          tpu.vector_store %arg17[%swap3A_366, %swap3A_367], %swap3A_370 {strides = array<i32>} : memref<128x32xf32, #tpu.memory_space<vmem>>, vector<1x16xf32>,
          %get3A_371 = arith.index_cast %add3A_344 : i32 to index
          %get3A_372 = arith.constant 16 : index
          %get3A_373 = tpu.vector_load %arg17[%get3A_371, %get3A_372] {strides = array<i32>} : memref<128x32xf32, #tpu.memory_space<vmem>>, vector<1x16xf32>,
          %get3A_374 = vector.shape_cast %get3A_373 : vector<1x16xf32> to vector<16xf32>
          %add3A_375 = vector.broadcast %squeeze3A_346 : f32 to vector<16xf32>
          %add3A_376 = arith.addf %get3A_374, %add3A_375 : vector<16xf32>
          %mul3A_377 = arith.constant 2.000000e+00 : f32
          %mul3A_378 = vector.broadcast %mul3A_377 : f32 to vector<16xf32>
          %mul3A_379 = arith.mulf %add3A_376, %mul3A_378 : vector<16xf32>
          %exp3A_380 = math.exp %mul3A_379 : vector<16xf32>
          %add3A_381 = arith.constant 1.000000e+00 : f32
          %add3A_382 = vector.broadcast %add3A_381 : f32 to vector<16xf32>
          %add3A_383 = arith.addf %exp3A_380, %add3A_382 : vector<16xf32>
          %div3A_384 = arith.constant 2.000000e+00 : f32
          %div3A_385 = vector.broadcast %div3A_384 : f32 to vector<16xf32>
          %div3A_386 = arith.divf %div3A_385, %add3A_383 : vector<16xf32>
          %sub3A_387 = arith.constant 1.000000e+00 : f32
          %sub3A_388 = vector.broadcast %sub3A_387 : f32 to vector<16xf32>
          %sub3A_389 = arith.subf %sub3A_388, %div3A_386 : vector<16xf32>
          %swap3A_390 = arith.index_cast %add3A_344 : i32 to index
          %swap3A_391 = arith.constant 16 : index
          %swap3A_392 = tpu.vector_load %arg17[%swap3A_390, %swap3A_391] {strides = array<i32>} : memref<128x32xf32, #tpu.memory_space<vmem>>, vector<1x16xf32>,
          %swap3A_393 = vector.shape_cast %swap3A_392 : vector<1x16xf32> to vector<16xf32>
          %swap3A_394 = vector.shape_cast %sub3A_389 : vector<16xf32> to vector<1x16xf32>
          tpu.vector_store %arg17[%swap3A_390, %swap3A_391], %swap3A_394 {strides = array<i32>} : memref<128x32xf32, #tpu.memory_space<vmem>>, vector<1x16xf32>,
          %mul3A_395 = arith.constant 16 : i32
          %mul3A_396 = arith.muli %scan3A_71, %mul3A_395 : i32
          %add3A_397 = arith.constant 6 : i32
          %add3A_398 = arith.addi %mul3A_396, %add3A_397 : i32
          %slice3A_399 = vector.extract_strided_slice %get3A_76 {offsets = [6], sizes = [1], strides = [1]} : vector<16xf32> to vector<1xf32>
          %squeeze3A_400 = vector.extract %slice3A_399[0] : f32 from vector<1xf32>
          %get3A_401 = arith.index_cast %add3A_398 : i32 to index
          %get3A_402 = arith.constant 0 : index
          %get3A_403 = tpu.vector_load %arg17[%get3A_401, %get3A_402] {strides = array<i32>} : memref<128x32xf32, #tpu.memory_space<vmem>>, vector<1x16xf32>,
          %get3A_404 = vector.shape_cast %get3A_403 : vector<1x16xf32> to vector<16xf32>
          %add3A_405 = vector.broadcast %squeeze3A_400 : f32 to vector<16xf32>
          %add3A_406 = arith.addf %get3A_404, %add3A_405 : vector<16xf32>
          %mul3A_407 = arith.constant 2.000000e+00 : f32
          %mul3A_408 = vector.broadcast %mul3A_407 : f32 to vector<16xf32>
          %mul3A_409 = arith.mulf %add3A_406, %mul3A_408 : vector<16xf32>
          %exp3A_410 = math.exp %mul3A_409 : vector<16xf32>
          %add3A_411 = arith.constant 1.000000e+00 : f32
          %add3A_412 = vector.broadcast %add3A_411 : f32 to vector<16xf32>
          %add3A_413 = arith.addf %exp3A_410, %add3A_412 : vector<16xf32>
          %div3A_414 = arith.constant 2.000000e+00 : f32
          %div3A_415 = vector.broadcast %div3A_414 : f32 to vector<16xf32>
          %div3A_416 = arith.divf %div3A_415, %add3A_413 : vector<16xf32>
          %sub3A_417 = arith.constant 1.000000e+00 : f32
          %sub3A_418 = vector.broadcast %sub3A_417 : f32 to vector<16xf32>
          %sub3A_419 = arith.subf %sub3A_418, %div3A_416 : vector<16xf32>
          %swap3A_420 = arith.index_cast %add3A_398 : i32 to index
          %swap3A_421 = arith.constant 0 : index
          %swap3A_422 = tpu.vector_load %arg17[%swap3A_420, %swap3A_421] {strides = array<i32>} : memref<128x32xf32, #tpu.memory_space<vmem>>, vector<1x16xf32>,
          %swap3A_423 = vector.shape_cast %swap3A_422 : vector<1x16xf32> to vector<16xf32>
          %swap3A_424 = vector.shape_cast %sub3A_419 : vector<16xf32> to vector<1x16xf32>
          tpu.vector_store %arg17[%swap3A_420, %swap3A_421], %swap3A_424 {strides = array<i32>} : memref<128x32xf32, #tpu.memory_space<vmem>>, vector<1x16xf32>,
          %get3A_425 = arith.index_cast %add3A_398 : i32 to index
          %get3A_426 = arith.constant 16 : index
          %get3A_427 = tpu.vector_load %arg17[%get3A_425, %get3A_426] {strides = array<i32>} : memref<128x32xf32, #tpu.memory_space<vmem>>, vector<1x16xf32>,
          %get3A_428 = vector.shape_cast %get3A_427 : vector<1x16xf32> to vector<16xf32>
          %add3A_429 = vector.broadcast %squeeze3A_400 : f32 to vector<16xf32>
          %add3A_430 = arith.addf %get3A_428, %add3A_429 : vector<16xf32>
          %mul3A_431 = arith.constant 2.000000e+00 : f32
          %mul3A_432 = vector.broadcast %mul3A_431 : f32 to vector<16xf32>
          %mul3A_433 = arith.mulf %add3A_430, %mul3A_432 : vector<16xf32>
          %exp3A_434 = math.exp %mul3A_433 : vector<16xf32>
          %add3A_435 = arith.constant 1.000000e+00 : f32
          %add3A_436 = vector.broadcast %add3A_435 : f32 to vector<16xf32>
          %add3A_437 = arith.addf %exp3A_434, %add3A_436 : vector<16xf32>
          %div3A_438 = arith.constant 2.000000e+00 : f32
          %div3A_439 = vector.broadcast %div3A_438 : f32 to vector<16xf32>
          %div3A_440 = arith.divf %div3A_439, %add3A_437 : vector<16xf32>
          %sub3A_441 = arith.constant 1.000000e+00 : f32
          %sub3A_442 = vector.broadcast %sub3A_441 : f32 to vector<16xf32>
          %sub3A_443 = arith.subf %sub3A_442, %div3A_440 : vector<16xf32>
          %swap3A_444 = arith.index_cast %add3A_398 : i32 to index
          %swap3A_445 = arith.constant 16 : index
          %swap3A_446 = tpu.vector_load %arg17[%swap3A_444, %swap3A_445] {strides = array<i32>} : memref<128x32xf32, #tpu.memory_space<vmem>>, vector<1x16xf32>,
          %swap3A_447 = vector.shape_cast %swap3A_446 : vector<1x16xf32> to vector<16xf32>
          %swap3A_448 = vector.shape_cast %sub3A_443 : vector<16xf32> to vector<1x16xf32>
          tpu.vector_store %arg17[%swap3A_444, %swap3A_445], %swap3A_448 {strides = array<i32>} : memref<128x32xf32, #tpu.memory_space<vmem>>, vector<1x16xf32>,
          %mul3A_449 = arith.constant 16 : i32
          %mul3A_450 = arith.muli %scan3A_71, %mul3A_449 : i32
          %add3A_451 = arith.constant 7 : i32
          %add3A_452 = arith.addi %mul3A_450, %add3A_451 : i32
          %slice3A_453 = vector.extract_strided_slice %get3A_76 {offsets = [7], sizes = [1], strides = [1]} : vector<16xf32> to vector<1xf32>
          %squeeze3A_454 = vector.extract %slice3A_453[0] : f32 from vector<1xf32>
          %get3A_455 = arith.index_cast %add3A_452 : i32 to index
          %get3A_456 = arith.constant 0 : index
          %get3A_457 = tpu.vector_load %arg17[%get3A_455, %get3A_456] {strides = array<i32>} : memref<128x32xf32, #tpu.memory_space<vmem>>, vector<1x16xf32>,
          %get3A_458 = vector.shape_cast %get3A_457 : vector<1x16xf32> to vector<16xf32>
          %add3A_459 = vector.broadcast %squeeze3A_454 : f32 to vector<16xf32>
          %add3A_460 = arith.addf %get3A_458, %add3A_459 : vector<16xf32>
          %mul3A_461 = arith.constant 2.000000e+00 : f32
          %mul3A_462 = vector.broadcast %mul3A_461 : f32 to vector<16xf32>
          %mul3A_463 = arith.mulf %add3A_460, %mul3A_462 : vector<16xf32>
          %exp3A_464 = math.exp %mul3A_463 : vector<16xf32>
          %add3A_465 = arith.constant 1.000000e+00 : f32
          %add3A_466 = vector.broadcast %add3A_465 : f32 to vector<16xf32>
          %add3A_467 = arith.addf %exp3A_464, %add3A_466 : vector<16xf32>
          %div3A_468 = arith.constant 2.000000e+00 : f32
          %div3A_469 = vector.broadcast %div3A_468 : f32 to vector<16xf32>
          %div3A_470 = arith.divf %div3A_469, %add3A_467 : vector<16xf32>
          %sub3A_471 = arith.constant 1.000000e+00 : f32
          %sub3A_472 = vector.broadcast %sub3A_471 : f32 to vector<16xf32>
          %sub3A_473 = arith.subf %sub3A_472, %div3A_470 : vector<16xf32>
          %swap3A_474 = arith.index_cast %add3A_452 : i32 to index
          %swap3A_475 = arith.constant 0 : index
          %swap3A_476 = tpu.vector_load %arg17[%swap3A_474, %swap3A_475] {strides = array<i32>} : memref<128x32xf32, #tpu.memory_space<vmem>>, vector<1x16xf32>,
          %swap3A_477 = vector.shape_cast %swap3A_476 : vector<1x16xf32> to vector<16xf32>
          %swap3A_478 = vector.shape_cast %sub3A_473 : vector<16xf32> to vector<1x16xf32>
          tpu.vector_store %arg17[%swap3A_474, %swap3A_475], %swap3A_478 {strides = array<i32>} : memref<128x32xf32, #tpu.memory_space<vmem>>, vector<1x16xf32>,
          %get3A_479 = arith.index_cast %add3A_452 : i32 to index
          %get3A_480 = arith.constant 16 : index
          %get3A_481 = tpu.vector_load %arg17[%get3A_479, %get3A_480] {strides = array<i32>} : memref<128x32xf32, #tpu.memory_space<vmem>>, vector<1x16xf32>,
          %get3A_482 = vector.shape_cast %get3A_481 : vector<1x16xf32> to vector<16xf32>
          %add3A_483 = vector.broadcast %squeeze3A_454 : f32 to vector<16xf32>
          %add3A_484 = arith.addf %get3A_482, %add3A_483 : vector<16xf32>
          %mul3A_485 = arith.constant 2.000000e+00 : f32
          %mul3A_486 = vector.broadcast %mul3A_485 : f32 to vector<16xf32>
          %mul3A_487 = arith.mulf %add3A_484, %mul3A_486 : vector<16xf32>
          %exp3A_488 = math.exp %mul3A_487 : vector<16xf32>
          %add3A_489 = arith.constant 1.000000e+00 : f32
          %add3A_490 = vector.broadcast %add3A_489 : f32 to vector<16xf32>
          %add3A_491 = arith.addf %exp3A_488, %add3A_490 : vector<16xf32>
          %div3A_492 = arith.constant 2.000000e+00 : f32
          %div3A_493 = vector.broadcast %div3A_492 : f32 to vector<16xf32>
          %div3A_494 = arith.divf %div3A_493, %add3A_491 : vector<16xf32>
          %sub3A_495 = arith.constant 1.000000e+00 : f32
          %sub3A_496 = vector.broadcast %sub3A_495 : f32 to vector<16xf32>
          %sub3A_497 = arith.subf %sub3A_496, %div3A_494 : vector<16xf32>
          %swap3A_498 = arith.index_cast %add3A_452 : i32 to index
          %swap3A_499 = arith.constant 16 : index
          %swap3A_500 = tpu.vector_load %arg17[%swap3A_498, %swap3A_499] {strides = array<i32>} : memref<128x32xf32, #tpu.memory_space<vmem>>, vector<1x16xf32>,
          %swap3A_501 = vector.shape_cast %swap3A_500 : vector<1x16xf32> to vector<16xf32>
          %swap3A_502 = vector.shape_cast %sub3A_497 : vector<16xf32> to vector<1x16xf32>
          tpu.vector_store %arg17[%swap3A_498, %swap3A_499], %swap3A_502 {strides = array<i32>} : memref<128x32xf32, #tpu.memory_space<vmem>>, vector<1x16xf32>,
          %mul3A_503 = arith.constant 16 : i32
          %mul3A_504 = arith.muli %scan3A_71, %mul3A_503 : i32
          %add3A_505 = arith.constant 8 : i32
          %add3A_506 = arith.addi %mul3A_504, %add3A_505 : i32
          %slice3A_507 = vector.extract_strided_slice %get3A_76 {offsets = [8], sizes = [1], strides = [1]} : vector<16xf32> to vector<1xf32>
          %squeeze3A_508 = vector.extract %slice3A_507[0] : f32 from vector<1xf32>
          %get3A_509 = arith.index_cast %add3A_506 : i32 to index
          %get3A_510 = arith.constant 0 : index
          %get3A_511 = tpu.vector_load %arg17[%get3A_509, %get3A_510] {strides = array<i32>} : memref<128x32xf32, #tpu.memory_space<vmem>>, vector<1x16xf32>,
          %get3A_512 = vector.shape_cast %get3A_511 : vector<1x16xf32> to vector<16xf32>
          %add3A_513 = vector.broadcast %squeeze3A_508 : f32 to vector<16xf32>
          %add3A_514 = arith.addf %get3A_512, %add3A_513 : vector<16xf32>
          %mul3A_515 = arith.constant 2.000000e+00 : f32
          %mul3A_516 = vector.broadcast %mul3A_515 : f32 to vector<16xf32>
          %mul3A_517 = arith.mulf %add3A_514, %mul3A_516 : vector<16xf32>
          %exp3A_518 = math.exp %mul3A_517 : vector<16xf32>
          %add3A_519 = arith.constant 1.000000e+00 : f32
          %add3A_520 = vector.broadcast %add3A_519 : f32 to vector<16xf32>
          %add3A_521 = arith.addf %exp3A_518, %add3A_520 : vector<16xf32>
          %div3A_522 = arith.constant 2.000000e+00 : f32
          %div3A_523 = vector.broadcast %div3A_522 : f32 to vector<16xf32>
          %div3A_524 = arith.divf %div3A_523, %add3A_521 : vector<16xf32>
          %sub3A_525 = arith.constant 1.000000e+00 : f32
          %sub3A_526 = vector.broadcast %sub3A_525 : f32 to vector<16xf32>
          %sub3A_527 = arith.subf %sub3A_526, %div3A_524 : vector<16xf32>
          %swap3A_528 = arith.index_cast %add3A_506 : i32 to index
          %swap3A_529 = arith.constant 0 : index
          %swap3A_530 = tpu.vector_load %arg17[%swap3A_528, %swap3A_529] {strides = array<i32>} : memref<128x32xf32, #tpu.memory_space<vmem>>, vector<1x16xf32>,
          %swap3A_531 = vector.shape_cast %swap3A_530 : vector<1x16xf32> to vector<16xf32>
          %swap3A_532 = vector.shape_cast %sub3A_527 : vector<16xf32> to vector<1x16xf32>
          tpu.vector_store %arg17[%swap3A_528, %swap3A_529], %swap3A_532 {strides = array<i32>} : memref<128x32xf32, #tpu.memory_space<vmem>>, vector<1x16xf32>,
          %get3A_533 = arith.index_cast %add3A_506 : i32 to index
          %get3A_534 = arith.constant 16 : index
          %get3A_535 = tpu.vector_load %arg17[%get3A_533, %get3A_534] {strides = array<i32>} : memref<128x32xf32, #tpu.memory_space<vmem>>, vector<1x16xf32>,
          %get3A_536 = vector.shape_cast %get3A_535 : vector<1x16xf32> to vector<16xf32>
          %add3A_537 = vector.broadcast %squeeze3A_508 : f32 to vector<16xf32>
          %add3A_538 = arith.addf %get3A_536, %add3A_537 : vector<16xf32>
          %mul3A_539 = arith.constant 2.000000e+00 : f32
          %mul3A_540 = vector.broadcast %mul3A_539 : f32 to vector<16xf32>
          %mul3A_541 = arith.mulf %add3A_538, %mul3A_540 : vector<16xf32>
          %exp3A_542 = math.exp %mul3A_541 : vector<16xf32>
          %add3A_543 = arith.constant 1.000000e+00 : f32
          %add3A_544 = vector.broadcast %add3A_543 : f32 to vector<16xf32>
          %add3A_545 = arith.addf %exp3A_542, %add3A_544 : vector<16xf32>
          %div3A_546 = arith.constant 2.000000e+00 : f32
          %div3A_547 = vector.broadcast %div3A_546 : f32 to vector<16xf32>
          %div3A_548 = arith.divf %div3A_547, %add3A_545 : vector<16xf32>
          %sub3A_549 = arith.constant 1.000000e+00 : f32
          %sub3A_550 = vector.broadcast %sub3A_549 : f32 to vector<16xf32>
          %sub3A_551 = arith.subf %sub3A_550, %div3A_548 : vector<16xf32>
          %swap3A_552 = arith.index_cast %add3A_506 : i32 to index
          %swap3A_553 = arith.constant 16 : index
          %swap3A_554 = tpu.vector_load %arg17[%swap3A_552, %swap3A_553] {strides = array<i32>} : memref<128x32xf32, #tpu.memory_space<vmem>>, vector<1x16xf32>,
          %swap3A_555 = vector.shape_cast %swap3A_554 : vector<1x16xf32> to vector<16xf32>
          %swap3A_556 = vector.shape_cast %sub3A_551 : vector<16xf32> to vector<1x16xf32>
          tpu.vector_store %arg17[%swap3A_552, %swap3A_553], %swap3A_556 {strides = array<i32>} : memref<128x32xf32, #tpu.memory_space<vmem>>, vector<1x16xf32>,
          %mul3A_557 = arith.constant 16 : i32
          %mul3A_558 = arith.muli %scan3A_71, %mul3A_557 : i32
          %add3A_559 = arith.constant 9 : i32
          %add3A_560 = arith.addi %mul3A_558, %add3A_559 : i32
          %slice3A_561 = vector.extract_strided_slice %get3A_76 {offsets = [9], sizes = [1], strides = [1]} : vector<16xf32> to vector<1xf32>
          %squeeze3A_562 = vector.extract %slice3A_561[0] : f32 from vector<1xf32>
          %get3A_563 = arith.index_cast %add3A_560 : i32 to index
          %get3A_564 = arith.constant 0 : index
          %get3A_565 = tpu.vector_load %arg17[%get3A_563, %get3A_564] {strides = array<i32>} : memref<128x32xf32, #tpu.memory_space<vmem>>, vector<1x16xf32>,
          %get3A_566 = vector.shape_cast %get3A_565 : vector<1x16xf32> to vector<16xf32>
          %add3A_567 = vector.broadcast %squeeze3A_562 : f32 to vector<16xf32>
          %add3A_568 = arith.addf %get3A_566, %add3A_567 : vector<16xf32>
          %mul3A_569 = arith.constant 2.000000e+00 : f32
          %mul3A_570 = vector.broadcast %mul3A_569 : f32 to vector<16xf32>
          %mul3A_571 = arith.mulf %add3A_568, %mul3A_570 : vector<16xf32>
          %exp3A_572 = math.exp %mul3A_571 : vector<16xf32>
          %add3A_573 = arith.constant 1.000000e+00 : f32
          %add3A_574 = vector.broadcast %add3A_573 : f32 to vector<16xf32>
          %add3A_575 = arith.addf %exp3A_572, %add3A_574 : vector<16xf32>
          %div3A_576 = arith.constant 2.000000e+00 : f32
          %div3A_577 = vector.broadcast %div3A_576 : f32 to vector<16xf32>
          %div3A_578 = arith.divf %div3A_577, %add3A_575 : vector<16xf32>
          %sub3A_579 = arith.constant 1.000000e+00 : f32
          %sub3A_580 = vector.broadcast %sub3A_579 : f32 to vector<16xf32>
          %sub3A_581 = arith.subf %sub3A_580, %div3A_578 : vector<16xf32>
          %swap3A_582 = arith.index_cast %add3A_560 : i32 to index
          %swap3A_583 = arith.constant 0 : index
          %swap3A_584 = tpu.vector_load %arg17[%swap3A_582, %swap3A_583] {strides = array<i32>} : memref<128x32xf32, #tpu.memory_space<vmem>>, vector<1x16xf32>,
          %swap3A_585 = vector.shape_cast %swap3A_584 : vector<1x16xf32> to vector<16xf32>
          %swap3A_586 = vector.shape_cast %sub3A_581 : vector<16xf32> to vector<1x16xf32>
          tpu.vector_store %arg17[%swap3A_582, %swap3A_583], %swap3A_586 {strides = array<i32>} : memref<128x32xf32, #tpu.memory_space<vmem>>, vector<1x16xf32>,
          %get3A_587 = arith.index_cast %add3A_560 : i32 to index
          %get3A_588 = arith.constant 16 : index
          %get3A_589 = tpu.vector_load %arg17[%get3A_587, %get3A_588] {strides = array<i32>} : memref<128x32xf32, #tpu.memory_space<vmem>>, vector<1x16xf32>,
          %get3A_590 = vector.shape_cast %get3A_589 : vector<1x16xf32> to vector<16xf32>
          %add3A_591 = vector.broadcast %squeeze3A_562 : f32 to vector<16xf32>
          %add3A_592 = arith.addf %get3A_590, %add3A_591 : vector<16xf32>
          %mul3A_593 = arith.constant 2.000000e+00 : f32
          %mul3A_594 = vector.broadcast %mul3A_593 : f32 to vector<16xf32>
          %mul3A_595 = arith.mulf %add3A_592, %mul3A_594 : vector<16xf32>
          %exp3A_596 = math.exp %mul3A_595 : vector<16xf32>
          %add3A_597 = arith.constant 1.000000e+00 : f32
          %add3A_598 = vector.broadcast %add3A_597 : f32 to vector<16xf32>
          %add3A_599 = arith.addf %exp3A_596, %add3A_598 : vector<16xf32>
          %div3A_600 = arith.constant 2.000000e+00 : f32
          %div3A_601 = vector.broadcast %div3A_600 : f32 to vector<16xf32>
          %div3A_602 = arith.divf %div3A_601, %add3A_599 : vector<16xf32>
          %sub3A_603 = arith.constant 1.000000e+00 : f32
          %sub3A_604 = vector.broadcast %sub3A_603 : f32 to vector<16xf32>
          %sub3A_605 = arith.subf %sub3A_604, %div3A_602 : vector<16xf32>
          %swap3A_606 = arith.index_cast %add3A_560 : i32 to index
          %swap3A_607 = arith.constant 16 : index
          %swap3A_608 = tpu.vector_load %arg17[%swap3A_606, %swap3A_607] {strides = array<i32>} : memref<128x32xf32, #tpu.memory_space<vmem>>, vector<1x16xf32>,
          %swap3A_609 = vector.shape_cast %swap3A_608 : vector<1x16xf32> to vector<16xf32>
          %swap3A_610 = vector.shape_cast %sub3A_605 : vector<16xf32> to vector<1x16xf32>
          tpu.vector_store %arg17[%swap3A_606, %swap3A_607], %swap3A_610 {strides = array<i32>} : memref<128x32xf32, #tpu.memory_space<vmem>>, vector<1x16xf32>,
          %mul3A_611 = arith.constant 16 : i32
          %mul3A_612 = arith.muli %scan3A_71, %mul3A_611 : i32
          %add3A_613 = arith.constant 10 : i32
          %add3A_614 = arith.addi %mul3A_612, %add3A_613 : i32
          %slice3A_615 = vector.extract_strided_slice %get3A_76 {offsets = [10], sizes = [1], strides = [1]} : vector<16xf32> to vector<1xf32>
          %squeeze3A_616 = vector.extract %slice3A_615[0] : f32 from vector<1xf32>
          %get3A_617 = arith.index_cast %add3A_614 : i32 to index
          %get3A_618 = arith.constant 0 : index
          %get3A_619 = tpu.vector_load %arg17[%get3A_617, %get3A_618] {strides = array<i32>} : memref<128x32xf32, #tpu.memory_space<vmem>>, vector<1x16xf32>,
          %get3A_620 = vector.shape_cast %get3A_619 : vector<1x16xf32> to vector<16xf32>
          %add3A_621 = vector.broadcast %squeeze3A_616 : f32 to vector<16xf32>
          %add3A_622 = arith.addf %get3A_620, %add3A_621 : vector<16xf32>
          %mul3A_623 = arith.constant 2.000000e+00 : f32
          %mul3A_624 = vector.broadcast %mul3A_623 : f32 to vector<16xf32>
          %mul3A_625 = arith.mulf %add3A_622, %mul3A_624 : vector<16xf32>
          %exp3A_626 = math.exp %mul3A_625 : vector<16xf32>
          %add3A_627 = arith.constant 1.000000e+00 : f32
          %add3A_628 = vector.broadcast %add3A_627 : f32 to vector<16xf32>
          %add3A_629 = arith.addf %exp3A_626, %add3A_628 : vector<16xf32>
          %div3A_630 = arith.constant 2.000000e+00 : f32
          %div3A_631 = vector.broadcast %div3A_630 : f32 to vector<16xf32>
          %div3A_632 = arith.divf %div3A_631, %add3A_629 : vector<16xf32>
          %sub3A_633 = arith.constant 1.000000e+00 : f32
          %sub3A_634 = vector.broadcast %sub3A_633 : f32 to vector<16xf32>
          %sub3A_635 = arith.subf %sub3A_634, %div3A_632 : vector<16xf32>
          %swap3A_636 = arith.index_cast %add3A_614 : i32 to index
          %swap3A_637 = arith.constant 0 : index
          %swap3A_638 = tpu.vector_load %arg17[%swap3A_636, %swap3A_637] {strides = array<i32>} : memref<128x32xf32, #tpu.memory_space<vmem>>, vector<1x16xf32>,
          %swap3A_639 = vector.shape_cast %swap3A_638 : vector<1x16xf32> to vector<16xf32>
          %swap3A_640 = vector.shape_cast %sub3A_635 : vector<16xf32> to vector<1x16xf32>
          tpu.vector_store %arg17[%swap3A_636, %swap3A_637], %swap3A_640 {strides = array<i32>} : memref<128x32xf32, #tpu.memory_space<vmem>>, vector<1x16xf32>,
          %get3A_641 = arith.index_cast %add3A_614 : i32 to index
          %get3A_642 = arith.constant 16 : index
          %get3A_643 = tpu.vector_load %arg17[%get3A_641, %get3A_642] {strides = array<i32>} : memref<128x32xf32, #tpu.memory_space<vmem>>, vector<1x16xf32>,
          %get3A_644 = vector.shape_cast %get3A_643 : vector<1x16xf32> to vector<16xf32>
          %add3A_645 = vector.broadcast %squeeze3A_616 : f32 to vector<16xf32>
          %add3A_646 = arith.addf %get3A_644, %add3A_645 : vector<16xf32>
          %mul3A_647 = arith.constant 2.000000e+00 : f32
          %mul3A_648 = vector.broadcast %mul3A_647 : f32 to vector<16xf32>
          %mul3A_649 = arith.mulf %add3A_646, %mul3A_648 : vector<16xf32>
          %exp3A_650 = math.exp %mul3A_649 : vector<16xf32>
          %add3A_651 = arith.constant 1.000000e+00 : f32
          %add3A_652 = vector.broadcast %add3A_651 : f32 to vector<16xf32>
          %add3A_653 = arith.addf %exp3A_650, %add3A_652 : vector<16xf32>
          %div3A_654 = arith.constant 2.000000e+00 : f32
          %div3A_655 = vector.broadcast %div3A_654 : f32 to vector<16xf32>
          %div3A_656 = arith.divf %div3A_655, %add3A_653 : vector<16xf32>
          %sub3A_657 = arith.constant 1.000000e+00 : f32
          %sub3A_658 = vector.broadcast %sub3A_657 : f32 to vector<16xf32>
          %sub3A_659 = arith.subf %sub3A_658, %div3A_656 : vector<16xf32>
          %swap3A_660 = arith.index_cast %add3A_614 : i32 to index
          %swap3A_661 = arith.constant 16 : index
          %swap3A_662 = tpu.vector_load %arg17[%swap3A_660, %swap3A_661] {strides = array<i32>} : memref<128x32xf32, #tpu.memory_space<vmem>>, vector<1x16xf32>,
          %swap3A_663 = vector.shape_cast %swap3A_662 : vector<1x16xf32> to vector<16xf32>
          %swap3A_664 = vector.shape_cast %sub3A_659 : vector<16xf32> to vector<1x16xf32>
          tpu.vector_store %arg17[%swap3A_660, %swap3A_661], %swap3A_664 {strides = array<i32>} : memref<128x32xf32, #tpu.memory_space<vmem>>, vector<1x16xf32>,
          %mul3A_665 = arith.constant 16 : i32
          %mul3A_666 = arith.muli %scan3A_71, %mul3A_665 : i32
          %add3A_667 = arith.constant 11 : i32
          %add3A_668 = arith.addi %mul3A_666, %add3A_667 : i32
          %slice3A_669 = vector.extract_strided_slice %get3A_76 {offsets = [11], sizes = [1], strides = [1]} : vector<16xf32> to vector<1xf32>
          %squeeze3A_670 = vector.extract %slice3A_669[0] : f32 from vector<1xf32>
          %get3A_671 = arith.index_cast %add3A_668 : i32 to index
          %get3A_672 = arith.constant 0 : index
          %get3A_673 = tpu.vector_load %arg17[%get3A_671, %get3A_672] {strides = array<i32>} : memref<128x32xf32, #tpu.memory_space<vmem>>, vector<1x16xf32>,
          %get3A_674 = vector.shape_cast %get3A_673 : vector<1x16xf32> to vector<16xf32>
          %add3A_675 = vector.broadcast %squeeze3A_670 : f32 to vector<16xf32>
          %add3A_676 = arith.addf %get3A_674, %add3A_675 : vector<16xf32>
          %mul3A_677 = arith.constant 2.000000e+00 : f32
          %mul3A_678 = vector.broadcast %mul3A_677 : f32 to vector<16xf32>
          %mul3A_679 = arith.mulf %add3A_676, %mul3A_678 : vector<16xf32>
          %exp3A_680 = math.exp %mul3A_679 : vector<16xf32>
          %add3A_681 = arith.constant 1.000000e+00 : f32
          %add3A_682 = vector.broadcast %add3A_681 : f32 to vector<16xf32>
          %add3A_683 = arith.addf %exp3A_680, %add3A_682 : vector<16xf32>
          %div3A_684 = arith.constant 2.000000e+00 : f32
          %div3A_685 = vector.broadcast %div3A_684 : f32 to vector<16xf32>
          %div3A_686 = arith.divf %div3A_685, %add3A_683 : vector<16xf32>
          %sub3A_687 = arith.constant 1.000000e+00 : f32
          %sub3A_688 = vector.broadcast %sub3A_687 : f32 to vector<16xf32>
          %sub3A_689 = arith.subf %sub3A_688, %div3A_686 : vector<16xf32>
          %swap3A_690 = arith.index_cast %add3A_668 : i32 to index
          %swap3A_691 = arith.constant 0 : index
          %swap3A_692 = tpu.vector_load %arg17[%swap3A_690, %swap3A_691] {strides = array<i32>} : memref<128x32xf32, #tpu.memory_space<vmem>>, vector<1x16xf32>,
          %swap3A_693 = vector.shape_cast %swap3A_692 : vector<1x16xf32> to vector<16xf32>
          %swap3A_694 = vector.shape_cast %sub3A_689 : vector<16xf32> to vector<1x16xf32>
          tpu.vector_store %arg17[%swap3A_690, %swap3A_691], %swap3A_694 {strides = array<i32>} : memref<128x32xf32, #tpu.memory_space<vmem>>, vector<1x16xf32>,
          %get3A_695 = arith.index_cast %add3A_668 : i32 to index
          %get3A_696 = arith.constant 16 : index
          %get3A_697 = tpu.vector_load %arg17[%get3A_695, %get3A_696] {strides = array<i32>} : memref<128x32xf32, #tpu.memory_space<vmem>>, vector<1x16xf32>,
          %get3A_698 = vector.shape_cast %get3A_697 : vector<1x16xf32> to vector<16xf32>
          %add3A_699 = vector.broadcast %squeeze3A_670 : f32 to vector<16xf32>
          %add3A_700 = arith.addf %get3A_698, %add3A_699 : vector<16xf32>
          %mul3A_701 = arith.constant 2.000000e+00 : f32
          %mul3A_702 = vector.broadcast %mul3A_701 : f32 to vector<16xf32>
          %mul3A_703 = arith.mulf %add3A_700, %mul3A_702 : vector<16xf32>
          %exp3A_704 = math.exp %mul3A_703 : vector<16xf32>
          %add3A_705 = arith.constant 1.000000e+00 : f32
          %add3A_706 = vector.broadcast %add3A_705 : f32 to vector<16xf32>
          %add3A_707 = arith.addf %exp3A_704, %add3A_706 : vector<16xf32>
          %div3A_708 = arith.constant 2.000000e+00 : f32
          %div3A_709 = vector.broadcast %div3A_708 : f32 to vector<16xf32>
          %div3A_710 = arith.divf %div3A_709, %add3A_707 : vector<16xf32>
          %sub3A_711 = arith.constant 1.000000e+00 : f32
          %sub3A_712 = vector.broadcast %sub3A_711 : f32 to vector<16xf32>
          %sub3A_713 = arith.subf %sub3A_712, %div3A_710 : vector<16xf32>
          %swap3A_714 = arith.index_cast %add3A_668 : i32 to index
          %swap3A_715 = arith.constant 16 : index
          %swap3A_716 = tpu.vector_load %arg17[%swap3A_714, %swap3A_715] {strides = array<i32>} : memref<128x32xf32, #tpu.memory_space<vmem>>, vector<1x16xf32>,
          %swap3A_717 = vector.shape_cast %swap3A_716 : vector<1x16xf32> to vector<16xf32>
          %swap3A_718 = vector.shape_cast %sub3A_713 : vector<16xf32> to vector<1x16xf32>
          tpu.vector_store %arg17[%swap3A_714, %swap3A_715], %swap3A_718 {strides = array<i32>} : memref<128x32xf32, #tpu.memory_space<vmem>>, vector<1x16xf32>,
          %mul3A_719 = arith.constant 16 : i32
          %mul3A_720 = arith.muli %scan3A_71, %mul3A_719 : i32
          %add3A_721 = arith.constant 12 : i32
          %add3A_722 = arith.addi %mul3A_720, %add3A_721 : i32
          %slice3A_723 = vector.extract_strided_slice %get3A_76 {offsets = [12], sizes = [1], strides = [1]} : vector<16xf32> to vector<1xf32>
          %squeeze3A_724 = vector.extract %slice3A_723[0] : f32 from vector<1xf32>
          %get3A_725 = arith.index_cast %add3A_722 : i32 to index
          %get3A_726 = arith.constant 0 : index
          %get3A_727 = tpu.vector_load %arg17[%get3A_725, %get3A_726] {strides = array<i32>} : memref<128x32xf32, #tpu.memory_space<vmem>>, vector<1x16xf32>,
          %get3A_728 = vector.shape_cast %get3A_727 : vector<1x16xf32> to vector<16xf32>
          %add3A_729 = vector.broadcast %squeeze3A_724 : f32 to vector<16xf32>
          %add3A_730 = arith.addf %get3A_728, %add3A_729 : vector<16xf32>
          %mul3A_731 = arith.constant 2.000000e+00 : f32
          %mul3A_732 = vector.broadcast %mul3A_731 : f32 to vector<16xf32>
          %mul3A_733 = arith.mulf %add3A_730, %mul3A_732 : vector<16xf32>
          %exp3A_734 = math.exp %mul3A_733 : vector<16xf32>
          %add3A_735 = arith.constant 1.000000e+00 : f32
          %add3A_736 = vector.broadcast %add3A_735 : f32 to vector<16xf32>
          %add3A_737 = arith.addf %exp3A_734, %add3A_736 : vector<16xf32>
          %div3A_738 = arith.constant 2.000000e+00 : f32
          %div3A_739 = vector.broadcast %div3A_738 : f32 to vector<16xf32>
          %div3A_740 = arith.divf %div3A_739, %add3A_737 : vector<16xf32>
          %sub3A_741 = arith.constant 1.000000e+00 : f32
          %sub3A_742 = vector.broadcast %sub3A_741 : f32 to vector<16xf32>
          %sub3A_743 = arith.subf %sub3A_742, %div3A_740 : vector<16xf32>
          %swap3A_744 = arith.index_cast %add3A_722 : i32 to index
          %swap3A_745 = arith.constant 0 : index
          %swap3A_746 = tpu.vector_load %arg17[%swap3A_744, %swap3A_745] {strides = array<i32>} : memref<128x32xf32, #tpu.memory_space<vmem>>, vector<1x16xf32>,
          %swap3A_747 = vector.shape_cast %swap3A_746 : vector<1x16xf32> to vector<16xf32>
          %swap3A_748 = vector.shape_cast %sub3A_743 : vector<16xf32> to vector<1x16xf32>
          tpu.vector_store %arg17[%swap3A_744, %swap3A_745], %swap3A_748 {strides = array<i32>} : memref<128x32xf32, #tpu.memory_space<vmem>>, vector<1x16xf32>,
          %get3A_749 = arith.index_cast %add3A_722 : i32 to index
          %get3A_750 = arith.constant 16 : index
          %get3A_751 = tpu.vector_load %arg17[%get3A_749, %get3A_750] {strides = array<i32>} : memref<128x32xf32, #tpu.memory_space<vmem>>, vector<1x16xf32>,
          %get3A_752 = vector.shape_cast %get3A_751 : vector<1x16xf32> to vector<16xf32>
          %add3A_753 = vector.broadcast %squeeze3A_724 : f32 to vector<16xf32>
          %add3A_754 = arith.addf %get3A_752, %add3A_753 : vector<16xf32>
          %mul3A_755 = arith.constant 2.000000e+00 : f32
          %mul3A_756 = vector.broadcast %mul3A_755 : f32 to vector<16xf32>
          %mul3A_757 = arith.mulf %add3A_754, %mul3A_756 : vector<16xf32>
          %exp3A_758 = math.exp %mul3A_757 : vector<16xf32>
          %add3A_759 = arith.constant 1.000000e+00 : f32
          %add3A_760 = vector.broadcast %add3A_759 : f32 to vector<16xf32>
          %add3A_761 = arith.addf %exp3A_758, %add3A_760 : vector<16xf32>
          %div3A_762 = arith.constant 2.000000e+00 : f32
          %div3A_763 = vector.broadcast %div3A_762 : f32 to vector<16xf32>
          %div3A_764 = arith.divf %div3A_763, %add3A_761 : vector<16xf32>
          %sub3A_765 = arith.constant 1.000000e+00 : f32
          %sub3A_766 = vector.broadcast %sub3A_765 : f32 to vector<16xf32>
          %sub3A_767 = arith.subf %sub3A_766, %div3A_764 : vector<16xf32>
          %swap3A_768 = arith.index_cast %add3A_722 : i32 to index
          %swap3A_769 = arith.constant 16 : index
          %swap3A_770 = tpu.vector_load %arg17[%swap3A_768, %swap3A_769] {strides = array<i32>} : memref<128x32xf32, #tpu.memory_space<vmem>>, vector<1x16xf32>,
          %swap3A_771 = vector.shape_cast %swap3A_770 : vector<1x16xf32> to vector<16xf32>
          %swap3A_772 = vector.shape_cast %sub3A_767 : vector<16xf32> to vector<1x16xf32>
          tpu.vector_store %arg17[%swap3A_768, %swap3A_769], %swap3A_772 {strides = array<i32>} : memref<128x32xf32, #tpu.memory_space<vmem>>, vector<1x16xf32>,
          %mul3A_773 = arith.constant 16 : i32
          %mul3A_774 = arith.muli %scan3A_71, %mul3A_773 : i32
          %add3A_775 = arith.constant 13 : i32
          %add3A_776 = arith.addi %mul3A_774, %add3A_775 : i32
          %slice3A_777 = vector.extract_strided_slice %get3A_76 {offsets = [13], sizes = [1], strides = [1]} : vector<16xf32> to vector<1xf32>
          %squeeze3A_778 = vector.extract %slice3A_777[0] : f32 from vector<1xf32>
          %get3A_779 = arith.index_cast %add3A_776 : i32 to index
          %get3A_780 = arith.constant 0 : index
          %get3A_781 = tpu.vector_load %arg17[%get3A_779, %get3A_780] {strides = array<i32>} : memref<128x32xf32, #tpu.memory_space<vmem>>, vector<1x16xf32>,
          %get3A_782 = vector.shape_cast %get3A_781 : vector<1x16xf32> to vector<16xf32>
          %add3A_783 = vector.broadcast %squeeze3A_778 : f32 to vector<16xf32>
          %add3A_784 = arith.addf %get3A_782, %add3A_783 : vector<16xf32>
          %mul3A_785 = arith.constant 2.000000e+00 : f32
          %mul3A_786 = vector.broadcast %mul3A_785 : f32 to vector<16xf32>
          %mul3A_787 = arith.mulf %add3A_784, %mul3A_786 : vector<16xf32>
          %exp3A_788 = math.exp %mul3A_787 : vector<16xf32>
          %add3A_789 = arith.constant 1.000000e+00 : f32
          %add3A_790 = vector.broadcast %add3A_789 : f32 to vector<16xf32>
          %add3A_791 = arith.addf %exp3A_788, %add3A_790 : vector<16xf32>
          %div3A_792 = arith.constant 2.000000e+00 : f32
          %div3A_793 = vector.broadcast %div3A_792 : f32 to vector<16xf32>
          %div3A_794 = arith.divf %div3A_793, %add3A_791 : vector<16xf32>
          %sub3A_795 = arith.constant 1.000000e+00 : f32
          %sub3A_796 = vector.broadcast %sub3A_795 : f32 to vector<16xf32>
          %sub3A_797 = arith.subf %sub3A_796, %div3A_794 : vector<16xf32>
          %swap3A_798 = arith.index_cast %add3A_776 : i32 to index
          %swap3A_799 = arith.constant 0 : index
          %swap3A_800 = tpu.vector_load %arg17[%swap3A_798, %swap3A_799] {strides = array<i32>} : memref<128x32xf32, #tpu.memory_space<vmem>>, vector<1x16xf32>,
          %swap3A_801 = vector.shape_cast %swap3A_800 : vector<1x16xf32> to vector<16xf32>
          %swap3A_802 = vector.shape_cast %sub3A_797 : vector<16xf32> to vector<1x16xf32>
          tpu.vector_store %arg17[%swap3A_798, %swap3A_799], %swap3A_802 {strides = array<i32>} : memref<128x32xf32, #tpu.memory_space<vmem>>, vector<1x16xf32>,
          %get3A_803 = arith.index_cast %add3A_776 : i32 to index
          %get3A_804 = arith.constant 16 : index
          %get3A_805 = tpu.vector_load %arg17[%get3A_803, %get3A_804] {strides = array<i32>} : memref<128x32xf32, #tpu.memory_space<vmem>>, vector<1x16xf32>,
          %get3A_806 = vector.shape_cast %get3A_805 : vector<1x16xf32> to vector<16xf32>
          %add3A_807 = vector.broadcast %squeeze3A_778 : f32 to vector<16xf32>
          %add3A_808 = arith.addf %get3A_806, %add3A_807 : vector<16xf32>
          %mul3A_809 = arith.constant 2.000000e+00 : f32
          %mul3A_810 = vector.broadcast %mul3A_809 : f32 to vector<16xf32>
          %mul3A_811 = arith.mulf %add3A_808, %mul3A_810 : vector<16xf32>
          %exp3A_812 = math.exp %mul3A_811 : vector<16xf32>
          %add3A_813 = arith.constant 1.000000e+00 : f32
          %add3A_814 = vector.broadcast %add3A_813 : f32 to vector<16xf32>
          %add3A_815 = arith.addf %exp3A_812, %add3A_814 : vector<16xf32>
          %div3A_816 = arith.constant 2.000000e+00 : f32
          %div3A_817 = vector.broadcast %div3A_816 : f32 to vector<16xf32>
          %div3A_818 = arith.divf %div3A_817, %add3A_815 : vector<16xf32>
          %sub3A_819 = arith.constant 1.000000e+00 : f32
          %sub3A_820 = vector.broadcast %sub3A_819 : f32 to vector<16xf32>
          %sub3A_821 = arith.subf %sub3A_820, %div3A_818 : vector<16xf32>
          %swap3A_822 = arith.index_cast %add3A_776 : i32 to index
          %swap3A_823 = arith.constant 16 : index
          %swap3A_824 = tpu.vector_load %arg17[%swap3A_822, %swap3A_823] {strides = array<i32>} : memref<128x32xf32, #tpu.memory_space<vmem>>, vector<1x16xf32>,
          %swap3A_825 = vector.shape_cast %swap3A_824 : vector<1x16xf32> to vector<16xf32>
          %swap3A_826 = vector.shape_cast %sub3A_821 : vector<16xf32> to vector<1x16xf32>
          tpu.vector_store %arg17[%swap3A_822, %swap3A_823], %swap3A_826 {strides = array<i32>} : memref<128x32xf32, #tpu.memory_space<vmem>>, vector<1x16xf32>,
          %mul3A_827 = arith.constant 16 : i32
          %mul3A_828 = arith.muli %scan3A_71, %mul3A_827 : i32
          %add3A_829 = arith.constant 14 : i32
          %add3A_830 = arith.addi %mul3A_828, %add3A_829 : i32
          %slice3A_831 = vector.extract_strided_slice %get3A_76 {offsets = [14], sizes = [1], strides = [1]} : vector<16xf32> to vector<1xf32>
          %squeeze3A_832 = vector.extract %slice3A_831[0] : f32 from vector<1xf32>
          %get3A_833 = arith.index_cast %add3A_830 : i32 to index
          %get3A_834 = arith.constant 0 : index
          %get3A_835 = tpu.vector_load %arg17[%get3A_833, %get3A_834] {strides = array<i32>} : memref<128x32xf32, #tpu.memory_space<vmem>>, vector<1x16xf32>,
          %get3A_836 = vector.shape_cast %get3A_835 : vector<1x16xf32> to vector<16xf32>
          %add3A_837 = vector.broadcast %squeeze3A_832 : f32 to vector<16xf32>
          %add3A_838 = arith.addf %get3A_836, %add3A_837 : vector<16xf32>
          %mul3A_839 = arith.constant 2.000000e+00 : f32
          %mul3A_840 = vector.broadcast %mul3A_839 : f32 to vector<16xf32>
          %mul3A_841 = arith.mulf %add3A_838, %mul3A_840 : vector<16xf32>
          %exp3A_842 = math.exp %mul3A_841 : vector<16xf32>
          %add3A_843 = arith.constant 1.000000e+00 : f32
          %add3A_844 = vector.broadcast %add3A_843 : f32 to vector<16xf32>
          %add3A_845 = arith.addf %exp3A_842, %add3A_844 : vector<16xf32>
          %div3A_846 = arith.constant 2.000000e+00 : f32
          %div3A_847 = vector.broadcast %div3A_846 : f32 to vector<16xf32>
          %div3A_848 = arith.divf %div3A_847, %add3A_845 : vector<16xf32>
          %sub3A_849 = arith.constant 1.000000e+00 : f32
          %sub3A_850 = vector.broadcast %sub3A_849 : f32 to vector<16xf32>
          %sub3A_851 = arith.subf %sub3A_850, %div3A_848 : vector<16xf32>
          %swap3A_852 = arith.index_cast %add3A_830 : i32 to index
          %swap3A_853 = arith.constant 0 : index
          %swap3A_854 = tpu.vector_load %arg17[%swap3A_852, %swap3A_853] {strides = array<i32>} : memref<128x32xf32, #tpu.memory_space<vmem>>, vector<1x16xf32>,
          %swap3A_855 = vector.shape_cast %swap3A_854 : vector<1x16xf32> to vector<16xf32>
          %swap3A_856 = vector.shape_cast %sub3A_851 : vector<16xf32> to vector<1x16xf32>
          tpu.vector_store %arg17[%swap3A_852, %swap3A_853], %swap3A_856 {strides = array<i32>} : memref<128x32xf32, #tpu.memory_space<vmem>>, vector<1x16xf32>,
          %get3A_857 = arith.index_cast %add3A_830 : i32 to index
          %get3A_858 = arith.constant 16 : index
          %get3A_859 = tpu.vector_load %arg17[%get3A_857, %get3A_858] {strides = array<i32>} : memref<128x32xf32, #tpu.memory_space<vmem>>, vector<1x16xf32>,
          %get3A_860 = vector.shape_cast %get3A_859 : vector<1x16xf32> to vector<16xf32>
          %add3A_861 = vector.broadcast %squeeze3A_832 : f32 to vector<16xf32>
          %add3A_862 = arith.addf %get3A_860, %add3A_861 : vector<16xf32>
          %mul3A_863 = arith.constant 2.000000e+00 : f32
          %mul3A_864 = vector.broadcast %mul3A_863 : f32 to vector<16xf32>
          %mul3A_865 = arith.mulf %add3A_862, %mul3A_864 : vector<16xf32>
          %exp3A_866 = math.exp %mul3A_865 : vector<16xf32>
          %add3A_867 = arith.constant 1.000000e+00 : f32
          %add3A_868 = vector.broadcast %add3A_867 : f32 to vector<16xf32>
          %add3A_869 = arith.addf %exp3A_866, %add3A_868 : vector<16xf32>
          %div3A_870 = arith.constant 2.000000e+00 : f32
          %div3A_871 = vector.broadcast %div3A_870 : f32 to vector<16xf32>
          %div3A_872 = arith.divf %div3A_871, %add3A_869 : vector<16xf32>
          %sub3A_873 = arith.constant 1.000000e+00 : f32
          %sub3A_874 = vector.broadcast %sub3A_873 : f32 to vector<16xf32>
          %sub3A_875 = arith.subf %sub3A_874, %div3A_872 : vector<16xf32>
          %swap3A_876 = arith.index_cast %add3A_830 : i32 to index
          %swap3A_877 = arith.constant 16 : index
          %swap3A_878 = tpu.vector_load %arg17[%swap3A_876, %swap3A_877] {strides = array<i32>} : memref<128x32xf32, #tpu.memory_space<vmem>>, vector<1x16xf32>,
          %swap3A_879 = vector.shape_cast %swap3A_878 : vector<1x16xf32> to vector<16xf32>
          %swap3A_880 = vector.shape_cast %sub3A_875 : vector<16xf32> to vector<1x16xf32>
          tpu.vector_store %arg17[%swap3A_876, %swap3A_877], %swap3A_880 {strides = array<i32>} : memref<128x32xf32, #tpu.memory_space<vmem>>, vector<1x16xf32>,
          %mul3A_881 = arith.constant 16 : i32
          %mul3A_882 = arith.muli %scan3A_71, %mul3A_881 : i32
          %add3A_883 = arith.constant 15 : i32
          %add3A_884 = arith.addi %mul3A_882, %add3A_883 : i32
          %slice3A_885 = vector.extract_strided_slice %get3A_76 {offsets = [15], sizes = [1], strides = [1]} : vector<16xf32> to vector<1xf32>
          %squeeze3A_886 = vector.extract %slice3A_885[0] : f32 from vector<1xf32>
          %get3A_887 = arith.index_cast %add3A_884 : i32 to index
          %get3A_888 = arith.constant 0 : index
          %get3A_889 = tpu.vector_load %arg17[%get3A_887, %get3A_888] {strides = array<i32>} : memref<128x32xf32, #tpu.memory_space<vmem>>, vector<1x16xf32>,
          %get3A_890 = vector.shape_cast %get3A_889 : vector<1x16xf32> to vector<16xf32>
          %add3A_891 = vector.broadcast %squeeze3A_886 : f32 to vector<16xf32>
          %add3A_892 = arith.addf %get3A_890, %add3A_891 : vector<16xf32>
          %mul3A_893 = arith.constant 2.000000e+00 : f32
          %mul3A_894 = vector.broadcast %mul3A_893 : f32 to vector<16xf32>
          %mul3A_895 = arith.mulf %add3A_892, %mul3A_894 : vector<16xf32>
          %exp3A_896 = math.exp %mul3A_895 : vector<16xf32>
          %add3A_897 = arith.constant 1.000000e+00 : f32
          %add3A_898 = vector.broadcast %add3A_897 : f32 to vector<16xf32>
          %add3A_899 = arith.addf %exp3A_896, %add3A_898 : vector<16xf32>
          %div3A_900 = arith.constant 2.000000e+00 : f32
          %div3A_901 = vector.broadcast %div3A_900 : f32 to vector<16xf32>
          %div3A_902 = arith.divf %div3A_901, %add3A_899 : vector<16xf32>
          %sub3A_903 = arith.constant 1.000000e+00 : f32
          %sub3A_904 = vector.broadcast %sub3A_903 : f32 to vector<16xf32>
          %sub3A_905 = arith.subf %sub3A_904, %div3A_902 : vector<16xf32>
          %swap3A_906 = arith.index_cast %add3A_884 : i32 to index
          %swap3A_907 = arith.constant 0 : index
          %swap3A_908 = tpu.vector_load %arg17[%swap3A_906, %swap3A_907] {strides = array<i32>} : memref<128x32xf32, #tpu.memory_space<vmem>>, vector<1x16xf32>,
          %swap3A_909 = vector.shape_cast %swap3A_908 : vector<1x16xf32> to vector<16xf32>
          %swap3A_910 = vector.shape_cast %sub3A_905 : vector<16xf32> to vector<1x16xf32>
          tpu.vector_store %arg17[%swap3A_906, %swap3A_907], %swap3A_910 {strides = array<i32>} : memref<128x32xf32, #tpu.memory_space<vmem>>, vector<1x16xf32>,
          %get3A_911 = arith.index_cast %add3A_884 : i32 to index
          %get3A_912 = arith.constant 16 : index
          %get3A_913 = tpu.vector_load %arg17[%get3A_911, %get3A_912] {strides = array<i32>} : memref<128x32xf32, #tpu.memory_space<vmem>>, vector<1x16xf32>,
          %get3A_914 = vector.shape_cast %get3A_913 : vector<1x16xf32> to vector<16xf32>
          %add3A_915 = vector.broadcast %squeeze3A_886 : f32 to vector<16xf32>
          %add3A_916 = arith.addf %get3A_914, %add3A_915 : vector<16xf32>
          %mul3A_917 = arith.constant 2.000000e+00 : f32
          %mul3A_918 = vector.broadcast %mul3A_917 : f32 to vector<16xf32>
          %mul3A_919 = arith.mulf %add3A_916, %mul3A_918 : vector<16xf32>
          %exp3A_920 = math.exp %mul3A_919 : vector<16xf32>
          %add3A_921 = arith.constant 1.000000e+00 : f32
          %add3A_922 = vector.broadcast %add3A_921 : f32 to vector<16xf32>
          %add3A_923 = arith.addf %exp3A_920, %add3A_922 : vector<16xf32>
          %div3A_924 = arith.constant 2.000000e+00 : f32
          %div3A_925 = vector.broadcast %div3A_924 : f32 to vector<16xf32>
          %div3A_926 = arith.divf %div3A_925, %add3A_923 : vector<16xf32>
          %sub3A_927 = arith.constant 1.000000e+00 : f32
          %sub3A_928 = vector.broadcast %sub3A_927 : f32 to vector<16xf32>
          %sub3A_929 = arith.subf %sub3A_928, %div3A_926 : vector<16xf32>
          %swap3A_930 = arith.index_cast %add3A_884 : i32 to index
          %swap3A_931 = arith.constant 16 : index
          %swap3A_932 = tpu.vector_load %arg17[%swap3A_930, %swap3A_931] {strides = array<i32>} : memref<128x32xf32, #tpu.memory_space<vmem>>, vector<1x16xf32>,
          %swap3A_933 = vector.shape_cast %swap3A_932 : vector<1x16xf32> to vector<16xf32>
          %swap3A_934 = vector.shape_cast %sub3A_929 : vector<16xf32> to vector<1x16xf32>
          tpu.vector_store %arg17[%swap3A_930, %swap3A_931], %swap3A_934 {strides = array<i32>} : memref<128x32xf32, #tpu.memory_space<vmem>>, vector<1x16xf32>,
          %scan3A_935 = arith.constant 0 : i32
          scf.yield %scan3A_935 : i32
        }
        %scan3A_69 = arith.constant 8 : i32
        "tpu.region"() ({
          %run_scoped3A = tpu.sem_alloc : memref<!tpu.dma_semaphore, #tpu.memory_space<semaphore_mem>>
          %dma_start3A = arith.constant 0 : i32
          %dma_start3A_71 = tpu.memref_slice %arg21[%add3A_55, %dma_start3A] : memref<16384x32xf32, #tpu.memory_space<vmem_shared>> -> memref<128x32xf32, #tpu.memory_space<vmem_shared>>
          %dma_start3A_72 = arith.constant 0 : i32
          %dma_start3A_73 = tpu.memref_slice %arg21[%add3A_55, %dma_start3A_72] : memref<16384x32xf32, #tpu.memory_space<vmem_shared>> -> memref<128x32xf32, #tpu.memory_space<vmem_shared>>
          tpu.enqueue_dma source(%arg17 : memref<128x32xf32, #tpu.memory_space<vmem>>) target(%dma_start3A_73 : memref<128x32xf32, #tpu.memory_space<vmem_shared>>) target_semaphore(%run_scoped3A : memref<!tpu.dma_semaphore, #tpu.memory_space<semaphore_mem>>)
          %dma_wait3A = arith.constant 0 : i32
          %dma_wait3A_74 = tpu.memref_slice %arg21[%add3A_55, %dma_wait3A] : memref<16384x32xf32, #tpu.memory_space<vmem_shared>> -> memref<128x32xf32, #tpu.memory_space<vmem_shared>>
          %dma_wait3A_75 = arith.constant 0 : i32
          %dma_wait3A_76 = tpu.memref_slice %arg21[%add3A_55, %dma_wait3A_75] : memref<16384x32xf32, #tpu.memory_space<vmem_shared>> -> memref<128x32xf32, #tpu.memory_space<vmem_shared>>
          tpu.wait_dma2 semaphore(%run_scoped3A : memref<!tpu.dma_semaphore, #tpu.memory_space<semaphore_mem>>) src(%arg17 : memref<128x32xf32, #tpu.memory_space<vmem>>) dst(%dma_wait3A_76 : memref<128x32xf32, #tpu.memory_space<vmem_shared>>)
          tpu.yield
        }) : () -> ()
        "tpu.region"() ({
          %run_scoped3A = tpu.sem_alloc : memref<!tpu.dma_semaphore, #tpu.memory_space<semaphore_mem>>
          %dma_start3A = arith.constant 0 : i32
          %dma_start3A_71 = tpu.memref_slice %arg11[%scan3A_21, %arg0, %add3A_55, %dma_start3A] : memref<16x2x16384x32xf32, #tpu.memory_space<hbm>> -> memref<1x1x128x32xf32, #tpu.memory_space<hbm>>
          %dma_start3A_72 = tpu.memref_squeeze %dma_start3A_71 : memref<1x1x128x32xf32, #tpu.memory_space<hbm>> -> memref<128x32xf32, #tpu.memory_space<hbm>>
          %dma_start3A_73 = arith.constant 0 : i32
          %dma_start3A_74 = tpu.memref_slice %arg11[%scan3A_21, %arg0, %add3A_55, %dma_start3A_73] : memref<16x2x16384x32xf32, #tpu.memory_space<hbm>> -> memref<1x1x128x32xf32, #tpu.memory_space<hbm>>
          %dma_start3A_75 = tpu.memref_squeeze %dma_start3A_74 : memref<1x1x128x32xf32, #tpu.memory_space<hbm>> -> memref<128x32xf32, #tpu.memory_space<hbm>>
          tpu.enqueue_dma source(%arg17 : memref<128x32xf32, #tpu.memory_space<vmem>>) target(%dma_start3A_75 : memref<128x32xf32, #tpu.memory_space<hbm>>) target_semaphore(%run_scoped3A : memref<!tpu.dma_semaphore, #tpu.memory_space<semaphore_mem>>)
          %dma_wait3A = arith.constant 0 : i32
          %dma_wait3A_76 = tpu.memref_slice %arg11[%scan3A_21, %arg0, %add3A_55, %dma_wait3A] : memref<16x2x16384x32xf32, #tpu.memory_space<hbm>> -> memref<1x1x128x32xf32, #tpu.memory_space<hbm>>
          %dma_wait3A_77 = tpu.memref_squeeze %dma_wait3A_76 : memref<1x1x128x32xf32, #tpu.memory_space<hbm>> -> memref<128x32xf32, #tpu.memory_space<hbm>>
          %dma_wait3A_78 = arith.constant 0 : i32
          %dma_wait3A_79 = tpu.memref_slice %arg11[%scan3A_21, %arg0, %add3A_55, %dma_wait3A_78] : memref<16x2x16384x32xf32, #tpu.memory_space<hbm>> -> memref<1x1x128x32xf32, #tpu.memory_space<hbm>>
          %dma_wait3A_80 = tpu.memref_squeeze %dma_wait3A_79 : memref<1x1x128x32xf32, #tpu.memory_space<hbm>> -> memref<128x32xf32, #tpu.memory_space<hbm>>
          tpu.wait_dma2 semaphore(%run_scoped3A : memref<!tpu.dma_semaphore, #tpu.memory_space<semaphore_mem>>) src(%arg17 : memref<128x32xf32, #tpu.memory_space<vmem>>) dst(%dma_wait3A_80 : memref<128x32xf32, #tpu.memory_space<hbm>>)
          tpu.yield
        }) : () -> ()
        %scan3A_70 = arith.constant 0 : i32
        scf.yield %scan3A_70 : i32
      }
      %scan3A_48 = arith.constant 8 : i32
      %barrier3A_49 = arith.constant 0 : index
      tpu.barrier barrier_id(%barrier3A_49)
      %scan3A_50 = arith.constant 0 : i32
      scf.yield %scan3A_50 : i32
    }
    %scan3A_20 = arith.constant 16 : i32
    return
  }
}

</mosaic_0001>

<sc_bundles>
// kernel: kernel.3.cloned.1.call-start
scs
__scs_entry_jumppad:
0x0: {  	(pc) =	sbr.rel $0x88, $3  }
0x1: {  	(tag) =	ssettag $0x0;
	lr =	simm.s32 $0x1  }
0x2: {  	[smem:$0x3F98] =	sst lr;
	_ =	strace $0xD0000000  }
0x3: {  	_ = 	snop  }
0x4: {  	_ = 	snop  }
0x5: {  	_ = 	snop  }
0x6: {  	_ = 	snop  }
0x7: {  	_ = 	snop  }
__scs_overlays_trampoline_lowered:
0x8: {  	[smem:$0x3FA7] =	sst s0  }
0x9: {  	[smem:$0x3FA8] =	sst s1  }
0xa: {  	[smem:$0x3FA9] =	sst s2  }
0xb: {  	[smem:$0x3FAA] =	sst s3  }
0xc: {  	[smem:$0x3FAB] =	sst s4  }
0xd: {  	[smem:$0x3FAC] =	sst s5  }
0xe: {  	[smem:$0x3FAD] =	sst s6  }
0xf: {  	[smem:$0x3FAE] =	sst s7  }
0x10: {  	[smem:$0x3FAF] =	sst s8  }
0x11: {  	[smem:$0x3FB0] =	sst s9;
	s0 =	simm.s32 @!p0 $0x0  }
0x12: {  	s1 =	sld [smem:$0x3F96];
	s0 =	simm.s32 @p0 $0x1  }
0x13: {  	[smem:$0x3FB1] =	sst s0;
	s0 =	simm.s32 @!p1 $0x0  }
0x14: {  	s2 =	sld [smem:$0x3F95];
	s0 =	simm.s32 @p1 $0x1  }
0x15: {  	[smem:$0x3FB2] =	sst s0;
	s0 =	simm.s32 @!p2 $0x0  }
0x16: {  	s3 =	sld [smem:$0x3FDB];
	s0 =	simm.s32 @p2 $0x1  }
0x17: {  	s4 =	simm.s32 $0x1BF5;
	[smem:$0x3FB4] =	sst s0  }
0x18: {  	s0 =	sld [smem:$0x3F97];
	_ =	swait.ge [sflag:s4], $0x0  }
0x19: {  	s7 =	sld [smem:$0x3F98]  }
0x1a: {  	s8 =	sadd.s32 $0xFFFFE003, lr  }
0x1b: {  	s9 =	sadd.s32 $0xFFFFFEF7, lr;
	s5 =	simm.s32 $0xFFFFFFFF;
	p2 =	slt.u32 s8, $0xFFFFF086  }
0x1c: {  	p1 =	slt.u32 s9, $0xF7A;
	s5 =	simm.s32 @!p2 $0x0  }
0x1d: {  	s5 =	simm.s32 @p1 $0x1;
	p0 =	seq.s32 s7, s2  }
0x1e: {  	s7 =	smul.u32 @!p0 $0xF7A, s2;
	p2 =	seq.s32 @!p0 s5, $0x0  }
0x1f: {  	s9 =	smul.u32 $0xF7A, s1;
	s8 =	simm.s32 @!p0 $0x1BF5;
	p2 =	por !p2, p0  }
0x20: {  	[sflag:s8] =	ssyncset.s32 @!p0 $0xFFFFF086;
	s6 =	sadd.s32 @!p0 s3, s7;
	s7 =	simm.s32 @!p0 $0x108  }
0x21: {  	s3 =	sadd.s32 s3, s9;
	s6 =	sadd.s32 @!p0 $0x88, s6;
	s7 =	simm.s32 @p2 $0x1082  }
0x22: {  	[simem:s7], [sflag:s8] =	dma.local @!p0 [hbm:s6], $0xF7A  }
0x23: {  	s9 =	sor.u32 $0xD0000000, s2;
	s6 =	simm.s32 $0x108;
	_ =	swait.ge @!p0 [sflag:s8], $0x0  }
0x24: {  	s3 =	sadd.s32 $0x88, s3;
	s6 =	simm.s32 @!p1 $0x1082;
	[sflag:s4] =	ssyncset.s32 $0xFFFFF086  }
0x25: {  	[simem:s6], [sflag:s4] =	dma.local [hbm:s3], $0xF7A  }
0x26: {  	[smem:$0x3F98] =	sst s1;
	(tag) =	ssettag s2;
	_ =	strace s9  }
0x27: {  	s1 =	sld [smem:$0x3FA8]  }
0x28: {  	s2 =	sld [smem:$0x3FA9]  }
0x29: {  	s4 =	sld [smem:$0x3FAB]  }
0x2a: {  	p0 =	seq.s32 s5, $0x0;
	s5 =	sld [smem:$0x3FAC]  }
0x2b: {  	s6 =	sld [smem:$0x3FAD]  }
0x2c: {  	s7 =	sld [smem:$0x3FAE]  }
0x2d: {  	s3 =	simm.s32 $0x108;
	s8 =	sld [smem:$0x3FAF]  }
0x2e: {  	s3 =	simm.s32 @!p0 $0x1082;
	s9 =	sld [smem:$0x3FB0]  }
0x2f: {  	lr =	sadd.s32 s0, s3;
	s0 =	sld [smem:$0x3FA7]  }
0x30: {  	s3 =	sld [smem:$0x3FAA]  }
0x31: {  	[smem:$0x3FB3] =	sst s10  }
0x32: {  	s10 =	sld [smem:$0x3FB1];
	_ =	sdelay $0x3  }
0x33: {  	p0 =	seq.s32 s10, $0x1;
	s10 =	sld [smem:$0x3FB3];
	_ =	sdelay $0x3  }
0x34: {  	[smem:$0x3FB3] =	sst s10  }
0x35: {  	s10 =	sld [smem:$0x3FB2];
	_ =	sdelay $0x3  }
0x36: {  	p1 =	seq.s32 s10, $0x1;
	s10 =	sld [smem:$0x3FB3];
	_ =	sdelay $0x3  }
0x37: {  	[smem:$0x3FB3] =	sst s10  }
0x38: {  	s10 =	sld [smem:$0x3FB4]  }
0x39: {  	_ = 	snop;
	(pc) =	sbr.ind lr, $3  }
0x3a: {  	_ = 	snop  }
0x3b: {  	_ = 	snop  }
0x3c: {  	p2 =	seq.s32 s10, $0x1;
	s10 =	sld [smem:$0x3FB3]  }
0x3d: {  	_ =	shalt  }
0x3e: {  	_ =	shalt  }
0x3f: {  	_ =	shalt  }
0x40: {  	_ =	shalt  }
0x41: {  	_ =	shalt  }
0x42: {  	_ =	shalt  }
0x43: {  	_ =	shalt  }
0x44: {  	_ =	shalt  }
0x45: {  	_ =	shalt  }
0x46: {  	_ =	shalt  }
0x47: {  	_ =	shalt  }
0x48: {  	_ =	shalt  }
0x49: {  	_ =	shalt  }
0x4a: {  	_ =	shalt  }
0x4b: {  	_ =	shalt  }
0x4c: {  	_ =	shalt  }
0x4d: {  	_ =	shalt  }
0x4e: {  	_ =	shalt  }
0x4f: {  	_ =	shalt  }
0x50: {  	_ =	shalt  }
0x51: {  	_ =	shalt  }
0x52: {  	_ =	shalt  }
0x53: {  	_ =	shalt  }
0x54: {  	_ =	shalt  }
0x55: {  	_ =	shalt  }
0x56: {  	_ =	shalt  }
0x57: {  	_ =	shalt  }
0x58: {  	_ =	shalt  }
0x59: {  	_ =	shalt  }
0x5a: {  	_ =	shalt  }
0x5b: {  	_ =	shalt  }
0x5c: {  	_ =	shalt  }
0x5d: {  	_ =	shalt  }
0x5e: {  	_ =	shalt  }
0x5f: {  	_ =	shalt  }
0x60: {  	_ =	shalt  }
0x61: {  	_ =	shalt  }
0x62: {  	_ =	shalt  }
0x63: {  	_ =	shalt  }
0x64: {  	_ =	shalt  }
0x65: {  	_ =	shalt  }
0x66: {  	_ =	shalt  }
0x67: {  	_ =	shalt  }
0x68: {  	_ =	shalt  }
0x69: {  	_ =	shalt  }
0x6a: {  	_ =	shalt  }
0x6b: {  	_ =	shalt  }
0x6c: {  	_ =	shalt  }
0x6d: {  	_ =	shalt  }
0x6e: {  	_ =	shalt  }
0x6f: {  	_ =	shalt  }
0x70: {  	_ =	shalt  }
0x71: {  	_ =	shalt  }
0x72: {  	_ =	shalt  }
0x73: {  	_ =	shalt  }
0x74: {  	_ =	shalt  }
0x75: {  	_ =	shalt  }
0x76: {  	_ =	shalt  }
0x77: {  	_ =	shalt  }
0x78: {  	_ =	shalt  }
0x79: {  	_ =	shalt  }
0x7a: {  	_ =	shalt  }
0x7b: {  	_ =	shalt  }
0x7c: {  	_ =	shalt  }
0x7d: {  	_ =	shalt  }
0x7e: {  	_ =	shalt  }
0x7f: {  	_ =	shalt  }
0x80: {  	_ =	shalt  }
0x81: {  	_ =	shalt  }
0x82: {  	_ =	shalt  }
0x83: {  	_ =	shalt  }
0x84: {  	_ =	shalt  }
0x85: {  	_ =	shalt  }
0x86: {  	_ =	shalt  }
0x87: {  	_ =	shalt  }
.Lfunc_end0:
.L_simem_size_0:
called_computation.2_lowered:
.L_overlay_start_0:
0x88: {  	s2 =	sld [smem:$0x3FD9]  }
0x89: {  	s3 =	sld [smem:$0x3FFE];
	_ =	sdelay $0x1  }
0x8a: {  	s1 =	srdreg.scid  }
0x8b: {  	s0 =	sand.u32 $0x1, s1  }
0x8c: {  	s17 =	sshll.u32 s0, $0xA;
	s2 =	sadd.s32 s3, s2  }
0x8d: {  	s2 =	sadd.s32 s2, s17  }
0x8e: {  	[smem:$0x3FBF] =	sst s2  }
0x8f: {  	_ = 	snop  }
0x90: {  	s2 =	sld [smem:$0x3FC2]  }
0x91: {  	s18 =	sld [smem:$0x3FC1]  }
0x92: {  	s4 =	sld [smem:$0x3FD0];
	(tm) =	ssettm $0x1  }
0x93: {  	s5 =	sld [smem:$0x3FFB];
	_ =	sdelay $0x3  }
0x94: {  	_ =	strace s5  }
0x95: {  	s5 =	sld [smem:$0x3FFC];
	_ =	sdelay $0x3  }
0x96: {  	_ =	strace s5  }
0x97: {  	s5 =	sld [smem:$0x3FFD];
	_ =	sdelay $0x3  }
0x98: {  	_ =	strace s5  }
0x99: {  	_ =	strace $0x8FFFFFFF  }
0x9a: {  	s19 =	sld [smem:$0x3FDB];
	_ =	sdelay $0x1  }
0x9b: {  	s6 =	simm.s32 $_scs_section_size  }
0x9c: {  	s7 =	simm.s32 $_size__tile_overlayer_lowered;
	s8 =	simm.s32 $_tile_overlayer_lowered  }
0x9d: {  	s22 =	simm.s32 $0x1BFF;
	s21 =	sshll.u32 s8, $0x1;
	s5 =	sadd.s32 s6, s19  }
0x9e: {  	s9 =	simm.s32 $0x0;
	s20 =	sshll.u32 s7, $0x1;
	s7 =	sadd.s32 s21, s5  }
0x9f: {  	[timem:s9], [sflag:s22] =	dma.local [hbm:s7], s20  }
0xa0: {  	_ =	swait.ge [sflag:s22], s20  }
0xa1: {  	s6 =	ssub.s32 $0x0, s20;
	[sflag:s22] =	ssyncset.done $0x0  }
0xa2: {  	[sflag:s22] =	ssyncadd.s32 s6;
	_ =	sdelay $0x1  }
0xa3: {  	s23 =	simm.s32 $0x1B8B  }
0xa4: {  	_ =	swait.ge [sflag:s23], $0x1  }
0xa5: {  	[sflag:s23] =	ssyncset.done $0x0  }
0xa6: {  	s25 =	simm.s32 $0x1B8E;
	s24 =	sld [smem:$0x3FFE];
	[sflag:s23] =	ssyncadd.s32 $0xFFFFFFFF  }
0xa7: {  	s26 =	simm.s32 $execute0_lowered;
	[smem:$0x3FD2] =	sst s25  }
0xa8: {  	s7 =	sshll.u32 s26, $0x1;
	_ =	strace $0x80000049;
	[dreg:$0x1] =	wrdreg $0xFFFFFFFF  }
0xa9: {  	s28 =	simm.s32 $_size_execute0_lowered;
	s5 =	sadd.s32 s5, s7;
	[dreg:$0x0] =	wrdreg $0x0  }
0xaa: {  	s7 =	sshll.u32 s28, $0x1;
	[dreg:$0x2] =	wrdreg s5  }
0xab: {  	[dreg:$0x3] =	wrdreg s7  }
0xac: {  	[dreg:$0x4] =	wrdreg $0xC0  }
0xad: {  	_ =	task [dreg:s9], $0x5FFFF  }
0xae: {  	[dreg:$0x1] =	wrdreg $0xFFFFFFFF  }
0xaf: {  	[dreg:$0x0] =	wrdreg $0x60  }
0xb0: {  	[dreg:$0x2] =	wrdreg s4  }
0xb1: {  	[dreg:$0x3] =	wrdreg s24  }
0xb2: {  	[dreg:$0x4] =	wrdreg s2  }
0xb3: {  	[dreg:$0x5] =	wrdreg s18  }
0xb4: {  	[dreg:$0x6] =	wrdreg $0x33000  }
0xb5: {  	[dreg:$0x7] =	wrdreg $0xB3000  }
0xb6: {  	[dreg:$0x8] =	wrdreg $0x9  }
0xb7: {  	_ =	task.clear_ibuf [dreg:s9], $0x9FFFF;
	_ =	strace $0x90000049  }
0xb8: {  	s29 =	simm.s32 $0x9;
	_ =	strace $0x8000004B  }
0xb9: {  	_ =	swait.ge [sflag:s29], $0x1  }
0xba: {  	[sflag:s29] =	ssyncadd.s32 $0xFFFFFFFF  }
0xbb: {  	_ =	strace $0x9000004B  }
0xbc: {  	_ =	sfence  }
0xbd: {  	s30 =	sld [smem:$0x0];
	_ =	sdelay $0x2  }
0xbe: {  	s31 =	sshll.u32 s1, $0xD;
	s1 =	sshrl.u32 s1, $0x2  }
0xbf: {  	s3 =	sand.u32 $0x4000, s31;
	s1 =	sadd.s32 s1, s30  }
0xc0: {  	s0 =	sor.u32 s3, s0;
	s1 =	sshll.u32 s1, $0x11  }
0xc1: {  	s0 =	sor.u32 s1, s0  }
0xc2: {  	s0 =	sadd.s32 $0x8F2B, s0  }
0xc3: {  	[sflag:s0] =	ssyncadd.remote.s32 $0x1  }
0xc4: {  	_ =	sfence.sel $0xFFFF  }
0xc5: {  	[dreg:$0x0] =	wrdreg $0xFFFFFFFF;
	(pc) =	sbr.abs _section_cstart, $3  }
0xc6: {  	[dreg:$0x1] =	wrdreg $0xFFFFFFFF  }
0xc7: {  	_ =	task.clear_ibuf [dreg:s9], $0x2FFFF;
	_ =	strace $0x9FFFFFFF  }
0xc8: {  	(tm) =	ssettm $0x7FFFFFFF  }
0xc9: {  	_ =	shalt  }
tec
execute0_lowered:
.L_overlay_start_1:
0x0: {  	(tag) =	ssettag $0x1  }
0x1: {  	s17 =	rddreg [dreg:$0x0]  }
0x2: {  	s0 =	rddreg [dreg:$0x1]  }
0x3: {  	s3 =	rddreg [dreg:$0x3]  }
0x4: {  	s4 =	rddreg [dreg:$0x4]  }
0x5: {  	s5 =	rddreg [dreg:$0x5];
	s6 =	simm.s32 $0x0  }
0x6: {  	s28 =	simm.s32 $0x1200;
	[smem:$0x7FF] =	sst s6  }
0x7: {  	s1 =	srdreg.scid;
	s7 =	sadd.s32 $0x82AC00, s0;
	s8 =	sadd.s32 $0x81A400, s0  }
0x8: {  	s15 =	stileid.u32;
	s9 =	sadd.s32 $0x801800, s0;
	s11 =	sadd.s32 $0x822800, s0  }
0x9: {  	s1 =	sand.u32 $0x1, s1;
	s12 =	sadd.s32 $0x812000, s0;
	s13 =	sadd.s32 $0x809C00, s0  }
0xa: {  	s14 =	sadd.s32 $0x1800, s0;
	_ =	strace $0x8000004A;
	s2 =	ssub.s32 $0x2, s1  }
0xb: {  	s23 =	sshll.u32 s1, $0x12;
	s1 =	sshll.u32 s1, $0x13;
	s10 =	sshrl.u32 s2, $0x1  }
0xc: {  	[dreg:$0x7] =	wrdreg s23;
	s22 =	ssub.s32 s2, s10;
	s2 =	sshll.u32 s15, $0xF  }
0xd: {  	[dreg:$0x8] =	wrdreg s1;
	s24 =	sor.u32 $0x1000, s2;
	s0 =	smax.u32 s22, $0x1  }
0xe: {  	s29 =	simm.s32 $0x3200;
	[dreg:$0x9] =	wrdreg s0;
	s25 =	sadd.s32 s24, s4  }
0xf: {  	s26 =	sor.u32 $0x2000, s2;
	s1 =	sadd.s32 s24, s5;
	[dreg:$0xa] =	wrdreg s25  }
0x10: {  	s30 =	simm.s32 $0x3280;
	s31 =	sadd.s32 s26, s4;
	[dreg:$0xb] =	wrdreg s1  }
0x11: {  	s10 =	sor.u32 $0x3000, s2;
	s0 =	sadd.s32 s26, s5;
	[dreg:$0xc] =	wrdreg s31  }
0x12: {  	s18 =	sor.u32 $0x4000, s2;
	s16 =	sadd.s32 s10, s4;
	[dreg:$0xd] =	wrdreg s0  }
0x13: {  	s20 =	sor.u32 $0x5000, s2;
	s19 =	sadd.s32 s18, s4;
	[dreg:$0xe] =	wrdreg s16  }
0x14: {  	s22 =	sor.u32 $0x6000, s2;
	s21 =	sadd.s32 s20, s4;
	[dreg:$0x10] =	wrdreg s19  }
0x15: {  	s23 =	sadd.s32 s22, s4;
	s24 =	sadd.s32 s2, s4;
	[dreg:$0x12] =	wrdreg s21  }
0x16: {  	s26 =	sor.u32 $0x7000, s2;
	s1 =	sadd.s32 s10, s5;
	[dreg:$0x14] =	wrdreg s23  }
0x17: {  	s0 =	sadd.s32 s18, s5;
	[dreg:$0x16] =	wrdreg s24;
	s25 =	sadd.s32 s2, s5  }
0x18: {  	s31 =	sadd.s32 s26, s4;
	s18 =	sshll.u32 s15, $0xA;
	[dreg:$0xf] =	wrdreg s1  }
0x19: {  	s19 =	smul.u32 $0x4200, s15;
	s21 =	simm.s32 $0x2;
	[dreg:$0x11] =	wrdreg s0  }
0x1a: {  	s23 =	simm.s32 $0x180;
	s24 =	simm.s32 $0x80;
	[dreg:$0x17] =	wrdreg s25  }
0x1b: {  	s1 =	sadd.s32 s20, s5;
	s0 =	sadd.s32 s22, s5;
	[dreg:$0x18] =	wrdreg s31  }
0x1c: {  	s20 =	simm.s32 $0x2200;
	s22 =	simm.s32 $0x100;
	[dreg:$0x13] =	wrdreg s1  }
0x1d: {  	s25 =	simm.s32 $0x200;
	[dreg:$0x15] =	wrdreg s0;
	s0 =	sadd.s32 s26, s5  }
0x1e: {  	v0 =	vimm.f32 $0.0e+00;
	s26 =	simm.s32 $0x1;
	s1 =	simm.s32 $0x0;
	[dreg:$0x19] =	wrdreg s0  }
.LBB2_1:
0x1f: {  	[dreg:$0x1a] =	wrdreg s1;
	s0 =	simm.s32 $0x80;
	s1 =	simm.s32 $0x0  }
.LBB2_2:
0x20: {  	p0 =	sne.s32 s0, $0x3F80;
	[tilespmem:s1+$0x2200] =	vst v0;
	s2 =	smov.u32 s0;
	s0 =	sadd.s32 $0x80, s0  }
.Ltmp0:
0x21: {  	[tilespmem:s1+$0x2210] =	vst v0;
	(pc) =	sbr.rel @p0 .LBB2_2-.Ltmp0, $2  }
0x22: {  	_ =	sdelay $0x2  }
0x23: {  	s1 =	sshra.s32 s2, $0x2  }
0x24: {  	[tilespmem:s1+$0x2200] =	vst v0  }
0x25: {  	[tilespmem:s1+$0x2210] =	vst v0;
	s0 =	rddreg [dreg:$0x16]  }
0x26: {  	[spmem:s0] =	stream.linear.scatter [tilespmem:s20], [sflag:$0x2], $0x1000, $0x38;
	[tilespmem:$0x13300] =	vst v63  }
0x27: {  	_ =	swait.ge [sflag:s21], $0x1000  }
0x28: {  	[sflag:s21] =	ssyncset.done $0x0  }
0x29: {  	s1 =	rddreg [dreg:$0x17];
	[sflag:s21] =	ssyncadd.s32 $0xFFFFF000  }
0x2a: {  	[spmem:s1] =	stream.linear.scatter [tilespmem:s20], [sflag:$0x2], $0x1000, $0x38;
	[tilespmem:$0x13300] =	vst v63  }
0x2b: {  	_ =	swait.ge [sflag:s21], $0x1000  }
0x2c: {  	[sflag:s21] =	ssyncset.done $0x0  }
0x2d: {  	s2 =	rddreg [dreg:$0xa];
	[sflag:s21] =	ssyncadd.s32 $0xFFFFF000  }
0x2e: {  	[spmem:s2] =	stream.linear.scatter [tilespmem:s20], [sflag:$0x2], $0x1000, $0x38;
	[tilespmem:$0x13300] =	vst v63  }
0x2f: {  	_ =	swait.ge [sflag:s21], $0x1000  }
0x30: {  	[sflag:s21] =	ssyncset.done $0x0  }
0x31: {  	s10 =	rddreg [dreg:$0xb];
	[sflag:s21] =	ssyncadd.s32 $0xFFFFF000  }
0x32: {  	[spmem:s10] =	stream.linear.scatter [tilespmem:s20], [sflag:$0x2], $0x1000, $0x38;
	[tilespmem:$0x13300] =	vst v63  }
0x33: {  	_ =	swait.ge [sflag:s21], $0x1000  }
0x34: {  	[sflag:s21] =	ssyncset.done $0x0  }
0x35: {  	s15 =	rddreg [dreg:$0xc];
	[sflag:s21] =	ssyncadd.s32 $0xFFFFF000  }
0x36: {  	[spmem:s15] =	stream.linear.scatter [tilespmem:s20], [sflag:$0x2], $0x1000, $0x38;
	[tilespmem:$0x13300] =	vst v63  }
0x37: {  	_ =	swait.ge [sflag:s21], $0x1000  }
0x38: {  	[sflag:s21] =	ssyncset.done $0x0  }
0x39: {  	s16 =	rddreg [dreg:$0xd];
	[sflag:s21] =	ssyncadd.s32 $0xFFFFF000  }
0x3a: {  	[spmem:s16] =	stream.linear.scatter [tilespmem:s20], [sflag:$0x2], $0x1000, $0x38;
	[tilespmem:$0x13300] =	vst v63  }
0x3b: {  	_ =	swait.ge [sflag:s21], $0x1000  }
0x3c: {  	[sflag:s21] =	ssyncset.done $0x0  }
0x3d: {  	s1 =	rddreg [dreg:$0xe];
	[sflag:s21] =	ssyncadd.s32 $0xFFFFF000  }
0x3e: {  	[spmem:s1] =	stream.linear.scatter [tilespmem:s20], [sflag:$0x2], $0x1000, $0x38;
	[tilespmem:$0x13300] =	vst v63  }
0x3f: {  	_ =	swait.ge [sflag:s21], $0x1000  }
0x40: {  	[sflag:s21] =	ssyncset.done $0x0  }
0x41: {  	s2 =	rddreg [dreg:$0xf];
	[sflag:s21] =	ssyncadd.s32 $0xFFFFF000  }
0x42: {  	[spmem:s2] =	stream.linear.scatter [tilespmem:s20], [sflag:$0x2], $0x1000, $0x38;
	[tilespmem:$0x13300] =	vst v63  }
0x43: {  	_ =	swait.ge [sflag:s21], $0x1000  }
0x44: {  	[sflag:s21] =	ssyncset.done $0x0  }
0x45: {  	s10 =	rddreg [dreg:$0x10];
	[sflag:s21] =	ssyncadd.s32 $0xFFFFF000  }
0x46: {  	[spmem:s10] =	stream.linear.scatter [tilespmem:s20], [sflag:$0x2], $0x1000, $0x38;
	[tilespmem:$0x13300] =	vst v63  }
0x47: {  	_ =	swait.ge [sflag:s21], $0x1000  }
0x48: {  	[sflag:s21] =	ssyncset.done $0x0  }
0x49: {  	s15 =	rddreg [dreg:$0x11];
	[sflag:s21] =	ssyncadd.s32 $0xFFFFF000  }
0x4a: {  	[spmem:s15] =	stream.linear.scatter [tilespmem:s20], [sflag:$0x2], $0x1000, $0x38;
	[tilespmem:$0x13300] =	vst v63  }
0x4b: {  	_ =	swait.ge [sflag:s21], $0x1000  }
0x4c: {  	[sflag:s21] =	ssyncset.done $0x0  }
0x4d: {  	s16 =	rddreg [dreg:$0x12];
	[sflag:s21] =	ssyncadd.s32 $0xFFFFF000  }
0x4e: {  	[spmem:s16] =	stream.linear.scatter [tilespmem:s20], [sflag:$0x2], $0x1000, $0x38;
	[tilespmem:$0x13300] =	vst v63  }
0x4f: {  	_ =	swait.ge [sflag:s21], $0x1000  }
0x50: {  	[sflag:s21] =	ssyncset.done $0x0  }
0x51: {  	s1 =	rddreg [dreg:$0x13];
	[sflag:s21] =	ssyncadd.s32 $0xFFFFF000  }
0x52: {  	[spmem:s1] =	stream.linear.scatter [tilespmem:s20], [sflag:$0x2], $0x1000, $0x38;
	[tilespmem:$0x13300] =	vst v63  }
0x53: {  	_ =	swait.ge [sflag:s21], $0x1000  }
0x54: {  	[sflag:s21] =	ssyncset.done $0x0  }
0x55: {  	s2 =	rddreg [dreg:$0x14];
	[sflag:s21] =	ssyncadd.s32 $0xFFFFF000  }
0x56: {  	[spmem:s2] =	stream.linear.scatter [tilespmem:s20], [sflag:$0x2], $0x1000, $0x38;
	[tilespmem:$0x13300] =	vst v63  }
0x57: {  	_ =	swait.ge [sflag:s21], $0x1000  }
0x58: {  	[sflag:s21] =	ssyncset.done $0x0  }
0x59: {  	s10 =	rddreg [dreg:$0x15];
	[sflag:s21] =	ssyncadd.s32 $0xFFFFF000  }
0x5a: {  	[spmem:s10] =	stream.linear.scatter [tilespmem:s20], [sflag:$0x2], $0x1000, $0x38;
	[tilespmem:$0x13300] =	vst v63  }
0x5b: {  	_ =	swait.ge [sflag:s21], $0x1000  }
0x5c: {  	[sflag:s21] =	ssyncset.done $0x0  }
0x5d: {  	s15 =	rddreg [dreg:$0x18];
	[sflag:s21] =	ssyncadd.s32 $0xFFFFF000  }
0x5e: {  	[spmem:s15] =	stream.linear.scatter [tilespmem:s20], [sflag:$0x2], $0x1000, $0x38;
	[tilespmem:$0x13300] =	vst v63  }
0x5f: {  	_ =	swait.ge [sflag:s21], $0x1000  }
0x60: {  	[sflag:s21] =	ssyncset.done $0x0  }
0x61: {  	s16 =	rddreg [dreg:$0x19];
	[sflag:s21] =	ssyncadd.s32 $0xFFFFF000  }
0x62: {  	[spmem:s16] =	stream.linear.scatter [tilespmem:s20], [sflag:$0x2], $0x1000, $0x38;
	[tilespmem:$0x13300] =	vst v63  }
0x63: {  	_ =	swait.ge [sflag:s21], $0x1000  }
0x64: {  	[sflag:s21] =	ssyncset.done $0x0  }
0x65: {  	[sflag:s21] =	ssyncadd.s32 $0xFFFFF000  }
0x66: {  	s31 =	simm.s32 $0x0;
	[bflag:$0x0] =	sbarrier.arrive $0xFFFF  }
.LBB2_4:
0x67: {  	s0 =	sshll.u32 s31, $0xE;
	s1 =	rddreg [dreg:$0x7]  }
0x68: {  	s0 =	sadd.s32 s1, s0  }
0x69: {  	v1 =	vmov s0;
	s0 =	simm.s32 $0x0  }
.LBB2_5:
0x6a: {  	s1 =	sshll.u32 s0, $0x7  }
0x6b: {  	s1 =	sadd.s32 s19, s1  }
0x6c: {  	s1 =	sshrl.u32 s1, $0x3  }
0x6d: {  	s10 =	simm.s32 $0x0;
	s2 =	sadd.s32 s7, s1  }
0x6e: {  	[tilespmem:s10], [sflag:$0x2] =	stream.linear.gather [hbm4b:s2+s10], $0x80, $0x38;
	[tilespmem:$0x13300] =	vst v63  }
0x6f: {  	_ =	swait.ge [sflag:s21], $0x80  }
0x70: {  	[sflag:s21] =	ssyncset.done $0x0  }
0x71: {  	s15 =	sadd.s32 s8, s1;
	[sflag:s21] =	ssyncadd.s32 $0xFFFFFF80  }
0x72: {  	[tilespmem:s22], [sflag:$0x2] =	stream.linear.gather [hbm4b:s15+s10], $0x80, $0x38;
	[tilespmem:$0x13300] =	vst v63  }
0x73: {  	_ =	swait.ge [sflag:s21], $0x80  }
0x74: {  	[sflag:s21] =	ssyncset.done $0x0  }
0x75: {  	s1 =	sadd.s32 s9, s1;
	[sflag:s21] =	ssyncadd.s32 $0xFFFFFF80  }
0x76: {  	[tilespmem:s23], [sflag:$0x2] =	stream.linear.gather [hbm4b:s1+s10], $0x80, $0x38;
	[tilespmem:$0x13300] =	vst v63  }
0x77: {  	_ =	swait.ge [sflag:s21], $0x80  }
0x78: {  	[sflag:s21] =	ssyncset.done $0x0  }
0x79: {  	[sflag:s21] =	ssyncadd.s32 $0xFFFFFF80  }
0x7a: {  	v2 =	vld [tilespmem:$0x0]  }
0x7b: {  	v3 =	vld [tilespmem:$0x10]  }
0x7c: {  	v4 =	vld [tilespmem:$0x20]  }
0x7d: {  	v5 =	vld [tilespmem:$0x30]  }
0x7e: {  	v6 =	vld [tilespmem:$0x40]  }
0x7f: {  	v7 =	vld [tilespmem:$0x50];
	v2 =	vadd.s32 v1, v2  }
0x80: {  	[tilespmem:$0x80] =	vst v2;
	v2 =	vadd.s32 v1, v3;
	v3 =	vld [tilespmem:$0x60]  }
0x81: {  	[tilespmem:$0x90] =	vst v2;
	v2 =	vadd.s32 v1, v4;
	v4 =	vld [tilespmem:$0x70]  }
0x82: {  	[tilespmem:$0xA0] =	vst v2;
	v2 =	vadd.s32 v1, v5  }
0x83: {  	[tilespmem:$0xB0] =	vst v2;
	v2 =	vadd.s32 v1, v6  }
0x84: {  	[tilespmem:$0xC0] =	vst v2;
	v2 =	vadd.s32 v1, v7  }
0x85: {  	[tilespmem:$0xD0] =	vst v2;
	v2 =	vadd.s32 v1, v3  }
0x86: {  	[tilespmem:$0xE0] =	vst v2;
	v2 =	vadd.s32 v1, v4  }
0x87: {  	[tilespmem:$0xF0] =	vst v2  }
0x88: {  	[tilespmem:s25], [sflag:$0x1] =	stream.indirect.gather [hbm4b:s17+s24], $0x20, s24, s24, $0xb8;
	[tilespmem:$0x13300] =	vst v63  }
0x89: {  	_ =	swait.ge [sflag:s26], $0x1000  }
0x8a: {  	[sflag:s26] =	ssyncset.done $0x0  }
0x8b: {  	s1 =	simm.s32 $0x300;
	[sflag:s26] =	ssyncadd.s32 $0xFFFFF000  }
0x8c: {  	v7 =	vld [tilespmem:s1+$0xFFFFFFA0]  }
0x8d: {  	v5 =	vld [tilespmem:s1+$0xFFFFFFF0]  }
0x8e: {  	v2 =	vld [tilespmem:s1+$0xFFFFFF60]  }
0x8f: {  	v8 =	vld [tilespmem:s1+$0xFFFFFFD0]  }
0x90: {  	v9 =	vld [tilespmem:s1+$0x80]  }
0x91: {  	v12 =	vld [tilespmem:s1+$0xFFFFFF10]  }
0x92: {  	v16 =	vld [tilespmem:s1+$0xE0]  }
0x93: {  	v11 =	vld [tilespmem:s1+$0xFFFFFF40]  }
0x94: {  	s16 =	simm.s32 $0x0;
	v3 =	vld [tilespmem:s1+$0xFFFFFF90]  }
0x95: {  	v4 =	vld [tilespmem:s16+$0x180]  }
0x96: {  	v10 =	vld [tilespmem:s1+$0xFFFFFFC0]  }
0x97: {  	v13 =	vld [tilespmem:s1+$0xFFFFFF00]  }
0x98: {  	v14 =	vld [tilespmem:s1+$0xD0]  }
0x99: {  	v23 =	vld [tilespmem:s1+$0xC0]  }
0x9a: {  	v21 =	vld [tilespmem:s1+$0x90];
	v19 =	vbroadcast v4, $0x0;
	v6 =	vbroadcast v4, $0xF  }
0x9b: {  	v22 =	vld [tilespmem:s1+$0xFFFFFF50];
	v20 =	vbroadcast v4, $0x2;
	v18 =	vbroadcast v4, $0xE  }
0x9c: {  	v17 =	vld [tilespmem:s1+$0xB0];
	v15 =	vbroadcast v4, $0xC;
	v25 =	vmul.f32 v19, v13  }
0x9d: {  	s15 =	simm.s32 $0x300;
	s10 =	simm.s32 $0x40;
	v13 =	vbroadcast v4, $0xD;
	v24 =	vmul.f32 v11, v20;
	v11 =	vld [tilespmem:s1+$0x60]  }
.LBB2_6:
0x9e: {  	p0 =	sne.s32 s10, $0x1C0  }
0x9f: {  	[tilespmem:s1+$0xFFFFFF00] =	vst v25;
	v25 =	vld [tilespmem:s1+$0xFFFFFFB0];
	v23 =	vmul.f32 v23, v18;
	v16 =	vmul.f32 v16, v6;
	s15 =	sadd.s32 $0x200, s15;
	s16 =	smov.u32 s10;
	s10 =	sadd.s32 $0x40, s10  }
0xa0: {  	[tilespmem:s1+$0xFFFFFF40] =	vst v24;
	v24 =	vbroadcast v4, $0xA;
	v21 =	vmul.f32 v21, v15;
	v26 =	vld [tilespmem:s1+$0xA0]  }
0xa1: {  	v12 =	vmul.f32 v12, v19;
	v19 =	vmul.f32 v22, v20;
	v20 =	vld [tilespmem:s1+$0x70];
	[tilespmem:s1+$0xE0] =	vst v16  }
0xa2: {  	v16 =	vbroadcast v4, $0x5;
	v22 =	vld [tilespmem:s1+$0xFFFFFFE0];
	v17 =	vmul.f32 v17, v13;
	[tilespmem:s1+$0xC0] =	vst v23  }
0xa3: {  	v14 =	vmul.f32 v14, v18;
	[tilespmem:s1+$0xFFFFFF10] =	vst v12;
	v12 =	vbroadcast v4, $0x6;
	v23 =	vld [tilespmem:s1+$0x40]  }
0xa4: {  	v27 =	vbroadcast v4, $0xB;
	v7 =	vmul.f32 v7, v16;
	v18 =	vld [tilespmem:s1+$0xFFFFFF20];
	[tilespmem:s1+$0x90] =	vst v21  }
0xa5: {  	v21 =	vbroadcast v4, $0x9;
	[tilespmem:s1+$0xFFFFFF50] =	vst v19;
	v19 =	vld [tilespmem:s1+$0x20];
	v13 =	vmul.f32 v26, v13  }
0xa6: {  	v16 =	vmul.f32 v25, v16;
	v25 =	vld [tilespmem:s1+$0x50];
	v20 =	vmul.f32 v20, v27;
	[tilespmem:s1+$0xD0] =	vst v14  }
0xa7: {  	v9 =	vmul.f32 v9, v15;
	v14 =	vbroadcast v4, $0x7;
	v26 =	vld [tilespmem:s1+$0x30];
	[tilespmem:s1+$0xA0] =	vst v13  }
0xa8: {  	v10 =	vmul.f32 v10, v12;
	v13 =	vbroadcast v4, $0x3;
	v15 =	vld [tilespmem:s1+$0x0];
	[tilespmem:s1+$0x70] =	vst v20  }
0xa9: {  	v11 =	vmul.f32 v11, v27;
	v8 =	vmul.f32 v8, v12;
	v12 =	vld [tilespmem:s1+$0x10];
	[tilespmem:s1+$0x80] =	vst v9  }
0xaa: {  	v20 =	vbroadcast v4, $0x8;
	v23 =	vmul.f32 v23, v24;
	v9 =	vld [tilespmem:s1+$0xFFFFFF30];
	[tilespmem:s1+$0xB0] =	vst v17  }
0xab: {  	v17 =	vbroadcast v4, $0x1;
	v27 =	vld [tilespmem:s1+$0xFFFFFF70];
	[tilespmem:s1+$0xFFFFFFD0] =	vst v8;
	v24 =	vmul.f32 v25, v24  }
0xac: {  	v5 =	vmul.f32 v5, v14;
	v8 =	vmul.f32 v22, v14;
	[tilespmem:s1+$0xFFFFFFC0] =	vst v10;
	v10 =	vld [tilespmem:s1+$0xF0]  }
0xad: {  	v22 =	vmul.f32 v26, v21;
	v14 =	vld [tilespmem:s1+$0xFFFFFF80];
	[tilespmem:s1+$0xFFFFFFA0] =	vst v7;
	v15 =	vmul.f32 v15, v20  }
0xae: {  	v7 =	vld [tilespmem:s15+$0xFFFFFFA0];
	[tilespmem:s1+$0xFFFFFFF0] =	vst v5;
	v20 =	vmul.f32 v12, v20;
	v12 =	vmul.f32 v19, v21  }
0xaf: {  	v5 =	vmul.f32 v18, v17;
	v17 =	vmul.f32 v9, v17;
	[tilespmem:s1+$0x60] =	vst v11  }
0xb0: {  	v2 =	vmul.f32 v2, v13;
	v9 =	vmul.f32 v27, v13;
	[tilespmem:s1+$0xFFFFFFB0] =	vst v16  }
0xb1: {  	v4 =	vbroadcast v4, $0x4;
	[tilespmem:s1+$0xFFFFFF20] =	vst v5;
	v5 =	vmul.f32 v10, v6  }
0xb2: {  	[tilespmem:s1+$0xFFFFFF60] =	vst v2  }
0xb3: {  	v6 =	vmul.f32 v14, v4;
	v2 =	vmul.f32 v3, v4;
	[tilespmem:s1+$0x40] =	vst v23  }
0xb4: {  	[tilespmem:s1+$0xFFFFFFE0] =	vst v8  }
0xb5: {  	[tilespmem:s1+$0xF0] =	vst v5  }
0xb6: {  	[tilespmem:s1+$0xFFFFFF90] =	vst v2  }
0xb7: {  	v5 =	vld [tilespmem:s15+$0xFFFFFFF0];
	[tilespmem:s1+$0xFFFFFF70] =	vst v9  }
0xb8: {  	v2 =	vld [tilespmem:s15+$0xFFFFFF60];
	[tilespmem:s1+$0x20] =	vst v12  }
0xb9: {  	v8 =	vld [tilespmem:s15+$0xFFFFFFD0];
	[tilespmem:s1+$0x30] =	vst v22  }
0xba: {  	v9 =	vld [tilespmem:s15+$0x80];
	[tilespmem:s1+$0xFFFFFF80] =	vst v6  }
0xbb: {  	v12 =	vld [tilespmem:s15+$0xFFFFFF10];
	[tilespmem:s1+$0x50] =	vst v24  }
0xbc: {  	v16 =	vld [tilespmem:s15+$0xE0];
	[tilespmem:s1+$0x0] =	vst v15  }
0xbd: {  	v11 =	vld [tilespmem:s15+$0xFFFFFF40];
	[tilespmem:s1+$0xFFFFFF30] =	vst v17  }
0xbe: {  	s2 =	sshra.s32 s16, $0x2;
	v3 =	vld [tilespmem:s15+$0xFFFFFF90];
	[tilespmem:s1+$0x10] =	vst v20;
	s1 =	smov.u32 s15  }
0xbf: {  	v4 =	vld [tilespmem:s2+$0x180]  }
0xc0: {  	v10 =	vld [tilespmem:s15+$0xFFFFFFC0]  }
0xc1: {  	v13 =	vld [tilespmem:s15+$0xFFFFFF00]  }
0xc2: {  	v14 =	vld [tilespmem:s15+$0xD0]  }
.Ltmp1:
0xc3: {  	v23 =	vld [tilespmem:s15+$0xC0];
	(pc) =	sbr.rel @p0 .LBB2_6-.Ltmp1, $4  }
0xc4: {  	v19 =	vbroadcast v4, $0x0;
	v21 =	vld [tilespmem:s15+$0x90];
	v6 =	vbroadcast v4, $0xF  }
0xc5: {  	v20 =	vbroadcast v4, $0x2;
	v18 =	vbroadcast v4, $0xE;
	v22 =	vld [tilespmem:s15+$0xFFFFFF50]  }
0xc6: {  	v25 =	vmul.f32 v19, v13;
	v13 =	vbroadcast v4, $0xD;
	v17 =	vld [tilespmem:s15+$0xB0]  }
0xc7: {  	v15 =	vbroadcast v4, $0xC;
	v24 =	vmul.f32 v11, v20;
	v11 =	vld [tilespmem:s15+$0x60]  }
0xc8: {  	[tilespmem:s1+$0xFFFFFF00] =	vst v25;
	v16 =	vmul.f32 v16, v6  }
0xc9: {  	v23 =	vmul.f32 v23, v18;
	[tilespmem:s1+$0xFFFFFF40] =	vst v24  }
0xca: {  	v12 =	vmul.f32 v12, v19;
	[tilespmem:s1+$0xE0] =	vst v16  }
0xcb: {  	v34 =	vmul.f32 v14, v18;
	[tilespmem:s1+$0xC0] =	vst v23  }
0xcc: {  	v32 =	vmul.f32 v21, v15;
	[tilespmem:s1+$0xFFFFFF10] =	vst v12  }
0xcd: {  	v40 =	vbroadcast v4, $0x6;
	v9 =	vmul.f32 v9, v15;
	[tilespmem:s1+$0xD0] =	vst v34  }
0xce: {  	v20 =	vmul.f32 v22, v20;
	[tilespmem:s1+$0x90] =	vst v32  }
0xcf: {  	v44 =	vbroadcast v4, $0x5;
	v8 =	vmul.f32 v8, v40;
	[tilespmem:s1+$0x80] =	vst v9  }
0xd0: {  	v46 =	vbroadcast v4, $0x7;
	v10 =	vmul.f32 v10, v40;
	[tilespmem:s1+$0xFFFFFF50] =	vst v20  }
0xd1: {  	v53 =	vbroadcast v4, $0x3;
	v7 =	vmul.f32 v7, v44;
	[tilespmem:s1+$0xFFFFFFD0] =	vst v8  }
0xd2: {  	v30 =	vld [tilespmem:s1+$0xA0];
	v58 =	vbroadcast v4, $0x4;
	v5 =	vmul.f32 v5, v46;
	[tilespmem:s1+$0xFFFFFFC0] =	vst v10  }
0xd3: {  	v31 =	vld [tilespmem:s1+$0x70];
	v2 =	vmul.f32 v2, v53;
	[tilespmem:s1+$0xFFFFFFA0] =	vst v7  }
0xd4: {  	v33 =	vld [tilespmem:s1+$0xFFFFFFB0];
	v36 =	vbroadcast v4, $0xB;
	v3 =	vmul.f32 v3, v58;
	[tilespmem:s1+$0xFFFFFFF0] =	vst v5  }
0xd5: {  	v35 =	vld [tilespmem:s1+$0xFFFFFF20];
	v42 =	vmul.f32 v17, v13;
	[tilespmem:s1+$0xFFFFFF60] =	vst v2  }
0xd6: {  	v39 =	vld [tilespmem:s1+$0x40];
	v11 =	vmul.f32 v11, v36;
	[tilespmem:s1+$0xFFFFFF90] =	vst v3  }
0xd7: {  	v37 =	vld [tilespmem:s1+$0xFFFFFFE0];
	v38 =	vmul.f32 v30, v13;
	[tilespmem:s1+$0xB0] =	vst v42  }
0xd8: {  	v51 =	vbroadcast v4, $0x1;
	v54 =	vld [tilespmem:s1+$0xF0];
	v19 =	vmul.f32 v31, v36;
	[tilespmem:s1+$0x60] =	vst v11  }
0xd9: {  	v48 =	vld [tilespmem:s1+$0xFFFFFF70];
	v55 =	vbroadcast v4, $0xA;
	v52 =	vmul.f32 v33, v44;
	[tilespmem:s1+$0xA0] =	vst v38  }
0xda: {  	v45 =	vld [tilespmem:s1+$0x30];
	v14 =	vmul.f32 v35, v51;
	[tilespmem:s1+$0x70] =	vst v19  }
0xdb: {  	v49 =	vld [tilespmem:s1+$0xFFFFFF80];
	v57 =	vmul.f32 v39, v55;
	[tilespmem:s1+$0xFFFFFFB0] =	vst v52  }
0xdc: {  	v43 =	vld [tilespmem:s1+$0x20];
	v9 =	vmul.f32 v37, v46;
	[tilespmem:s1+$0xFFFFFF20] =	vst v14  }
0xdd: {  	v56 =	vld [tilespmem:s1+$0xFFFFFF30];
	v59 =	vbroadcast v4, $0x9;
	v2 =	vmul.f32 v54, v6;
	[tilespmem:s1+$0x40] =	vst v57  }
0xde: {  	v41 =	vld [tilespmem:s1+$0x50];
	v60 =	vmul.f32 v48, v53;
	[tilespmem:s1+$0xFFFFFFE0] =	vst v9  }
0xdf: {  	v47 =	vld [tilespmem:s1+$0x0];
	v3 =	vmul.f32 v45, v59;
	[tilespmem:s1+$0xF0] =	vst v2  }
0xe0: {  	v50 =	vld [tilespmem:s1+$0x10];
	v62 =	vmul.f32 v49, v58;
	[tilespmem:s1+$0xFFFFFF70] =	vst v60  }
0xe1: {  	v2 =	vmul.f32 v43, v59;
	[tilespmem:s1+$0x30] =	vst v3  }
0xe2: {  	v61 =	vbroadcast v4, $0x8;
	v63 =	vmul.f32 v56, v51;
	[tilespmem:s1+$0xFFFFFF80] =	vst v62  }
0xe3: {  	[tilespmem:s1+$0x20] =	vst v2;
	v2 =	vmul.f32 v41, v55  }
0xe4: {  	v3 =	vmul.f32 v47, v61;
	[tilespmem:s1+$0xFFFFFF30] =	vst v63  }
0xe5: {  	s0 =	sadd.s32 $0x1, s0;
	[tilespmem:s1+$0x50] =	vst v2;
	v2 =	vmul.f32 v50, v61  }
0xe6: {  	p0 =	sne.s32 s0, $0x84;
	[tilespmem:s1+$0x0] =	vst v3  }
.Ltmp2:
0xe7: {  	[tilespmem:s1+$0x10] =	vst v2;
	(pc) =	sbr.rel @p0 .LBB2_5-.Ltmp2, $4  }
0xe8: {  	[spmem:s5] =	stream.indirect.scatter.add.f32 [tilespmem:s25], [sflag:$0x2], $0x20, s22, s24, $0xb8;
	[tilespmem:$0x13300] =	vst v63  }
0xe9: {  	_ =	swait.ge [sflag:s21], $0x1000  }
0xea: {  	[sflag:s21] =	ssyncset.done $0x0  }
0xeb: {  	s1 =	simm.s32 $0x0;
	[sflag:s21] =	ssyncadd.s32 $0xFFFFF000  }
0xec: {  	s0 =	simm.s32 $0x0  }
.LBB2_9:
0xed: {  	s2 =	sshll.u32 s0, $0x7  }
0xee: {  	s2 =	sadd.s32 s19, s2  }
0xef: {  	s2 =	sshrl.u32 s2, $0x3  }
0xf0: {  	s10 =	sadd.s32 s11, s2  }
0xf1: {  	[tilespmem:s1], [sflag:$0x2] =	stream.linear.gather [hbm4b:s10+s1], $0x80, $0x38;
	[tilespmem:$0x13300] =	vst v63  }
0xf2: {  	_ =	swait.ge [sflag:s21], $0x80  }
0xf3: {  	[sflag:s21] =	ssyncset.done $0x0  }
0xf4: {  	s16 =	sadd.s32 s12, s2;
	[sflag:s21] =	ssyncadd.s32 $0xFFFFFF80  }
0xf5: {  	[tilespmem:s22], [sflag:$0x2] =	stream.linear.gather [hbm4b:s16+s1], $0x80, $0x38;
	[tilespmem:$0x13300] =	vst v63  }
0xf6: {  	_ =	swait.ge [sflag:s21], $0x80  }
0xf7: {  	[sflag:s21] =	ssyncset.done $0x0  }
0xf8: {  	s2 =	sadd.s32 s13, s2;
	[sflag:s21] =	ssyncadd.s32 $0xFFFFFF80  }
0xf9: {  	[tilespmem:s23], [sflag:$0x2] =	stream.linear.gather [hbm4b:s2+s1], $0x80, $0x38;
	[tilespmem:$0x13300] =	vst v63  }
0xfa: {  	_ =	swait.ge [sflag:s21], $0x80  }
0xfb: {  	[sflag:s21] =	ssyncset.done $0x0  }
0xfc: {  	[sflag:s21] =	ssyncadd.s32 $0xFFFFFF80  }
0xfd: {  	[tilespmem:s25], [sflag:$0x1] =	stream.indirect.gather [spmem:s4], $0x20, s1, s24, $0xb8;
	[tilespmem:$0x13300] =	vst v63  }
0xfe: {  	_ =	swait.ge [sflag:s26], $0x1000  }
0xff: {  	[sflag:s26] =	ssyncset.done $0x0  }
0x100: {  	s10 =	simm.s32 $0x300;
	[sflag:s26] =	ssyncadd.s32 $0xFFFFF000  }
0x101: {  	v6 =	vld [tilespmem:s10+$0xFFFFFFA0]  }
0x102: {  	v4 =	vld [tilespmem:s10+$0xFFFFFFF0]  }
0x103: {  	v1 =	vld [tilespmem:s10+$0xFFFFFF60]  }
0x104: {  	v7 =	vld [tilespmem:s10+$0xFFFFFFD0]  }
0x105: {  	v8 =	vld [tilespmem:s10+$0x80]  }
0x106: {  	v11 =	vld [tilespmem:s10+$0xFFFFFF10]  }
0x107: {  	v15 =	vld [tilespmem:s10+$0xE0]  }
0x108: {  	v10 =	vld [tilespmem:s10+$0xFFFFFF40]  }
0x109: {  	s17 =	simm.s32 $0x0;
	v2 =	vld [tilespmem:s10+$0xFFFFFF90]  }
0x10a: {  	v3 =	vld [tilespmem:s17+$0x180]  }
0x10b: {  	v9 =	vld [tilespmem:s10+$0xFFFFFFC0]  }
0x10c: {  	v12 =	vld [tilespmem:s10+$0xFFFFFF00]  }
0x10d: {  	v13 =	vld [tilespmem:s10+$0xD0]  }
0x10e: {  	v22 =	vld [tilespmem:s10+$0xC0]  }
0x10f: {  	v20 =	vld [tilespmem:s10+$0x90];
	v18 =	vbroadcast v3, $0x0;
	v5 =	vbroadcast v3, $0xF  }
0x110: {  	v21 =	vld [tilespmem:s10+$0xFFFFFF50];
	v19 =	vbroadcast v3, $0x2;
	v17 =	vbroadcast v3, $0xE  }
0x111: {  	v16 =	vld [tilespmem:s10+$0xB0];
	v14 =	vbroadcast v3, $0xC;
	v24 =	vmul.f32 v18, v12  }
0x112: {  	s15 =	simm.s32 $0x40;
	s16 =	simm.s32 $0x300;
	v12 =	vbroadcast v3, $0xD;
	v23 =	vmul.f32 v10, v19;
	v10 =	vld [tilespmem:s10+$0x60]  }
.LBB2_10:
0x113: {  	p0 =	sne.s32 s15, $0x1C0  }
0x114: {  	[tilespmem:s10+$0xFFFFFF00] =	vst v24;
	v24 =	vld [tilespmem:s10+$0xFFFFFFB0];
	v22 =	vmul.f32 v22, v17;
	v15 =	vmul.f32 v15, v5;
	s16 =	sadd.s32 $0x200, s16;
	s17 =	smov.u32 s15;
	s15 =	sadd.s32 $0x40, s15  }
0x115: {  	[tilespmem:s10+$0xFFFFFF40] =	vst v23;
	v23 =	vbroadcast v3, $0xA;
	v20 =	vmul.f32 v20, v14;
	v25 =	vld [tilespmem:s10+$0xA0]  }
0x116: {  	v11 =	vmul.f32 v11, v18;
	v18 =	vmul.f32 v21, v19;
	v19 =	vld [tilespmem:s10+$0x70];
	[tilespmem:s10+$0xE0] =	vst v15  }
0x117: {  	v15 =	vbroadcast v3, $0x5;
	v21 =	vld [tilespmem:s10+$0xFFFFFFE0];
	v16 =	vmul.f32 v16, v12;
	[tilespmem:s10+$0xC0] =	vst v22  }
0x118: {  	v13 =	vmul.f32 v13, v17;
	[tilespmem:s10+$0xFFFFFF10] =	vst v11;
	v11 =	vbroadcast v3, $0x6;
	v22 =	vld [tilespmem:s10+$0x40]  }
0x119: {  	v26 =	vbroadcast v3, $0xB;
	v6 =	vmul.f32 v6, v15;
	v17 =	vld [tilespmem:s10+$0xFFFFFF20];
	[tilespmem:s10+$0x90] =	vst v20  }
0x11a: {  	v20 =	vbroadcast v3, $0x9;
	[tilespmem:s10+$0xFFFFFF50] =	vst v18;
	v18 =	vld [tilespmem:s10+$0x20];
	v12 =	vmul.f32 v25, v12  }
0x11b: {  	v15 =	vmul.f32 v24, v15;
	v24 =	vld [tilespmem:s10+$0x50];
	v19 =	vmul.f32 v19, v26;
	[tilespmem:s10+$0xD0] =	vst v13  }
0x11c: {  	v8 =	vmul.f32 v8, v14;
	v13 =	vbroadcast v3, $0x7;
	v25 =	vld [tilespmem:s10+$0x30];
	[tilespmem:s10+$0xA0] =	vst v12  }
0x11d: {  	v9 =	vmul.f32 v9, v11;
	v12 =	vbroadcast v3, $0x3;
	v14 =	vld [tilespmem:s10+$0x0];
	[tilespmem:s10+$0x70] =	vst v19  }
0x11e: {  	v10 =	vmul.f32 v10, v26;
	v7 =	vmul.f32 v7, v11;
	v11 =	vld [tilespmem:s10+$0x10];
	[tilespmem:s10+$0x80] =	vst v8  }
0x11f: {  	v19 =	vbroadcast v3, $0x8;
	v22 =	vmul.f32 v22, v23;
	v8 =	vld [tilespmem:s10+$0xFFFFFF30];
	[tilespmem:s10+$0xB0] =	vst v16  }
0x120: {  	v16 =	vbroadcast v3, $0x1;
	v26 =	vld [tilespmem:s10+$0xFFFFFF70];
	[tilespmem:s10+$0xFFFFFFD0] =	vst v7;
	v23 =	vmul.f32 v24, v23  }
0x121: {  	v4 =	vmul.f32 v4, v13;
	v7 =	vmul.f32 v21, v13;
	[tilespmem:s10+$0xFFFFFFC0] =	vst v9;
	v9 =	vld [tilespmem:s10+$0xF0]  }
0x122: {  	v21 =	vmul.f32 v25, v20;
	v13 =	vld [tilespmem:s10+$0xFFFFFF80];
	[tilespmem:s10+$0xFFFFFFA0] =	vst v6;
	v14 =	vmul.f32 v14, v19  }
0x123: {  	v6 =	vld [tilespmem:s16+$0xFFFFFFA0];
	[tilespmem:s10+$0xFFFFFFF0] =	vst v4;
	v19 =	vmul.f32 v11, v19;
	v11 =	vmul.f32 v18, v20  }
0x124: {  	v4 =	vmul.f32 v17, v16;
	v16 =	vmul.f32 v8, v16;
	[tilespmem:s10+$0x60] =	vst v10  }
0x125: {  	v1 =	vmul.f32 v1, v12;
	v8 =	vmul.f32 v26, v12;
	[tilespmem:s10+$0xFFFFFFB0] =	vst v15  }
0x126: {  	v3 =	vbroadcast v3, $0x4;
	[tilespmem:s10+$0xFFFFFF20] =	vst v4;
	v4 =	vmul.f32 v9, v5  }
0x127: {  	[tilespmem:s10+$0xFFFFFF60] =	vst v1  }
0x128: {  	v5 =	vmul.f32 v13, v3;
	v1 =	vmul.f32 v2, v3;
	[tilespmem:s10+$0x40] =	vst v22  }
0x129: {  	[tilespmem:s10+$0xFFFFFFE0] =	vst v7  }
0x12a: {  	[tilespmem:s10+$0xF0] =	vst v4  }
0x12b: {  	[tilespmem:s10+$0xFFFFFF90] =	vst v1  }
0x12c: {  	v4 =	vld [tilespmem:s16+$0xFFFFFFF0];
	[tilespmem:s10+$0xFFFFFF70] =	vst v8  }
0x12d: {  	v1 =	vld [tilespmem:s16+$0xFFFFFF60];
	[tilespmem:s10+$0x20] =	vst v11  }
0x12e: {  	v7 =	vld [tilespmem:s16+$0xFFFFFFD0];
	[tilespmem:s10+$0x30] =	vst v21  }
0x12f: {  	v8 =	vld [tilespmem:s16+$0x80];
	[tilespmem:s10+$0xFFFFFF80] =	vst v5  }
0x130: {  	v11 =	vld [tilespmem:s16+$0xFFFFFF10];
	[tilespmem:s10+$0x50] =	vst v23  }
0x131: {  	v15 =	vld [tilespmem:s16+$0xE0];
	[tilespmem:s10+$0x0] =	vst v14  }
0x132: {  	v10 =	vld [tilespmem:s16+$0xFFFFFF40];
	[tilespmem:s10+$0xFFFFFF30] =	vst v16  }
0x133: {  	s2 =	sshra.s32 s17, $0x2;
	v2 =	vld [tilespmem:s16+$0xFFFFFF90];
	[tilespmem:s10+$0x10] =	vst v19;
	s10 =	smov.u32 s16  }
0x134: {  	v3 =	vld [tilespmem:s2+$0x180]  }
0x135: {  	v9 =	vld [tilespmem:s16+$0xFFFFFFC0]  }
0x136: {  	v12 =	vld [tilespmem:s16+$0xFFFFFF00]  }
0x137: {  	v13 =	vld [tilespmem:s16+$0xD0]  }
.Ltmp3:
0x138: {  	v22 =	vld [tilespmem:s16+$0xC0];
	(pc) =	sbr.rel @p0 .LBB2_10-.Ltmp3, $4  }
0x139: {  	v18 =	vbroadcast v3, $0x0;
	v20 =	vld [tilespmem:s16+$0x90];
	v5 =	vbroadcast v3, $0xF  }
0x13a: {  	v19 =	vbroadcast v3, $0x2;
	v17 =	vbroadcast v3, $0xE;
	v21 =	vld [tilespmem:s16+$0xFFFFFF50]  }
0x13b: {  	v24 =	vmul.f32 v18, v12;
	v12 =	vbroadcast v3, $0xD;
	v16 =	vld [tilespmem:s16+$0xB0]  }
0x13c: {  	v14 =	vbroadcast v3, $0xC;
	v23 =	vmul.f32 v10, v19;
	v10 =	vld [tilespmem:s16+$0x60]  }
0x13d: {  	[tilespmem:s10+$0xFFFFFF00] =	vst v24;
	v15 =	vmul.f32 v15, v5  }
0x13e: {  	v22 =	vmul.f32 v22, v17;
	[tilespmem:s10+$0xFFFFFF40] =	vst v23  }
0x13f: {  	v11 =	vmul.f32 v11, v18;
	[tilespmem:s10+$0xE0] =	vst v15  }
0x140: {  	v35 =	vmul.f32 v13, v17;
	[tilespmem:s10+$0xC0] =	vst v22  }
0x141: {  	v33 =	vmul.f32 v20, v14;
	[tilespmem:s10+$0xFFFFFF10] =	vst v11  }
0x142: {  	v41 =	vbroadcast v3, $0x6;
	v8 =	vmul.f32 v8, v14;
	[tilespmem:s10+$0xD0] =	vst v35  }
0x143: {  	v19 =	vmul.f32 v21, v19;
	[tilespmem:s10+$0x90] =	vst v33  }
0x144: {  	v45 =	vbroadcast v3, $0x5;
	v7 =	vmul.f32 v7, v41;
	[tilespmem:s10+$0x80] =	vst v8  }
0x145: {  	v47 =	vbroadcast v3, $0x7;
	v9 =	vmul.f32 v9, v41;
	[tilespmem:s10+$0xFFFFFF50] =	vst v19  }
0x146: {  	v54 =	vbroadcast v3, $0x3;
	v6 =	vmul.f32 v6, v45;
	[tilespmem:s10+$0xFFFFFFD0] =	vst v7  }
0x147: {  	v31 =	vld [tilespmem:s10+$0xA0];
	v59 =	vbroadcast v3, $0x4;
	v4 =	vmul.f32 v4, v47;
	[tilespmem:s10+$0xFFFFFFC0] =	vst v9  }
0x148: {  	v32 =	vld [tilespmem:s10+$0x70];
	v1 =	vmul.f32 v1, v54;
	[tilespmem:s10+$0xFFFFFFA0] =	vst v6  }
0x149: {  	v34 =	vld [tilespmem:s10+$0xFFFFFFB0];
	v37 =	vbroadcast v3, $0xB;
	v2 =	vmul.f32 v2, v59;
	[tilespmem:s10+$0xFFFFFFF0] =	vst v4  }
0x14a: {  	v36 =	vld [tilespmem:s10+$0xFFFFFF20];
	v43 =	vmul.f32 v16, v12;
	[tilespmem:s10+$0xFFFFFF60] =	vst v1  }
0x14b: {  	v40 =	vld [tilespmem:s10+$0x40];
	v10 =	vmul.f32 v10, v37;
	[tilespmem:s10+$0xFFFFFF90] =	vst v2  }
0x14c: {  	v38 =	vld [tilespmem:s10+$0xFFFFFFE0];
	v39 =	vmul.f32 v31, v12;
	[tilespmem:s10+$0xB0] =	vst v43  }
0x14d: {  	v52 =	vbroadcast v3, $0x1;
	v55 =	vld [tilespmem:s10+$0xF0];
	v18 =	vmul.f32 v32, v37;
	[tilespmem:s10+$0x60] =	vst v10  }
0x14e: {  	v49 =	vld [tilespmem:s10+$0xFFFFFF70];
	v56 =	vbroadcast v3, $0xA;
	v53 =	vmul.f32 v34, v45;
	[tilespmem:s10+$0xA0] =	vst v39  }
0x14f: {  	v46 =	vld [tilespmem:s10+$0x30];
	v13 =	vmul.f32 v36, v52;
	[tilespmem:s10+$0x70] =	vst v18  }
0x150: {  	v50 =	vld [tilespmem:s10+$0xFFFFFF80];
	v58 =	vmul.f32 v40, v56;
	[tilespmem:s10+$0xFFFFFFB0] =	vst v53  }
0x151: {  	v44 =	vld [tilespmem:s10+$0x20];
	v8 =	vmul.f32 v38, v47;
	[tilespmem:s10+$0xFFFFFF20] =	vst v13  }
0x152: {  	v57 =	vld [tilespmem:s10+$0xFFFFFF30];
	v60 =	vbroadcast v3, $0x9;
	v1 =	vmul.f32 v55, v5;
	[tilespmem:s10+$0x40] =	vst v58  }
0x153: {  	v42 =	vld [tilespmem:s10+$0x50];
	v61 =	vmul.f32 v49, v54;
	[tilespmem:s10+$0xFFFFFFE0] =	vst v8  }
0x154: {  	v48 =	vld [tilespmem:s10+$0x0];
	v2 =	vmul.f32 v46, v60;
	[tilespmem:s10+$0xF0] =	vst v1  }
0x155: {  	v51 =	vld [tilespmem:s10+$0x10];
	v62 =	vmul.f32 v50, v59;
	[tilespmem:s10+$0xFFFFFF70] =	vst v61  }
0x156: {  	v1 =	vmul.f32 v44, v60;
	[tilespmem:s10+$0x30] =	vst v2  }
0x157: {  	v3 =	vbroadcast v3, $0x8;
	v63 =	vmul.f32 v57, v52;
	[tilespmem:s10+$0xFFFFFF80] =	vst v62  }
0x158: {  	[tilespmem:s10+$0x20] =	vst v1;
	v1 =	vmul.f32 v42, v56  }
0x159: {  	v2 =	vmul.f32 v48, v3;
	[tilespmem:s10+$0xFFFFFF30] =	vst v63  }
0x15a: {  	s0 =	sadd.s32 $0x1, s0;
	[tilespmem:s10+$0x50] =	vst v1;
	v1 =	vmul.f32 v51, v3  }
0x15b: {  	p0 =	sne.s32 s0, $0x84;
	[tilespmem:s10+$0x0] =	vst v2  }
.Ltmp4:
0x15c: {  	[tilespmem:s10+$0x10] =	vst v1;
	(pc) =	sbr.rel @p0 .LBB2_9-.Ltmp4, $4  }
0x15d: {  	[spmem:s5] =	stream.indirect.scatter.add.f32 [tilespmem:s25], [sflag:$0x2], $0x20, s22, s24, $0xb8;
	[tilespmem:$0x13300] =	vst v63  }
0x15e: {  	_ =	swait.ge [sflag:s21], $0x1000  }
0x15f: {  	[sflag:s21] =	ssyncset.done $0x0  }
0x160: {  	[sflag:s21] =	ssyncadd.s32 $0xFFFFF000  }
0x161: {  	[bflag:$0x0] =	sbarrier.arrive $0xFFFF  }
0x162: {  	s0 =	sshll.u32 s31, $0x14;
	s17 =	simm.s32 $0x0;
	s1 =	rddreg [dreg:$0x8]  }
0x163: {  	[dreg:$0x1b] =	wrdreg s31;
	s31 =	simm.s32 $0x0;
	s10 =	sor.u32 s1, s0  }
.LBB2_13:
0x164: {  	s0 =	sshll.u32 s31, $0x7  }
0x165: {  	s0 =	sadd.s32 s18, s0  }
0x166: {  	s15 =	sshll.u32 s0, $0x5  }
0x167: {  	s1 =	sadd.s32 s15, s5  }
0x168: {  	[tilespmem:s28], [sflag:$0x2] =	stream.linear.gather [spmem:s1], $0x1000, $0x38;
	[tilespmem:$0x13300] =	vst v63  }
0x169: {  	_ =	swait.ge [sflag:s21], $0x1000  }
0x16a: {  	[sflag:s21] =	ssyncset.done $0x0  }
0x16b: {  	[sflag:s21] =	ssyncadd.s32 $0xFFFFF000  }
0x16c: {  	[spmem:s1] =	stream.linear.scatter [tilespmem:s20], [sflag:$0x2], $0x1000, $0x38;
	[tilespmem:$0x13300] =	vst v63  }
0x16d: {  	_ =	swait.ge [sflag:s21], $0x1000  }
0x16e: {  	[sflag:s21] =	ssyncset.done $0x0  }
0x16f: {  	[sflag:s21] =	ssyncadd.s32 $0xFFFFF000  }
0x170: {  	s0 =	sshrl.u32 s0, $0x3;
	s16 =	rddreg [dreg:$0x2]  }
0x171: {  	s1 =	sadd.s32 s16, s0  }
0x172: {  	[tilespmem:s29], [sflag:$0x2] =	stream.linear.gather [hbm4b:s1+s17], $0x80, $0x38;
	[tilespmem:$0x13300] =	vst v63  }
0x173: {  	_ =	swait.ge [sflag:s21], $0x80  }
0x174: {  	[sflag:s21] =	ssyncset.done $0x0  }
0x175: {  	s0 =	sadd.s32 s3, s0;
	[sflag:s21] =	ssyncadd.s32 $0xFFFFFF80  }
0x176: {  	[tilespmem:s30], [sflag:$0x2] =	stream.linear.gather [hbm4b:s0+s17], $0x80, $0x38;
	[tilespmem:$0x13300] =	vst v63  }
0x177: {  	_ =	swait.ge [sflag:s21], $0x80  }
0x178: {  	[sflag:s21] =	ssyncset.done $0x0  }
0x179: {  	[sflag:s21] =	ssyncadd.s32 $0xFFFFFF80  }
0x17a: {  	v1 =	vld [tilespmem:$0x3200]  }
0x17b: {  	v2 =	vld [tilespmem:$0x3280]  }
0x17c: {  	v3 =	vld [tilespmem:$0x3210]  }
0x17d: {  	v4 =	vld [tilespmem:$0x3290]  }
0x17e: {  	v5 =	vld [tilespmem:$0x3220]  }
0x17f: {  	v6 =	vld [tilespmem:$0x32A0]  }
0x180: {  	v7 =	vld [tilespmem:$0x3230]  }
0x181: {  	v8 =	vld [tilespmem:$0x32B0]  }
0x182: {  	v9 =	vld [tilespmem:$0x3240]  }
0x183: {  	v10 =	vld [tilespmem:$0x32C0]  }
0x184: {  	v11 =	vld [tilespmem:$0x3250]  }
0x185: {  	v12 =	vld [tilespmem:$0x32D0]  }
0x186: {  	v13 =	vld [tilespmem:$0x3260]  }
0x187: {  	v62 =	vld [tilespmem:$0x3270];
	v1 =	vadd.f32 v2, v1  }
0x188: {  	v2 =	vld [tilespmem:$0x32E0];
	v3 =	vadd.f32 v4, v3  }
0x189: {  	v63 =	vld [tilespmem:$0x32F0];
	[tilespmem:$0x3200] =	vst v1;
	v1 =	vadd.f32 v6, v5  }
0x18a: {  	[tilespmem:$0x3210] =	vst v3;
	v3 =	vadd.f32 v8, v7  }
0x18b: {  	[tilespmem:$0x3220] =	vst v1;
	v1 =	vadd.f32 v10, v9  }
0x18c: {  	[tilespmem:$0x3230] =	vst v3;
	v3 =	vadd.f32 v12, v11  }
0x18d: {  	[tilespmem:$0x3240] =	vst v1;
	v1 =	vadd.f32 v2, v13  }
0x18e: {  	[tilespmem:$0x3250] =	vst v3;
	v2 =	vadd.f32 v63, v62  }
0x18f: {  	[tilespmem:$0x3260] =	vst v1  }
0x190: {  	s16 =	simm.s32 $0x1300;
	[tilespmem:$0x3270] =	vst v2  }
0x191: {  	s2 =	simm.s32 $0x0;
	s1 =	simm.s32 $0x40;
	s0 =	simm.s32 $0x1300;
	v2 =	vld [tilespmem:s16+$0xFFFFFF30]  }
.LBB2_14:
0x192: {  	p0 =	sne.s32 s1, $0x1C0;
	v1 =	vld [tilespmem:s2+$0x3200]  }
0x193: {  	v3 =	vld [tilespmem:s16+$0xFFFFFF10]  }
0x194: {  	v4 =	vld [tilespmem:s16+$0xFFFFFF00]  }
0x195: {  	v5 =	vld [tilespmem:s16+$0xFFFFFF20];
	_ =	sdelay $0x1  }
0x196: {  	v6 =	vbroadcast v1, $0x0;
	v7 =	vbroadcast v1, $0x1  }
0x197: {  	v9 =	vbroadcast v1, $0x2;
	v10 =	vbroadcast v1, $0x3;
	v8 =	vld [tilespmem:s16+$0xFFFFFF40]  }
0x198: {  	v11 =	vbroadcast v1, $0x4;
	v4 =	vadd.f32 v6, v4;
	v3 =	vadd.f32 v3, v6;
	v6 =	vld [tilespmem:s16+$0xFFFFFF50]  }
0x199: {  	v12 =	vbroadcast v1, $0x5;
	v2 =	vadd.f32 v2, v7;
	v5 =	vadd.f32 v5, v7;
	v7 =	vld [tilespmem:s16+$0xFFFFFF60]  }
0x19a: {  	v14 =	vbroadcast v1, $0x6;
	v4 =	vadd.f32 v4, v4;
	v3 =	vadd.f32 v3, v3;
	v13 =	vld [tilespmem:s16+$0xFFFFFF70]  }
0x19b: {  	v15 =	vbroadcast v1, $0x7;
	v2 =	vadd.f32 v2, v2;
	v5 =	vadd.f32 v5, v5  }
0x19c: {  	v4 =	vmul.f32 $1.442695020e+00, v4;
	v3 =	vmul.f32 $1.442695020e+00, v3;
	v8 =	vadd.f32 v8, v9  }
0x19d: {  	v2 =	vmul.f32 $1.442695020e+00, v2;
	v5 =	vmul.f32 $1.442695020e+00, v5;
	v6 =	vadd.f32 v6, v9;
	v9 =	vld [tilespmem:s16+$0xFFFFFF80]  }
0x19e: {  	v8 =	vadd.f32 v8, v8;
	v7 =	vadd.f32 v7, v10;
	v16 =	vld [tilespmem:s16+$0xFFFFFF90];
	(erf) = vpow2.f32 v4  }
0x19f: {  	v4 =	vadd.f32 v6, v6;
	v6 =	vadd.f32 v13, v10;
	v10 =	vld [tilespmem:s16+$0xFFFFFFA0];
	(erf) = vpow2.f32 v3  }
0x1a0: {  	v3 =	vmul.f32 $1.442695020e+00, v8;
	v7 =	vadd.f32 v7, v7;
	v8 =	vld [tilespmem:s16+$0xFFFFFFB0];
	(erf) = vpow2.f32 v5  }
0x1a1: {  	v4 =	vmul.f32 $1.442695020e+00, v4;
	v5 =	vadd.f32 v6, v6;
	v6 =	vld [tilespmem:s16+$0xFFFFFFC0];
	(erf) = vpow2.f32 v2  }
0x1a2: {  	v2 =	vmul.f32 $1.442695020e+00, v7;
	v7 =	vadd.f32 v9, v11;
	v9 =	vld [tilespmem:s16+$0xFFFFFFD0];
	(erf) = vpow2.f32 v3  }
0x1a3: {  	v3 =	vmul.f32 $1.442695020e+00, v5;
	v5 =	vadd.f32 v16, v11;
	(erf) = vpow2.f32 v4  }
0x1a4: {  	v4 =	vadd.f32 v7, v7;
	v7 =	vadd.f32 v10, v12;
	(erf) = vpow2.f32 v2  }
0x1a5: {  	v2 =	vadd.f32 v5, v5;
	v5 =	vadd.f32 v8, v12;
	(erf) = vpow2.f32 v3  }
0x1a6: {  	v3 =	vmul.f32 $1.442695020e+00, v4;
	v4 =	vadd.f32 v7, v7;
	v6 =	vadd.f32 v6, v14  }
0x1a7: {  	v2 =	vmul.f32 $1.442695020e+00, v2;
	v5 =	vadd.f32 v5, v5;
	v7 =	vadd.f32 v9, v14;
	v8 =	vpop (erf)  }
0x1a8: {  	v11 =	vadd.f32 $1.000000000e+00, v8;
	v4 =	vmul.f32 $1.442695020e+00, v4;
	v9 =	vpop (erf);
	(erf) = vpow2.f32 v3  }
0x1a9: {  	v12 =	vadd.f32 $1.000000000e+00, v9;
	v5 =	vmul.f32 $1.442695020e+00, v5;
	v9 =	vld [tilespmem:s16+$0xFFFFFFE0];
	v10 =	vpop (erf);
	(erf) = vpow2.f32 v2  }
0x1aa: {  	v6 =	vadd.f32 v6, v6;
	v13 =	vadd.f32 $1.000000000e+00, v10;
	v10 =	vld [tilespmem:s16+$0xFFFFFFF0];
	(erf) = vrcp.f32 v11;
	v8 =	vpop (erf)  }
0x1ab: {  	v7 =	vadd.f32 v7, v7;
	v11 =	vadd.f32 $1.000000000e+00, v8;
	(erf) = vrcp.f32 v12;
	v3 =	vpop (erf)  }
0x1ac: {  	v6 =	vmul.f32 $1.442695020e+00, v6;
	v12 =	vadd.f32 $1.000000000e+00, v3;
	(erf) = vrcp.f32 v13;
	v2 =	vpop (erf)  }
0x1ad: {  	v7 =	vmul.f32 $1.442695020e+00, v7;
	v2 =	vadd.f32 $1.000000000e+00, v2;
	(erf) = vrcp.f32 v11;
	v8 =	vpop (erf)  }
0x1ae: {  	v8 =	vadd.f32 $1.000000000e+00, v8;
	v9 =	vadd.f32 v9, v15;
	(erf) = vrcp.f32 v12;
	v3 =	vpop (erf)  }
0x1af: {  	v14 =	vadd.f32 $1.000000000e+00, v3;
	v10 =	vadd.f32 v10, v15;
	v11 =	vld [tilespmem:s16+$0x0];
	(erf) = vrcp.f32 v2  }
0x1b0: {  	v2 =	vadd.f32 v9, v9;
	v9 =	vbroadcast v1, $0x8;
	v12 =	vld [tilespmem:s16+$0x10];
	(erf) = vrcp.f32 v8  }
0x1b1: {  	v8 =	vadd.f32 v10, v10;
	v10 =	vbroadcast v1, $0x9;
	(erf) = vrcp.f32 v14;
	v3 =	vpop (erf)  }
0x1b2: {  	v3 =	vadd.f32 $1.000000000e+00, v3;
	v2 =	vmul.f32 $1.442695020e+00, v2;
	v13 =	vpop (erf);
	(erf) = vpow2.f32 v4  }
0x1b3: {  	v4 =	vadd.f32 $1.000000000e+00, v13;
	v8 =	vmul.f32 $1.442695020e+00, v8;
	v13 =	vpop (erf);
	(erf) = vpow2.f32 v5  }
0x1b4: {  	v5 =	vadd.f32 v13, v13;
	v11 =	vadd.f32 v11, v9;
	v13 =	vpop (erf);
	(erf) = vrcp.f32 v3  }
0x1b5: {  	v3 =	vadd.f32 v13, v13;
	v9 =	vadd.f32 v12, v9;
	v12 =	vpop (erf);
	(erf) = vrcp.f32 v4  }
0x1b6: {  	v4 =	vsub.f32 $1.000000000e+00, v5;
	v5 =	vadd.f32 v12, v12;
	v12 =	vpop (erf);
	(erf) = vpow2.f32 v6  }
0x1b7: {  	v3 =	vsub.f32 $1.000000000e+00, v3;
	v13 =	vadd.f32 v12, v12;
	v12 =	vpop (erf);
	(erf) = vpow2.f32 v7  }
0x1b8: {  	[tilespmem:s16+$0xFFFFFF00] =	vst v4;
	v4 =	vsub.f32 $1.000000000e+00, v5;
	v5 =	vadd.f32 v12, v12;
	v7 =	vpop (erf);
	(erf) = vpow2.f32 v2  }
0x1b9: {  	[tilespmem:s16+$0xFFFFFF10] =	vst v3;
	v2 =	vsub.f32 $1.000000000e+00, v13;
	v13 =	vadd.f32 v7, v7;
	v6 =	vpop (erf);
	(erf) = vpow2.f32 v8  }
0x1ba: {  	[tilespmem:s16+$0xFFFFFF20] =	vst v4;
	v4 =	vsub.f32 $1.000000000e+00, v5;
	v5 =	vadd.f32 v6, v6;
	v6 =	vbroadcast v1, $0xA;
	v7 =	vpop (erf)  }
0x1bb: {  	v8 =	vbroadcast v1, $0xB;
	[tilespmem:s16+$0xFFFFFF30] =	vst v2;
	v2 =	vsub.f32 $1.000000000e+00, v13;
	v7 =	vadd.f32 v7, v7;
	v3 =	vpop (erf)  }
0x1bc: {  	[tilespmem:s16+$0xFFFFFF40] =	vst v4;
	v4 =	vsub.f32 $1.000000000e+00, v5;
	v5 =	vadd.f32 $1.000000000e+00, v3;
	v3 =	vbroadcast v1, $0xC;
	v12 =	vpop (erf)  }
0x1bd: {  	[tilespmem:s16+$0xFFFFFF50] =	vst v2;
	v7 =	vsub.f32 $1.000000000e+00, v7;
	v17 =	vadd.f32 $1.000000000e+00, v12;
	v13 =	vld [tilespmem:s16+$0x20];
	v2 =	vbroadcast v1, $0xD;
	v14 =	vpop (erf)  }
0x1be: {  	v11 =	vadd.f32 v11, v11;
	[tilespmem:s16+$0xFFFFFF60] =	vst v4;
	v4 =	vadd.f32 v14, v14;
	v14 =	vld [tilespmem:s16+$0x30];
	v15 =	vpop (erf);
	(erf) = vrcp.f32 v5  }
0x1bf: {  	[tilespmem:s16+$0xFFFFFF70] =	vst v7;
	v5 =	vadd.f32 v15, v15;
	v7 =	vadd.f32 v9, v9;
	v9 =	vld [tilespmem:s16+$0x40];
	(erf) = vrcp.f32 v17;
	v12 =	vpop (erf)  }
0x1c0: {  	v11 =	vmul.f32 $1.442695020e+00, v11;
	v4 =	vsub.f32 $1.000000000e+00, v4;
	v18 =	vadd.f32 $1.000000000e+00, v12;
	v15 =	vld [tilespmem:s16+$0x50];
	v16 =	vpop (erf)  }
0x1c1: {  	v5 =	vsub.f32 $1.000000000e+00, v5;
	v16 =	vadd.f32 $1.000000000e+00, v16;
	v7 =	vmul.f32 $1.442695020e+00, v7;
	v17 =	vpop (erf)  }
0x1c2: {  	[tilespmem:s16+$0xFFFFFF80] =	vst v4;
	v4 =	vadd.f32 $1.000000000e+00, v17;
	v13 =	vadd.f32 v13, v10;
	(erf) = vrcp.f32 v18;
	v12 =	vpop (erf)  }
0x1c3: {  	[tilespmem:s16+$0xFFFFFF90] =	vst v5;
	v5 =	vadd.f32 $1.000000000e+00, v12;
	v10 =	vadd.f32 v14, v10;
	(erf) = vrcp.f32 v16  }
0x1c4: {  	v12 =	vadd.f32 v13, v13;
	v9 =	vadd.f32 v9, v6;
	(erf) = vrcp.f32 v4  }
0x1c5: {  	v4 =	vadd.f32 v10, v10;
	v6 =	vadd.f32 v15, v6;
	v10 =	vld [tilespmem:s16+$0x60];
	(erf) = vrcp.f32 v5  }
0x1c6: {  	v5 =	vmul.f32 $1.442695020e+00, v12;
	v9 =	vadd.f32 v9, v9;
	v12 =	vld [tilespmem:s16+$0x70];
	(erf) = vpow2.f32 v11  }
0x1c7: {  	v4 =	vmul.f32 $1.442695020e+00, v4;
	v6 =	vadd.f32 v6, v6;
	v11 =	vpop (erf);
	(erf) = vpow2.f32 v7  }
0x1c8: {  	v7 =	vadd.f32 v11, v11;
	v13 =	vmul.f32 $1.442695020e+00, v9;
	v11 =	vpop (erf);
	(erf) = vpow2.f32 v5  }
0x1c9: {  	v5 =	vadd.f32 v11, v11;
	v6 =	vmul.f32 $1.442695020e+00, v6;
	(erf) = vpow2.f32 v4  }
0x1ca: {  	v4 =	vsub.f32 $1.000000000e+00, v7;
	v7 =	vadd.f32 v10, v8;
	(erf) = vpow2.f32 v13  }
0x1cb: {  	v5 =	vsub.f32 $1.000000000e+00, v5;
	v8 =	vadd.f32 v12, v8;
	v9 =	vpop (erf);
	(erf) = vpow2.f32 v6  }
0x1cc: {  	[tilespmem:s16+$0xFFFFFFA0] =	vst v4;
	v4 =	vadd.f32 v9, v9;
	v6 =	vadd.f32 v7, v7;
	v7 =	vbroadcast v1, $0xE;
	v9 =	vpop (erf)  }
0x1cd: {  	v1 =	vbroadcast v1, $0xF;
	[tilespmem:s16+$0xFFFFFFB0] =	vst v5;
	v5 =	vadd.f32 v9, v9;
	v8 =	vadd.f32 v8, v8;
	v9 =	vld [tilespmem:s16+$0x80];
	v10 =	vpop (erf)  }
0x1ce: {  	v4 =	vsub.f32 $1.000000000e+00, v4;
	v10 =	vadd.f32 v10, v10;
	v6 =	vmul.f32 $1.442695020e+00, v6;
	v11 =	vld [tilespmem:s16+$0x90];
	v12 =	vpop (erf)  }
0x1cf: {  	v5 =	vsub.f32 $1.000000000e+00, v5;
	v12 =	vadd.f32 v12, v12;
	v8 =	vmul.f32 $1.442695020e+00, v8;
	v13 =	vpop (erf)  }
0x1d0: {  	[tilespmem:s16+$0xFFFFFFC0] =	vst v4;
	v4 =	vsub.f32 $1.000000000e+00, v10;
	v14 =	vadd.f32 $1.000000000e+00, v13;
	v13 =	vpop (erf);
	(erf) = vpow2.f32 v6  }
0x1d1: {  	[tilespmem:s16+$0xFFFFFFD0] =	vst v5;
	v5 =	vsub.f32 $1.000000000e+00, v12;
	v15 =	vadd.f32 $1.000000000e+00, v13;
	v12 =	vld [tilespmem:s16+$0xA0];
	v13 =	vpop (erf);
	(erf) = vpow2.f32 v8  }
0x1d2: {  	[tilespmem:s16+$0xFFFFFFE0] =	vst v4;
	v13 =	vadd.f32 $1.000000000e+00, v13;
	v8 =	vadd.f32 v9, v3;
	v9 =	vld [tilespmem:s16+$0xB0];
	(erf) = vrcp.f32 v14;
	v10 =	vpop (erf)  }
0x1d3: {  	[tilespmem:s16+$0xFFFFFFF0] =	vst v5;
	v5 =	vadd.f32 $1.000000000e+00, v10;
	v3 =	vadd.f32 v11, v3;
	v10 =	vld [tilespmem:s16+$0xC0];
	(erf) = vrcp.f32 v15;
	v6 =	vpop (erf)  }
0x1d4: {  	v6 =	vadd.f32 $1.000000000e+00, v6;
	v8 =	vadd.f32 v8, v8;
	v11 =	vld [tilespmem:s16+$0xD0];
	(erf) = vrcp.f32 v13;
	v4 =	vpop (erf)  }
0x1d5: {  	v4 =	vadd.f32 $1.000000000e+00, v4;
	v3 =	vadd.f32 v3, v3;
	(erf) = vrcp.f32 v5  }
0x1d6: {  	v5 =	vmul.f32 $1.442695020e+00, v8;
	v8 =	vadd.f32 v12, v2;
	(erf) = vrcp.f32 v6  }
0x1d7: {  	v3 =	vmul.f32 $1.442695020e+00, v3;
	v2 =	vadd.f32 v9, v2;
	(erf) = vrcp.f32 v4  }
0x1d8: {  	v4 =	vadd.f32 v8, v8;
	v6 =	vadd.f32 v10, v7;
	(erf) = vpow2.f32 v5  }
0x1d9: {  	v2 =	vadd.f32 v2, v2;
	v5 =	vadd.f32 v11, v7;
	v7 =	vpop (erf);
	(erf) = vpow2.f32 v3  }
0x1da: {  	v3 =	vadd.f32 $1.000000000e+00, v7;
	v4 =	vmul.f32 $1.442695020e+00, v4;
	v6 =	vadd.f32 v6, v6;
	v7 =	vpop (erf)  }
0x1db: {  	v7 =	vadd.f32 $1.000000000e+00, v7;
	v2 =	vmul.f32 $1.442695020e+00, v2;
	v5 =	vadd.f32 v5, v5;
	v8 =	vpop (erf)  }
0x1dc: {  	v8 =	vadd.f32 v8, v8;
	v6 =	vmul.f32 $1.442695020e+00, v6;
	v9 =	vpop (erf);
	(erf) = vrcp.f32 v3  }
0x1dd: {  	v3 =	vadd.f32 v9, v9;
	v5 =	vmul.f32 $1.442695020e+00, v5;
	v9 =	vpop (erf);
	(erf) = vrcp.f32 v7  }
0x1de: {  	v7 =	vsub.f32 $1.000000000e+00, v8;
	v12 =	vadd.f32 v9, v9;
	v9 =	vld [tilespmem:s16+$0xF0];
	v10 =	vpop (erf);
	(erf) = vpow2.f32 v4  }
0x1df: {  	v3 =	vsub.f32 $1.000000000e+00, v3;
	v4 =	vadd.f32 v10, v10;
	v10 =	vld [tilespmem:s16+$0xE0];
	v11 =	vpop (erf);
	(erf) = vpow2.f32 v2  }
0x1e0: {  	[tilespmem:s16+$0x0] =	vst v7;
	v2 =	vsub.f32 $1.000000000e+00, v12;
	v7 =	vadd.f32 v11, v11;
	v8 =	vpop (erf);
	(erf) = vpow2.f32 v6  }
0x1e1: {  	[tilespmem:s16+$0x10] =	vst v3;
	v3 =	vsub.f32 $1.000000000e+00, v4;
	v4 =	vadd.f32 v8, v8;
	v6 =	vpop (erf);
	(erf) = vpow2.f32 v5  }
0x1e2: {  	[tilespmem:s16+$0x20] =	vst v2;
	v2 =	vsub.f32 $1.000000000e+00, v7;
	v5 =	vadd.f32 $1.000000000e+00, v6;
	v6 =	vpop (erf)  }
0x1e3: {  	[tilespmem:s16+$0x30] =	vst v3;
	v7 =	vsub.f32 $1.000000000e+00, v4;
	v6 =	vadd.f32 $1.000000000e+00, v6  }
0x1e4: {  	[tilespmem:s16+$0x40] =	vst v2;
	v2 =	vadd.f32 v10, v1;
	v1 =	vadd.f32 v9, v1;
	(erf) = vrcp.f32 v5  }
0x1e5: {  	[tilespmem:s16+$0x50] =	vst v7;
	v3 =	vpop (erf);
	(erf) = vrcp.f32 v6  }
0x1e6: {  	v3 =	vadd.f32 v3, v3;
	v2 =	vadd.f32 v2, v2;
	v4 =	vpop (erf)  }
0x1e7: {  	v1 =	vadd.f32 v1, v1;
	v4 =	vadd.f32 v4, v4;
	v5 =	vpop (erf)  }
0x1e8: {  	v3 =	vsub.f32 $1.000000000e+00, v3;
	v8 =	vadd.f32 $1.000000000e+00, v5;
	v2 =	vmul.f32 $1.442695020e+00, v2;
	v6 =	vpop (erf)  }
0x1e9: {  	v1 =	vmul.f32 $1.442695020e+00, v1;
	v4 =	vsub.f32 $1.000000000e+00, v4;
	v6 =	vadd.f32 $1.000000000e+00, v6;
	v7 =	vpop (erf)  }
0x1ea: {  	[tilespmem:s16+$0x60] =	vst v3;
	v7 =	vadd.f32 $1.000000000e+00, v7;
	(erf) = vrcp.f32 v8;
	v5 =	vpop (erf)  }
0x1eb: {  	[tilespmem:s16+$0x70] =	vst v4;
	v5 =	vadd.f32 $1.000000000e+00, v5;
	(erf) = vrcp.f32 v6  }
0x1ec: {  	(erf) = vrcp.f32 v7  }
0x1ed: {  	v3 =	vpop (erf);
	(erf) = vrcp.f32 v5  }
0x1ee: {  	v3 =	vadd.f32 v3, v3;
	v4 =	vpop (erf);
	(erf) = vpow2.f32 v2  }
0x1ef: {  	v2 =	vadd.f32 v4, v4;
	(erf) = vpow2.f32 v1  }
0x1f0: {  	v3 =	vsub.f32 $1.000000000e+00, v3  }
0x1f1: {  	v4 =	vsub.f32 $1.000000000e+00, v2  }
0x1f2: {  	[tilespmem:s16+$0x80] =	vst v3  }
0x1f3: {  	[tilespmem:s16+$0x90] =	vst v4;
	v1 =	vpop (erf)  }
0x1f4: {  	v1 =	vadd.f32 v1, v1;
	v2 =	vpop (erf)  }
0x1f5: {  	v2 =	vadd.f32 v2, v2;
	v3 =	vpop (erf)  }
0x1f6: {  	v1 =	vsub.f32 $1.000000000e+00, v1;
	v3 =	vadd.f32 v3, v3;
	v4 =	vpop (erf)  }
0x1f7: {  	v2 =	vsub.f32 $1.000000000e+00, v2;
	v4 =	vadd.f32 v4, v4;
	v5 =	vpop (erf)  }
0x1f8: {  	[tilespmem:s16+$0xA0] =	vst v1;
	v1 =	vsub.f32 $1.000000000e+00, v3;
	v3 =	vadd.f32 $1.000000000e+00, v5;
	v5 =	vpop (erf)  }
0x1f9: {  	[tilespmem:s16+$0xB0] =	vst v2;
	v2 =	vsub.f32 $1.000000000e+00, v4;
	v4 =	vadd.f32 $1.000000000e+00, v5  }
0x1fa: {  	[tilespmem:s16+$0xC0] =	vst v1;
	(erf) = vrcp.f32 v3  }
0x1fb: {  	[tilespmem:s16+$0xD0] =	vst v2;
	(erf) = vrcp.f32 v4;
	_ =	sdelay $0x7  }
0x1fc: {  	v1 =	vpop (erf)  }
0x1fd: {  	v1 =	vadd.f32 v1, v1;
	v2 =	vpop (erf)  }
.Ltmp5:
0x1fe: {  	v2 =	vadd.f32 v2, v2;
	(pc) =	sbr.rel @p0 .LBB2_14-.Ltmp5, $4  }
0x1ff: {  	v1 =	vsub.f32 $1.000000000e+00, v1  }
0x200: {  	v3 =	vsub.f32 $1.000000000e+00, v2  }
0x201: {  	s16 =	sadd.s32 $0x200, s16;
	[tilespmem:s0+$0xE0] =	vst v1  }
0x202: {  	s2 =	sshra.s32 s1, $0x2;
	s1 =	sadd.s32 $0x40, s1;
	v2 =	vld [tilespmem:s16+$0xFFFFFF30];
	[tilespmem:s0+$0xF0] =	vst v3;
	s0 =	smov.u32 s16  }
0x203: {  	v1 =	vld [tilespmem:s2+$0x3200];
	_ =	sdelay $0x1  }
0x204: {  	v4 =	vld [tilespmem:s16+$0xFFFFFF00]  }
0x205: {  	v3 =	vld [tilespmem:s16+$0xFFFFFF10]  }
0x206: {  	v5 =	vld [tilespmem:s16+$0xFFFFFF20]  }
0x207: {  	v6 =	vbroadcast v1, $0x0  }
0x208: {  	v8 =	vld [tilespmem:s16+$0xFFFFFF40]  }
0x209: {  	v27 =	vld [tilespmem:s16+$0xFFFFFF50];
	v7 =	vbroadcast v1, $0x1;
	v4 =	vadd.f32 v6, v4  }
0x20a: {  	v3 =	vadd.f32 v3, v6  }
0x20b: {  	v28 =	vld [tilespmem:s16+$0xFFFFFF60];
	v9 =	vbroadcast v1, $0x2;
	v5 =	vadd.f32 v5, v7;
	v4 =	vadd.f32 v4, v4  }
0x20c: {  	v10 =	vbroadcast v1, $0x3;
	v12 =	vbroadcast v1, $0x4;
	v3 =	vadd.f32 v3, v3  }
0x20d: {  	v11 =	vld [tilespmem:s16+$0xFFFFFF70];
	v2 =	vadd.f32 v2, v7;
	v5 =	vadd.f32 v5, v5;
	v4 =	vmul.f32 $1.442695020e+00, v4  }
0x20e: {  	v29 =	vld [tilespmem:s16+$0xFFFFFF80];
	v8 =	vadd.f32 v8, v9;
	v6 =	vadd.f32 v27, v9;
	v3 =	vmul.f32 $1.442695020e+00, v3  }
0x20f: {  	v2 =	vadd.f32 v2, v2;
	v5 =	vmul.f32 $1.442695020e+00, v5;
	(erf) = vpow2.f32 v4  }
0x210: {  	v13 =	vld [tilespmem:s16+$0xFFFFFF90];
	v7 =	vadd.f32 v28, v10;
	v8 =	vadd.f32 v8, v8;
	(erf) = vpow2.f32 v3  }
0x211: {  	v30 =	vadd.f32 v6, v6;
	v2 =	vmul.f32 $1.442695020e+00, v2;
	(erf) = vpow2.f32 v5  }
0x212: {  	v31 =	vadd.f32 v11, v10;
	v7 =	vadd.f32 v7, v7;
	v3 =	vmul.f32 $1.442695020e+00, v8  }
0x213: {  	v33 =	vadd.f32 v29, v12;
	v4 =	vmul.f32 $1.442695020e+00, v30;
	(erf) = vpow2.f32 v2  }
0x214: {  	v32 =	vadd.f32 v31, v31;
	v2 =	vmul.f32 $1.442695020e+00, v7;
	(erf) = vpow2.f32 v3  }
0x215: {  	v35 =	vld [tilespmem:s16+$0xFFFFFFA0];
	v34 =	vadd.f32 v13, v12;
	v6 =	vadd.f32 v33, v33;
	(erf) = vpow2.f32 v4  }
0x216: {  	v3 =	vmul.f32 $1.442695020e+00, v32;
	(erf) = vpow2.f32 v2;
	v2 =	vld [tilespmem:s16+$0xFFFFFFB0]  }
0x217: {  	v6 =	vmul.f32 $1.442695020e+00, v6;
	v5 =	vadd.f32 v34, v34  }
0x218: {  	v45 =	vld [tilespmem:s16+$0xFFFFFFE0];
	(erf) = vpow2.f32 v3;
	v3 =	vbroadcast v1, $0x5;
	v38 =	vpop (erf)  }
0x219: {  	v47 =	vld [tilespmem:s16+$0xFFFFFFF0];
	v39 =	vbroadcast v1, $0x7;
	v5 =	vmul.f32 $1.442695020e+00, v5;
	v40 =	vpop (erf)  }
0x21a: {  	v37 =	vld [tilespmem:s16+$0xFFFFFFC0];
	(erf) = vpow2.f32 v6;
	v4 =	vadd.f32 v35, v3;
	v9 =	vadd.f32 $1.000000000e+00, v38;
	v42 =	vpop (erf)  }
0x21b: {  	v41 =	vld [tilespmem:s16+$0xFFFFFFD0];
	(erf) = vpow2.f32 v5;
	v2 =	vadd.f32 v2, v3;
	v3 =	vadd.f32 $1.000000000e+00, v42  }
0x21c: {  	v11 =	vadd.f32 $1.000000000e+00, v40  }
0x21d: {  	v36 =	vbroadcast v1, $0x6;
	v51 =	vadd.f32 v45, v39;
	(erf) = vrcp.f32 v9;
	v43 =	vpop (erf)  }
0x21e: {  	v53 =	vadd.f32 v47, v39;
	v5 =	vadd.f32 $1.000000000e+00, v43;
	(erf) = vrcp.f32 v11;
	v44 =	vpop (erf)  }
0x21f: {  	v8 =	vadd.f32 v37, v36;
	v9 =	vadd.f32 $1.000000000e+00, v44;
	(erf) = vrcp.f32 v3;
	v3 =	vpop (erf)  }
0x220: {  	v6 =	vadd.f32 v41, v36;
	(erf) = vrcp.f32 v5;
	v3 =	vadd.f32 $1.000000000e+00, v3;
	v46 =	vpop (erf)  }
0x221: {  	v4 =	vadd.f32 v4, v4;
	(erf) = vrcp.f32 v9;
	v5 =	vadd.f32 $1.000000000e+00, v46;
	v48 =	vpop (erf)  }
0x222: {  	v2 =	vadd.f32 v2, v2;
	v9 =	vadd.f32 $1.000000000e+00, v48;
	(erf) = vrcp.f32 v3  }
0x223: {  	v49 =	vadd.f32 v6, v6;
	v4 =	vmul.f32 $1.442695020e+00, v4;
	v50 =	vpop (erf);
	(erf) = vrcp.f32 v5  }
0x224: {  	v2 =	vmul.f32 $1.442695020e+00, v2;
	v3 =	vadd.f32 v8, v8;
	v52 =	vpop (erf);
	(erf) = vrcp.f32 v9  }
0x225: {  	v6 =	vadd.f32 $1.000000000e+00, v50;
	v54 =	vadd.f32 $1.000000000e+00, v52;
	(erf) = vpow2.f32 v4  }
0x226: {  	v8 =	vpop (erf);
	(erf) = vpow2.f32 v2;
	v2 =	vmul.f32 $1.442695020e+00, v3;
	v3 =	vadd.f32 v51, v51  }
0x227: {  	v5 =	vmul.f32 $1.442695020e+00, v49;
	v4 =	vadd.f32 v53, v53;
	v9 =	vpop (erf);
	(erf) = vrcp.f32 v6  }
0x228: {  	v10 =	vpop (erf);
	(erf) = vrcp.f32 v54;
	v3 =	vmul.f32 $1.442695020e+00, v3  }
0x229: {  	v11 =	vpop (erf);
	(erf) = vpow2.f32 v2;
	v2 =	vmul.f32 $1.442695020e+00, v4  }
0x22a: {  	v55 =	vld [tilespmem:s16+$0x0];
	v7 =	vpop (erf);
	(erf) = vpow2.f32 v5  }
0x22b: {  	v56 =	vld [tilespmem:s16+$0x10];
	v6 =	vpop (erf);
	(erf) = vpow2.f32 v3  }
0x22c: {  	v16 =	vld [tilespmem:s16+$0x20];
	v3 =	vpop (erf);
	(erf) = vpow2.f32 v2  }
0x22d: {  	v19 =	vld [tilespmem:s16+$0x30];
	v2 =	vpop (erf)  }
0x22e: {  	v57 =	vbroadcast v1, $0x8;
	v58 =	vpop (erf)  }
0x22f: {  	v17 =	vbroadcast v1, $0x9;
	v14 =	vpop (erf)  }
0x230: {  	v12 =	vadd.f32 v55, v57;
	v15 =	vadd.f32 v56, v57;
	v4 =	vpop (erf)  }
0x231: {  	v60 =	vld [tilespmem:s16+$0x40];
	v18 =	vbroadcast v1, $0xA;
	v16 =	vadd.f32 v16, v17;
	v13 =	vadd.f32 $1.000000000e+00, v58;
	v5 =	vpop (erf)  }
0x232: {  	v21 =	vbroadcast v1, $0xB;
	v17 =	vadd.f32 v19, v17;
	v14 =	vadd.f32 $1.000000000e+00, v14;
	v20 =	vpop (erf)  }
0x233: {  	v62 =	vld [tilespmem:s16+$0x50];
	v12 =	vadd.f32 v12, v12;
	(erf) = vrcp.f32 v13;
	v61 =	vadd.f32 $1.000000000e+00, v20;
	v22 =	vpop (erf)  }
0x234: {  	v59 =	vadd.f32 v15, v15;
	(erf) = vrcp.f32 v14;
	v22 =	vadd.f32 $1.000000000e+00, v22;
	v23 =	vpop (erf)  }
0x235: {  	v16 =	vadd.f32 v16, v16;
	v23 =	vadd.f32 $1.000000000e+00, v23;
	(erf) = vrcp.f32 v61;
	v63 =	vpop (erf)  }
0x236: {  	v24 =	vld [tilespmem:s16+$0x60];
	v15 =	vadd.f32 v60, v18;
	v14 =	vadd.f32 $1.000000000e+00, v63;
	(erf) = vrcp.f32 v22  }
0x237: {  	v25 =	vld [tilespmem:s16+$0x70];
	v17 =	vadd.f32 v17, v17;
	v12 =	vmul.f32 $1.442695020e+00, v12;
	(erf) = vrcp.f32 v23  }
0x238: {  	v18 =	vadd.f32 v62, v18;
	v13 =	vmul.f32 $1.442695020e+00, v59;
	(erf) = vrcp.f32 v14  }
0x239: {  	v26 =	vmul.f32 $1.442695020e+00, v16;
	v15 =	vadd.f32 v15, v15;
	(erf) = vpow2.f32 v12  }
0x23a: {  	v27 =	vmul.f32 $1.442695020e+00, v17;
	v28 =	vadd.f32 v18, v18;
	(erf) = vpow2.f32 v13  }
0x23b: {  	v31 =	vadd.f32 v24, v21;
	v29 =	vmul.f32 $1.442695020e+00, v15;
	(erf) = vpow2.f32 v26  }
0x23c: {  	v30 =	vmul.f32 $1.442695020e+00, v28;
	v32 =	vadd.f32 v25, v21;
	v14 =	vpop (erf);
	(erf) = vpow2.f32 v27  }
0x23d: {  	v34 =	vld [tilespmem:s16+$0x80];
	v12 =	vadd.f32 v31, v31;
	v16 =	vpop (erf);
	(erf) = vpow2.f32 v29  }
0x23e: {  	v24 =	vld [tilespmem:s16+$0xA0];
	v33 =	vadd.f32 v32, v32;
	v17 =	vpop (erf);
	(erf) = vpow2.f32 v30  }
0x23f: {  	v36 =	vld [tilespmem:s16+$0x90];
	v35 =	vmul.f32 $1.442695020e+00, v12;
	v15 =	vpop (erf)  }
0x240: {  	v18 =	vmul.f32 $1.442695020e+00, v33;
	v38 =	vbroadcast v1, $0xC;
	v13 =	vpop (erf)  }
0x241: {  	v40 =	vbroadcast v1, $0xD;
	(erf) = vpow2.f32 v35;
	v12 =	vpop (erf)  }
0x242: {  	v19 =	vadd.f32 v34, v38;
	(erf) = vpow2.f32 v18;
	v37 =	vpop (erf)  }
0x243: {  	v42 =	vld [tilespmem:s16+$0xC0];
	v47 =	vadd.f32 v24, v40;
	v39 =	vpop (erf);
	v22 =	vadd.f32 $1.000000000e+00, v37  }
0x244: {  	v20 =	vadd.f32 v36, v38;
	v27 =	vld [tilespmem:s16+$0xB0];
	v23 =	vadd.f32 $1.000000000e+00, v39;
	v25 =	vpop (erf)  }
0x245: {  	v19 =	vadd.f32 v19, v19;
	v29 =	vld [tilespmem:s16+$0xD0];
	v25 =	vadd.f32 $1.000000000e+00, v25;
	v28 =	vpop (erf);
	(erf) = vrcp.f32 v22  }
0x246: {  	v20 =	vadd.f32 v20, v20;
	v41 =	vadd.f32 $1.000000000e+00, v28;
	v43 =	vpop (erf);
	(erf) = vrcp.f32 v23  }
0x247: {  	v26 =	vbroadcast v1, $0xE;
	v44 =	vadd.f32 $1.000000000e+00, v43;
	v45 =	vpop (erf);
	(erf) = vrcp.f32 v25  }
0x248: {  	v19 =	vmul.f32 $1.442695020e+00, v19;
	v46 =	vadd.f32 $1.000000000e+00, v45;
	(erf) = vrcp.f32 v41  }
0x249: {  	v20 =	vmul.f32 $1.442695020e+00, v20;
	v21 =	vadd.f32 v42, v26;
	(erf) = vrcp.f32 v44  }
0x24a: {  	v18 =	vadd.f32 v27, v40;
	v51 =	vadd.f32 v29, v26;
	v48 =	vpop (erf);
	(erf) = vrcp.f32 v46  }
0x24b: {  	v22 =	vadd.f32 v47, v47;
	v49 =	vadd.f32 $1.000000000e+00, v48;
	v50 =	vpop (erf);
	(erf) = vpow2.f32 v19  }
0x24c: {  	v18 =	vadd.f32 v18, v18;
	v52 =	vadd.f32 $1.000000000e+00, v50;
	(erf) = vpow2.f32 v20  }
0x24d: {  	v21 =	vadd.f32 v21, v21;
	v22 =	vmul.f32 $1.442695020e+00, v22;
	(erf) = vrcp.f32 v49  }
0x24e: {  	v53 =	vadd.f32 v51, v51;
	v18 =	vmul.f32 $1.442695020e+00, v18;
	v54 =	vpop (erf);
	(erf) = vrcp.f32 v52  }
0x24f: {  	v55 =	vmul.f32 $1.442695020e+00, v21;
	v56 =	vpop (erf);
	(erf) = vpow2.f32 v22  }
0x250: {  	v8 =	vadd.f32 v8, v8;
	v19 =	vmul.f32 $1.442695020e+00, v53;
	v57 =	vpop (erf);
	(erf) = vpow2.f32 v18  }
0x251: {  	v9 =	vadd.f32 v9, v9;
	v58 =	vpop (erf);
	(erf) = vpow2.f32 v55  }
0x252: {  	v8 =	vsub.f32 $1.000000000e+00, v8;
	v10 =	vadd.f32 v10, v10;
	v60 =	vpop (erf);
	(erf) = vpow2.f32 v19  }
0x253: {  	v9 =	vsub.f32 $1.000000000e+00, v9;
	v11 =	vadd.f32 v11, v11;
	v25 =	vpop (erf)  }
0x254: {  	v10 =	vsub.f32 $1.000000000e+00, v10;
	v7 =	vadd.f32 v7, v7;
	v61 =	vld [tilespmem:s16+$0xE0];
	v62 =	vpop (erf)  }
0x255: {  	v11 =	vsub.f32 $1.000000000e+00, v11;
	v6 =	vadd.f32 v6, v6;
	v59 =	vld [tilespmem:s16+$0xF0];
	v63 =	vpop (erf)  }
0x256: {  	v7 =	vsub.f32 $1.000000000e+00, v7;
	v3 =	vadd.f32 v3, v3;
	v32 =	vpop (erf)  }
0x257: {  	v6 =	vsub.f32 $1.000000000e+00, v6;
	v1 =	vbroadcast v1, $0xF;
	v26 =	vadd.f32 $1.000000000e+00, v62;
	v33 =	vpop (erf)  }
0x258: {  	v2 =	vadd.f32 v2, v2;
	v27 =	vadd.f32 $1.000000000e+00, v63;
	v34 =	vpop (erf)  }
0x259: {  	v19 =	vadd.f32 v61, v1;
	(erf) = vrcp.f32 v26;
	v20 =	vadd.f32 $1.000000000e+00, v34;
	v35 =	vpop (erf)  }
0x25a: {  	v1 =	vadd.f32 v59, v1;
	(erf) = vrcp.f32 v27;
	v26 =	vadd.f32 $1.000000000e+00, v35;
	v36 =	vpop (erf)  }
0x25b: {  	[tilespmem:s16+$0xFFFFFF00] =	vst v8;
	v38 =	vadd.f32 v19, v19;
	v27 =	vadd.f32 $1.000000000e+00, v36;
	(erf) = vrcp.f32 v20;
	v37 =	vpop (erf)  }
0x25c: {  	[tilespmem:s16+$0xFFFFFF10] =	vst v9;
	v1 =	vadd.f32 v1, v1;
	(erf) = vrcp.f32 v26;
	v20 =	vadd.f32 $1.000000000e+00, v37  }
0x25d: {  	[tilespmem:s16+$0xFFFFFF20] =	vst v10;
	v3 =	vsub.f32 $1.000000000e+00, v3;
	v8 =	vmul.f32 $1.442695020e+00, v38;
	(erf) = vrcp.f32 v27  }
0x25e: {  	[tilespmem:s16+$0xFFFFFF30] =	vst v11;
	v5 =	vadd.f32 v5, v5;
	v1 =	vmul.f32 $1.442695020e+00, v1;
	(erf) = vrcp.f32 v20  }
0x25f: {  	[tilespmem:s16+$0xFFFFFF40] =	vst v7;
	v2 =	vsub.f32 $1.000000000e+00, v2;
	v4 =	vadd.f32 v4, v4;
	(erf) = vpow2.f32 v8  }
0x260: {  	[tilespmem:s16+$0xFFFFFF60] =	vst v3;
	v3 =	vsub.f32 $1.000000000e+00, v5;
	v39 =	vadd.f32 v14, v14;
	(erf) = vpow2.f32 v1  }
0x261: {  	[tilespmem:s16+$0xFFFFFF50] =	vst v6;
	v40 =	vadd.f32 v16, v16;
	v41 =	vadd.f32 v17, v17  }
0x262: {  	[tilespmem:s16+$0xFFFFFF70] =	vst v2;
	v47 =	vadd.f32 v12, v12;
	v2 =	vsub.f32 $1.000000000e+00, v39;
	v42 =	vpop (erf)  }
0x263: {  	[tilespmem:s16+$0xFFFFFF90] =	vst v3;
	v43 =	vadd.f32 v15, v15;
	v3 =	vsub.f32 $1.000000000e+00, v41;
	v44 =	vpop (erf)  }
0x264: {  	v45 =	vadd.f32 v13, v13;
	[tilespmem:s16+$0xFFFFFFA0] =	vst v2;
	v1 =	vsub.f32 $1.000000000e+00, v4;
	v46 =	vpop (erf)  }
0x265: {  	v2 =	vsub.f32 $1.000000000e+00, v43;
	[tilespmem:s16+$0xFFFFFFC0] =	vst v3;
	v49 =	vadd.f32 v54, v54;
	v48 =	vpop (erf)  }
0x266: {  	v3 =	vsub.f32 $1.000000000e+00, v47;
	[tilespmem:s16+$0xFFFFFF80] =	vst v1;
	v1 =	vsub.f32 $1.000000000e+00, v40;
	v50 =	vpop (erf)  }
0x267: {  	[tilespmem:s16+$0xFFFFFFD0] =	vst v2;
	v51 =	vadd.f32 v56, v56;
	v2 =	vsub.f32 $1.000000000e+00, v49;
	v52 =	vpop (erf)  }
0x268: {  	v53 =	vadd.f32 v57, v57;
	[tilespmem:s16+$0xFFFFFFB0] =	vst v1;
	v1 =	vsub.f32 $1.000000000e+00, v45;
	v54 =	vpop (erf)  }
0x269: {  	[tilespmem:s16+$0xFFFFFFF0] =	vst v3;
	v3 =	vadd.f32 v58, v58;
	v55 =	vadd.f32 $1.000000000e+00, v54;
	v56 =	vpop (erf)  }
0x26a: {  	[tilespmem:s16+$0xFFFFFFE0] =	vst v1;
	v1 =	vsub.f32 $1.000000000e+00, v51;
	v12 =	vadd.f32 $1.000000000e+00, v56  }
0x26b: {  	[tilespmem:s16+$0x0] =	vst v2;
	v2 =	vsub.f32 $1.000000000e+00, v53;
	v57 =	vadd.f32 v60, v60;
	(erf) = vrcp.f32 v55  }
0x26c: {  	[tilespmem:s16+$0x10] =	vst v1;
	v1 =	vsub.f32 $1.000000000e+00, v3;
	v3 =	vadd.f32 v25, v25;
	(erf) = vrcp.f32 v12  }
0x26d: {  	[tilespmem:s16+$0x20] =	vst v2;
	v2 =	vsub.f32 $1.000000000e+00, v57;
	v58 =	vadd.f32 v32, v32  }
0x26e: {  	[tilespmem:s16+$0x30] =	vst v1;
	v1 =	vsub.f32 $1.000000000e+00, v3;
	v3 =	vadd.f32 v33, v33  }
0x26f: {  	[tilespmem:s16+$0x40] =	vst v2;
	v2 =	vsub.f32 $1.000000000e+00, v58;
	v59 =	vadd.f32 v42, v42  }
0x270: {  	[tilespmem:s16+$0x50] =	vst v1;
	v1 =	vsub.f32 $1.000000000e+00, v3;
	v3 =	vadd.f32 v44, v44  }
0x271: {  	[tilespmem:s16+$0x60] =	vst v2;
	v2 =	vsub.f32 $1.000000000e+00, v59;
	v60 =	vadd.f32 v46, v46  }
0x272: {  	[tilespmem:s16+$0x70] =	vst v1;
	v1 =	vsub.f32 $1.000000000e+00, v3;
	v3 =	vadd.f32 v48, v48  }
0x273: {  	[tilespmem:s16+$0x80] =	vst v2;
	v2 =	vsub.f32 $1.000000000e+00, v60;
	v61 =	vadd.f32 v50, v50  }
0x274: {  	[tilespmem:s16+$0x90] =	vst v1;
	v1 =	vsub.f32 $1.000000000e+00, v3;
	v3 =	vadd.f32 v52, v52;
	v5 =	vpop (erf)  }
0x275: {  	[tilespmem:s16+$0xA0] =	vst v2;
	v2 =	vsub.f32 $1.000000000e+00, v61;
	v62 =	vadd.f32 v5, v5;
	v63 =	vpop (erf)  }
0x276: {  	[tilespmem:s16+$0xB0] =	vst v1;
	v1 =	vsub.f32 $1.000000000e+00, v3;
	v3 =	vadd.f32 v63, v63  }
0x277: {  	[tilespmem:s16+$0xC0] =	vst v2;
	v2 =	vsub.f32 $1.000000000e+00, v62  }
0x278: {  	[tilespmem:s16+$0xD0] =	vst v1;
	v1 =	vsub.f32 $1.000000000e+00, v3  }
0x279: {  	[tilespmem:s0+$0xE0] =	vst v2  }
0x27a: {  	s2 =	sadd.s32 s15, s4;
	[tilespmem:s0+$0xF0] =	vst v1  }
0x27b: {  	[spmem:s2] =	stream.linear.scatter [tilespmem:s28], [sflag:$0x2], $0x1000, $0x38;
	[tilespmem:$0x13300] =	vst v63  }
0x27c: {  	s31 =	sadd.s32 $0x1, s31;
	s16 =	sadd.s32 s10, s15;
	_ =	swait.ge [sflag:s21], $0x1000  }
0x27d: {  	p0 =	sne.s32 s31, $0x8;
	s0 =	sshrl.u32 s16, $0x3;
	[sflag:s21] =	ssyncset.done $0x0  }
.Ltmp6:
0x27e: {  	s0 =	sadd.s32 s14, s0;
	[sflag:s21] =	ssyncadd.s32 $0xFFFFF000;
	(pc) =	sbr.rel @p0 .LBB2_13-.Ltmp6, $4  }
0x27f: {  	[hbm4b:s0+s6] =	stream.linear.scatter [tilespmem:s28], [sflag:$0x2], $0x1000, $0x38;
	[tilespmem:$0x13300] =	vst v63  }
0x280: {  	_ =	swait.ge [sflag:s21], $0x1000  }
0x281: {  	[sflag:s21] =	ssyncset.done $0x0  }
0x282: {  	[sflag:s21] =	ssyncadd.s32 $0xFFFFF000  }
0x283: {  	s31 =	rddreg [dreg:$0x1b]  }
0x284: {  	s31 =	sadd.s32 $0x1, s31  }
0x285: {  	p0 =	sne.s32 s31, $0x10  }
.Ltmp7:
0x286: {  	_ = 	snop;
	(pc) =	sbr.rel @p0 .LBB2_4-.Ltmp7, $3  }
0x287: {  	_ =	sdelay $0x1  }
0x288: {  	[bflag:$0x0] =	sbarrier.arrive $0xFFFF  }
0x289: {  	s17 =	rddreg [dreg:$0x0]  }
0x28a: {  	s1 =	rddreg [dreg:$0x1a]  }
0x28b: {  	s0 =	rddreg [dreg:$0x9];
	s1 =	sadd.s32 $0x1, s1  }
0x28c: {  	p0 =	sne.s32 s1, s0  }
.Ltmp8:
0x28d: {  	_ = 	snop;
	(pc) =	sbr.rel @p0 .LBB2_1-.Ltmp8, $1  }
0x28e: {  	_ =	sdelay $0x3  }
0x28f: {  	_ =	sfence.sel $0x180000  }
0x290: {  	[bflag:$0x0] =	sbarrier.arrive $0xFFFF  }
0x291: {  	_ =	strace $0x9000004A  }
0x292: {  	s0 =	stileid.u32;
	[bflag:$0x2] =	sbarrier.arrive $0xFFFF  }
0x293: {  	p0 =	sne.s32 s0, $0x0;
	s0 =	rddreg [dreg:$0x6]  }
0x294: {  	s0 =	sadd.s32 @!p0 $0x100000, s0  }
0x295: {  	[sflag:s0] =	ssyncadd.tile.s32 @!p0 $0x1;
	_ =	shalt  }
.Lfunc_end2:
_tile_overlayer_lowered:
.L_overlay_start_2:
0x296: {  	(tag) =	ssettag $0x2  }
0x297: {  	s0 =	rddreg [dreg:$0x0];
	s2 =	stileid.u32  }
0x298: {  	s1 =	rddreg [dreg:$0x1];
	p0 =	sne.s32 s2, $0x0  }
0x299: {  	s3 =	rddreg [dreg:$0x2];
	[bflag:$0x3] =	sbarrier.arrive $0xFFFF;
	s2 =	simm.s32 @!p0 $0x1C02  }
0x29a: {  	[timem:s3], [sflag:s2] =	dma.local @!p0 [hbm:s0], s1  }
0x29b: {  	s0 =	simm.s32 @!p0 $0x2  }
0x29c: {  	_ =	swait.ge @!p0 [sflag:s0], s1  }
0x29d: {  	s1 =	ssub.s32 @!p0 $0x0, s1;
	[sflag:s0] =	ssyncset.done @!p0 $0x0  }
0x29e: {  	[sflag:s0] =	ssyncadd.s32 @!p0 s1  }
0x29f: {  	[bflag:$0x3] =	sbarrier.arrive $0xFFFF  }
0x2a0: {  	_ =	shalt  }

// kernel: sparse-core-data-format-call.1.cloned.1.call-start
scs
called_computation.1_lowered:
.L_overlay_start_0:
0x0: {  	s2 =	sld [smem:$0x3FD9]  }
0x1: {  	s3 =	sld [smem:$0x3FFE];
	_ =	sdelay $0x1  }
0x2: {  	s1 =	srdreg.scid  }
0x3: {  	s0 =	sand.u32 $0x1, s1  }
0x4: {  	s18 =	sshll.u32 s0, $0xA;
	s2 =	sadd.s32 s3, s2  }
0x5: {  	s2 =	sadd.s32 s2, s18  }
0x6: {  	[smem:$0x3FBF] =	sst s2  }
0x7: {  	_ = 	snop  }
0x8: {  	s2 =	sld [smem:$0x3FC9];
	(tm) =	ssettm $0x1  }
0x9: {  	s19 =	sld [smem:$0x3FFB];
	_ =	sdelay $0x3  }
0xa: {  	_ =	strace s19  }
0xb: {  	s3 =	sld [smem:$0x3FFC];
	_ =	sdelay $0x3  }
0xc: {  	_ =	strace s3  }
0xd: {  	s3 =	sld [smem:$0x3FFD];
	_ =	sdelay $0x3  }
0xe: {  	_ =	strace s3  }
0xf: {  	_ =	strace $0x8FFFFFFF  }
0x10: {  	s20 =	sld [smem:$0x3FDB];
	_ =	sdelay $0x1  }
0x11: {  	s4 =	simm.s32 $_scs_section_size  }
0x12: {  	s5 =	simm.s32 $_size__tile_overlayer_lowered;
	s6 =	simm.s32 $_tile_overlayer_lowered  }
0x13: {  	s23 =	simm.s32 $0x1BFF;
	s22 =	sshll.u32 s6, $0x1;
	s3 =	sadd.s32 s4, s20  }
0x14: {  	s7 =	simm.s32 $0x0;
	s21 =	sshll.u32 s5, $0x1;
	s5 =	sadd.s32 s22, s3  }
0x15: {  	[timem:s7], [sflag:s23] =	dma.local [hbm:s5], s21  }
0x16: {  	_ =	swait.ge [sflag:s23], s21  }
0x17: {  	s4 =	ssub.s32 $0x0, s21;
	[sflag:s23] =	ssyncset.done $0x0  }
0x18: {  	[sflag:s23] =	ssyncadd.s32 s4;
	_ =	sdelay $0x1  }
0x19: {  	s24 =	simm.s32 $0x1B8B  }
0x1a: {  	_ =	swait.ge [sflag:s24], $0x1  }
0x1b: {  	[sflag:s24] =	ssyncset.done $0x0  }
0x1c: {  	s26 =	simm.s32 $0x1B8E;
	s25 =	sld [smem:$0x3FFE];
	[sflag:s24] =	ssyncadd.s32 $0xFFFFFFFF  }
0x1d: {  	s27 =	simm.s32 $execute0_lowered;
	[smem:$0x3FD2] =	sst s26  }
0x1e: {  	s5 =	sshll.u32 s27, $0x1;
	_ =	strace $0x80000046;
	[dreg:$0x1] =	wrdreg $0xFFFFFFFF  }
0x1f: {  	s28 =	simm.s32 $_size_execute0_lowered;
	s3 =	sadd.s32 s3, s5;
	[dreg:$0x0] =	wrdreg $0x0  }
0x20: {  	s5 =	sshll.u32 s28, $0x1;
	[dreg:$0x2] =	wrdreg s3  }
0x21: {  	[dreg:$0x3] =	wrdreg s5  }
0x22: {  	[dreg:$0x4] =	wrdreg $0xC0  }
0x23: {  	_ =	task [dreg:s7], $0x5FFFF  }
0x24: {  	[dreg:$0x1] =	wrdreg $0xFFFFFFFF  }
0x25: {  	[dreg:$0x0] =	wrdreg $0x60  }
0x26: {  	[dreg:$0x2] =	wrdreg s2  }
0x27: {  	[dreg:$0x3] =	wrdreg s25  }
0x28: {  	[dreg:$0x4] =	wrdreg $0x9  }
0x29: {  	_ =	task.clear_ibuf [dreg:s7], $0x5FFFF;
	_ =	strace $0x90000046  }
0x2a: {  	s29 =	simm.s32 $0x9;
	_ =	strace $0x80000048  }
0x2b: {  	_ =	swait.ge [sflag:s29], $0x1  }
0x2c: {  	[sflag:s29] =	ssyncadd.s32 $0xFFFFFFFF  }
0x2d: {  	_ =	strace $0x90000048  }
0x2e: {  	_ =	sfence  }
0x2f: {  	s30 =	sld [smem:$0x0];
	_ =	sdelay $0x2  }
0x30: {  	s31 =	sshll.u32 s1, $0xD;
	s1 =	sshrl.u32 s1, $0x2  }
0x31: {  	s3 =	sand.u32 $0x4000, s31;
	s1 =	sadd.s32 s1, s30  }
0x32: {  	s0 =	sor.u32 s3, s0;
	s1 =	sshll.u32 s1, $0x11  }
0x33: {  	s0 =	sor.u32 s1, s0  }
0x34: {  	s0 =	sadd.s32 $0x8F2B, s0  }
0x35: {  	[sflag:s0] =	ssyncadd.remote.s32 $0x1  }
0x36: {  	_ =	sfence.sel $0xFFFF  }
0x37: {  	[dreg:$0x0] =	wrdreg $0xFFFFFFFF;
	(pc) =	sbr.abs _section_cstart, $3  }
0x38: {  	[dreg:$0x1] =	wrdreg $0xFFFFFFFF  }
0x39: {  	_ =	task.clear_ibuf [dreg:s7], $0x2FFFF;
	_ =	strace $0x9FFFFFFF  }
0x3a: {  	(tm) =	ssettm $0x7FFFFFFF  }
0x3b: {  	_ =	shalt  }
tec
execute0_lowered:
.L_overlay_start_1:
0x0: {  	(tag) =	ssettag $0x1  }
0x1: {  	s2 =	rddreg [dreg:$0x0]  }
0x2: {  	s11 =	rddreg [dreg:$0x1]  }
0x3: {  	s1 =	stileid.u32;
	s3 =	srdreg.scid;
	_ =	strace $0x80000047  }
0x4: {  	s31 =	simm.s32 $0x2;
	s21 =	simm.s32 $0x0;
	s13 =	simm.s32 $0x80  }
0x5: {  	s20 =	simm.s32 $0x0;
	s19 =	simm.s32 $0x0;
	s22 =	simm.s32 $0x0  }
0x6: {  	s16 =	simm.s32 $0x0;
	s18 =	simm.s32 $0x0;
	s4 =	sshll.u32 s1, $0x4  }
0x7: {  	s5 =	sshll.u32 s3, $0x8;
	s3 =	sand.u32 $0x1, s1;
	s6 =	sshll.u32 s1, $0x1  }
0x8: {  	s5 =	sor.u32 s4, s5;
	s4 =	sand.u32 $0xC, s6;
	s29 =	ssub.s32 $0x2, s3  }
0x9: {  	s6 =	simm.s32 $0x1;
	s5 =	sand.u32 $0x180, s5;
	s9 =	ssub.s32 $0x10, s4  }
0xa: {  	s7 =	sshrl.u32 s29, $0x1;
	s8 =	sand.u32 $0x1, s29;
	s30 =	sand.u32 $0xC, s9  }
0xb: {  	s7 =	sadd.s32 s8, s7;
	s8 =	simm.s32 $0x1;
	p0 =	sne.s32 s30, $0x0  }
0xc: {  	s10 =	ssub.s32 $0x4000, s5;
	s9 =	sshrl.u32 s9, $0x4;
	s8 =	simm.s32 @!p0 $0x0  }
0xd: {  	s17 =	smov.u32 s3;
	s12 =	sand.u32 $0x180, s10;
	s8 =	sadd.s32 s8, s9  }
0xe: {  	p0 =	sne.s32 s12, $0x0;
	s9 =	simm.s32 $0x1;
	s8 =	smul.u32 s7, s8  }
.Ltmp0:
0xf: {  	s10 =	sshrl.u32 s10, $0x9;
	s9 =	simm.s32 @!p0 $0x0;
	(pc) =	sbr.rel .LBB1_1-.Ltmp0, $4  }
0x10: {  	[sflag:s6] =	ssyncpa.u1 $0x0;
	s15 =	smov.u32 s4;
	s9 =	sadd.s32 s9, s10  }
0x11: {  	[sflag:s31] =	ssyncpa.u1 $0x0;
	s14 =	smov.u32 s5;
	s8 =	smul.u32 s9, s8  }
0x12: {  	s7 =	sadd.s32 $0x1800, s11;
	p0 =	por $0x0, $0x0;
	s10 =	sadd.s32 $0x81800, s11  }
0x13: {  	s9 =	sadd.s32 $0x41800, s11;
	s11 =	sadd.s32 $0xC1800, s11;
	s12 =	sadd.s32 $0x1, s8  }
.LBB1_7:
0x14: {  	s0 =	sadd.s32 $0x200, s14  }
0x15: {  	s19 =	sadd.s32 $0x10, s15;
	s23 =	smov.u32 s15;
	p2 =	sgt.s32 s0, $0x3FFF  }
0x16: {  	s23 =	smov.u32 @p2 s19  }
0x17: {  	s24 =	smov.u32 s16;
	s19 =	sadd.s32 $0x20, s16;
	p3 =	sgt.s32 s23, $0xF  }
0x18: {  	s24 =	smov.u32 @p3 s19  }
0x19: {  	s25 =	smov.u32 s17;
	s19 =	sadd.s32 $0x2, s17;
	p4 =	sgt.s32 s24, $0x1F  }
0x1a: {  	p1 =	slt.u32 s18, $0x2;
	s25 =	smov.u32 @p4 s19  }
0x1b: {  	s21 =	smov.u32 s14;
	s0 =	smov.u32 @p2 s5;
	p2 =	sgt.s32 s25, $0x1  }
0x1c: {  	s26 =	simm.s32 @!p1 $0x2;
	s25 =	smov.u32 @p2 s3;
	p2 =	sne.s32 s18, s12  }
.Ltmp1:
0x1d: {  	s20 =	smov.u32 s15;
	_ =	swait.ge @!p1 [sflag:s26], $0x4000;
	(pc) =	sbr.rel @!p2 .LBB1_8-.Ltmp1, $4  }
0x1e: {  	s22 =	smov.u32 s17;
	p0 =	por !p0, !p0;
	[sflag:s26] =	ssyncset.done @!p1 $0x0  }
0x1f: {  	s14 =	smov.u32 s0;
	s23 =	smov.u32 @p3 s4;
	[sflag:s26] =	ssyncadd.s32 @!p1 $0xFFFFC000  }
0x20: {  	s15 =	smov.u32 s23;
	s24 =	simm.s32 @p4 $0x0;
	s19 =	smov.u32 s16  }
0x21: {  	s16 =	smov.u32 s24;
	s18 =	sadd.s32 $0x1, s18;
	s17 =	smov.u32 s25  }
.LBB1_1:
0x22: {  	p1 =	sge.u32 s18, s8  }
0x23: {  	s31 =	sadd.s32 $0xFFFFFFFF, s18;
	s23 =	sxor.u32 @!p1 $0xFFFFFFFF, s18;
	s24 =	sand.u32 @!p1 $0x78, s14  }
0x24: {  	s25 =	sshll.u32 @!p1 s15, $0x7;
	s26 =	sshll.u32 @!p1 s15, $0xE;
	s27 =	sshll.u32 @!p1 s14, $0x3  }
0x25: {  	s23 =	sshll.u32 @!p1 s23, $0xE;
	s25 =	sand.u32 @!p1 $0x380, s25;
	s26 =	sand.u32 @!p1 $0x20000, s26  }
0x26: {  	s23 =	sand.u32 @!p1 $0x4000, s23;
	s24 =	sor.u32 @!p1 s25, s24;
	s25 =	sand.u32 @!p1 $0x3C00, s27  }
0x27: {  	s26 =	sadd.s32 @!p1 s26, s27;
	s24 =	sor.u32 @!p1 s25, s24;
	s25 =	sshll.u32 @!p1 s17, $0x14  }
0x28: {  	s27 =	sshll.u32 @!p1 s16, $0xF;
	s26 =	sshrl.u32 @!p1 s26, $0x3;
	s25 =	sadd.s32 @!p1 s2, s25  }
0x29: {  	s26 =	sand.u32 @!p1 $0x7800, s26;
	s25 =	sadd.s32 @!p1 s27, s25;
	s27 =	sand.u32 @!p1 $0x7, s14  }
0x2a: {  	s24 =	sshrl.u32 @!p1 s24, $0x3;
	s25 =	sadd.s32 @!p1 s26, s25;
	s26 =	sshll.u32 @!p1 s27, $0x12  }
0x2b: {  	s24 =	sadd.s32 @!p1 s24, s25;
	s25 =	sor.u32 @!p1 $0x200, s26;
	s26 =	simm.s32 @!p1 $0x40000  }
0x2c: {  	[tilespmem:s23], [sflag:$0x1] =	stream.strided.gather @!p1 [hbm4b:s24+s25], $0x4000, s26, s25, $0x38;
	[tilespmem:$0x10400] =	vst v63  }
0x2d: {  	p1 =	sge.u32 s31, s8  }
.Ltmp2:
0x2e: {  	_ = 	snop;
	(pc) =	sbr.rel @p1 .LBB1_7-.Ltmp2, $1  }
0x2f: {  	_ =	sdelay $0x3  }
0x30: {  	s23 =	simm.s32 $0x1;
	s25 =	sand.u32 $0x1, s18  }
0x31: {  	_ =	swait.ge [sflag:s6], $0x4000;
	s23 =	simm.s32 @!p0 $0x0;
	s27 =	smul.u32 $0x10800, s25  }
0x32: {  	[sflag:s6] =	ssyncset.done $0x0;
	s24 =	smul.u32 $0x10800, s23  }
0x33: {  	s23 =	sshll.u32 s23, $0xE;
	[sflag:s6] =	ssyncadd.s32 $0xFFFFC000  }
0x34: {  	s26 =	sor.u32 $0x40, s23;
	s23 =	sshrl.u32 s27, $0x2;
	s24 =	sshrl.u32 s24, $0x2  }
0x35: {  	s27 =	simm.s32 $0x0;
	s25 =	sor.u32 $0x8000, s24;
	s24 =	sor.u32 $0x8000, s23  }
.LBB1_3:
0x36: {  	v0 =	vld [tilespmem:s26+$0x30]  }
0x37: {  	v1 =	vld [tilespmem:s26+$0xFFFFFFD0]  }
0x38: {  	v5 =	vld [tilespmem:s26+$0xFFFFFFE0]  }
0x39: {  	v6 =	vld [tilespmem:s26+$0xFFFFFFF0]  }
0x3a: {  	s28 =	sadd.s32 $0x0, s25;
	v2 =	vld [tilespmem:s26+$0x0]  }
0x3b: {  	v3 =	vld [tilespmem:s26+$0x10];
	[tilespmem:s28+$0xE70 ss:$0x21] =	vst.msk $0xffff, v0  }
0x3c: {  	v4 =	vld [tilespmem:s26+$0x20];
	[tilespmem:s28+$0x210 ss:$0x21] =	vst.msk $0xffff, v1  }
0x3d: {  	s29 =	sadd.s32 $0x80, s26;
	v0 =	vld [tilespmem:s26+$0xFFFFFFC0];
	[tilespmem:s28+$0x420 ss:$0x21] =	vst.msk $0xffff, v5  }
0x3e: {  	s30 =	simm.s32 $0x4200;
	s31 =	simm.s32 $0x8400;
	v1 =	vld [tilespmem:s29+$0x30];
	[tilespmem:s28+$0x630 ss:$0x21] =	vst.msk $0xffff, v6  }
.LBB1_4:
0x3f: {  	p1 =	sne.s32 s31, $0xC600;
	v5 =	vld [tilespmem:s29+$0xFFFFFFD0];
	[tilespmem:s28+$0x840 ss:$0x21] =	vst.msk $0xffff, v2  }
0x40: {  	v6 =	vld [tilespmem:s29+$0xFFFFFFE0];
	[tilespmem:s28+$0xA50 ss:$0x21] =	vst.msk $0xffff, v3  }
0x41: {  	s0 =	sshra.s32 s30, $0x2;
	s30 =	smov.u32 s31;
	v7 =	vld [tilespmem:s29+$0xFFFFFFF0];
	[tilespmem:s28+$0xC60 ss:$0x21] =	vst.msk $0xffff, v4  }
.Ltmp3:
0x42: {  	v2 =	vld [tilespmem:s29+$0x0];
	[tilespmem:s28+$0x0 ss:$0x21] =	vst.msk $0xffff, v0;
	s28 =	sadd.s32 s0, s25;
	(pc) =	sbr.rel @p1 .LBB1_4-.Ltmp3, $4  }
0x43: {  	v3 =	vld [tilespmem:s29+$0x10];
	[tilespmem:s28+$0xE70 ss:$0x21] =	vst.msk $0xffff, v1  }
0x44: {  	[tilespmem:s28+$0x210 ss:$0x21] =	vst.msk $0xffff, v5;
	v4 =	vld [tilespmem:s29+$0x20]  }
0x45: {  	v0 =	vld [tilespmem:s29+$0xFFFFFFC0];
	[tilespmem:s28+$0x420 ss:$0x21] =	vst.msk $0xffff, v6;
	s29 =	sadd.s32 $0x80, s29  }
0x46: {  	s31 =	sadd.s32 $0x4200, s31;
	v1 =	vld [tilespmem:s29+$0x30];
	[tilespmem:s28+$0x630 ss:$0x21] =	vst.msk $0xffff, v7  }
0x47: {  	v5 =	vld [tilespmem:s29+$0xFFFFFFD0];
	[tilespmem:s28+$0x840 ss:$0x21] =	vst.msk $0xffff, v2  }
0x48: {  	v58 =	vld [tilespmem:s29+$0xFFFFFFE0];
	[tilespmem:s28+$0xA50 ss:$0x21] =	vst.msk $0xffff, v3  }
0x49: {  	s0 =	sshra.s32 s30, $0x2;
	v59 =	vld [tilespmem:s29+$0xFFFFFFF0];
	[tilespmem:s28+$0xC60 ss:$0x21] =	vst.msk $0xffff, v4  }
0x4a: {  	v60 =	vld [tilespmem:s29+$0x0];
	s0 =	sadd.s32 s0, s25;
	[tilespmem:s28+$0x0 ss:$0x21] =	vst.msk $0xffff, v0  }
0x4b: {  	v61 =	vld [tilespmem:s29+$0x10];
	[tilespmem:s0+$0xE70 ss:$0x21] =	vst.msk $0xffff, v1  }
0x4c: {  	v62 =	vld [tilespmem:s29+$0x20];
	s27 =	sadd.s32 $0x1, s27;
	[tilespmem:s0+$0x210 ss:$0x21] =	vst.msk $0xffff, v5  }
0x4d: {  	v63 =	vld [tilespmem:s29+$0xFFFFFFC0];
	p1 =	sne.s32 s27, $0x20;
	[tilespmem:s0+$0x420 ss:$0x21] =	vst.msk $0xffff, v58  }
.Ltmp4:
0x4e: {  	[tilespmem:s0+$0x630 ss:$0x21] =	vst.msk $0xffff, v59;
	(pc) =	sbr.rel @p1 .LBB1_3-.Ltmp4, $4  }
0x4f: {  	[tilespmem:s0+$0x840 ss:$0x21] =	vst.msk $0xffff, v60  }
0x50: {  	[tilespmem:s0+$0xA50 ss:$0x21] =	vst.msk $0xffff, v61  }
0x51: {  	[tilespmem:s0+$0xC60 ss:$0x21] =	vst.msk $0xffff, v62  }
0x52: {  	s26 =	sadd.s32 $0x200, s26;
	s25 =	sadd.s32 $0x1, s25;
	[tilespmem:s0+$0x0 ss:$0x21] =	vst.msk $0xffff, v63  }
0x53: {  	s0 =	sshll.u32 s21, $0x7;
	s29 =	sshll.u32 s19, $0x3  }
0x54: {  	s25 =	sand.u32 $0x1FFC00, s0;
	s21 =	sand.u32 $0x1FFC00, s29  }
0x55: {  	s0 =	sand.u32 $0x380, s0;
	s21 =	sadd.s32 s21, s25  }
0x56: {  	s20 =	sshll.u32 s20, $0x12;
	s0 =	sor.u32 s0, s21;
	s21 =	sshll.u32 s22, $0x16  }
0x57: {  	s30 =	sshrl.u32 s19, $0x3;
	s26 =	sand.u32 $0x7, s19;
	s31 =	sadd.s32 s21, s20  }
0x58: {  	s22 =	sand.u32 $0xF, s30;
	s0 =	sshrl.u32 s0, $0x3;
	s25 =	sadd.s32 s7, s31  }
0x59: {  	s19 =	sshll.u32 s26, $0x12;
	s0 =	sand.u32 $0x3FFF0, s0;
	s25 =	sadd.s32 s22, s25  }
0x5a: {  	s19 =	sor.u32 $0x20, s19;
	s27 =	sadd.s32 s21, s9;
	s25 =	sadd.s32 s0, s25  }
0x5b: {  	[hbm4b:s25+s19] =	stream.strided.scatter [tilespmem:s24], [sflag:$0x2], $0x1000, s13, s19, $0x10;
	[tilespmem:$0x10400] =	vst v63  }
0x5c: {  	s24 =	sadd.s32 s20, s27  }
0x5d: {  	s24 =	sadd.s32 s22, s24  }
0x5e: {  	s28 =	sadd.s32 $0x9080, s23;
	s29 =	sadd.s32 s21, s10;
	s24 =	sadd.s32 s0, s24  }
0x5f: {  	[hbm4b:s24+s19] =	stream.strided.scatter [tilespmem:s28], [sflag:$0x2], $0x1000, s13, s19, $0x10;
	[tilespmem:$0x10400] =	vst v63  }
0x60: {  	s21 =	sadd.s32 s21, s11;
	s24 =	sadd.s32 s20, s29  }
.Ltmp5:
0x61: {  	s20 =	sadd.s32 s20, s21;
	s24 =	sadd.s32 s22, s24;
	(pc) =	sbr.rel .LBB1_7-.Ltmp5, $4  }
0x62: {  	s30 =	sadd.s32 $0xA100, s23;
	s20 =	sadd.s32 s22, s20;
	s24 =	sadd.s32 s0, s24  }
0x63: {  	[hbm4b:s24+s19] =	stream.strided.scatter [tilespmem:s30], [sflag:$0x2], $0x1000, s13, s19, $0x10;
	[tilespmem:$0x10400] =	vst v63  }
0x64: {  	s31 =	sadd.s32 $0xB180, s23;
	s0 =	sadd.s32 s0, s20  }
0x65: {  	[hbm4b:s0+s19] =	stream.strided.scatter [tilespmem:s31], [sflag:$0x2], $0x1000, s13, s19, $0x10;
	[tilespmem:$0x10400] =	vst v63  }
.LBB1_8:
0x66: {  	_ =	sfence.sel $0x180000  }
0x67: {  	s0 =	simm.s32 $0x1;
	[bflag:$0x0] =	sbarrier.arrive $0xFFFF  }
0x68: {  	s31 =	simm.s32 $0x2;
	[sflag:s0] =	ssyncpa.u1 $0x1  }
0x69: {  	[sflag:s31] =	ssyncpa.u1 $0x1  }
0x6a: {  	_ =	strace $0x90000047  }
0x6b: {  	[bflag:$0x2] =	sbarrier.arrive $0xFFFF  }
0x6c: {  	p0 =	sne.s32 s1, $0x0;
	s0 =	rddreg [dreg:$0x2]  }
0x6d: {  	s0 =	sadd.s32 @!p0 $0x100000, s0  }
0x6e: {  	[sflag:s0] =	ssyncadd.tile.s32 @!p0 $0x1;
	_ =	shalt  }
.Lfunc_end1:
_tile_overlayer_lowered:
.L_overlay_start_2:
0x6f: {  	(tag) =	ssettag $0x2  }
0x70: {  	s0 =	rddreg [dreg:$0x0];
	s2 =	stileid.u32  }
0x71: {  	s1 =	rddreg [dreg:$0x1];
	p0 =	sne.s32 s2, $0x0  }
0x72: {  	s3 =	rddreg [dreg:$0x2];
	[bflag:$0x3] =	sbarrier.arrive $0xFFFF;
	s2 =	simm.s32 @!p0 $0x1C01  }
0x73: {  	[timem:s3], [sflag:s2] =	dma.local @!p0 [hbm:s0], s1  }
0x74: {  	s0 =	simm.s32 @!p0 $0x1  }
0x75: {  	_ =	swait.ge @!p0 [sflag:s0], s1  }
0x76: {  	s1 =	ssub.s32 @!p0 $0x0, s1;
	[sflag:s0] =	ssyncset.done @!p0 $0x0  }
0x77: {  	[sflag:s0] =	ssyncadd.s32 @!p0 s1  }
0x78: {  	[bflag:$0x3] =	sbarrier.arrive $0xFFFF  }
0x79: {  	_ =	shalt  }

// kernel: sparse-core-data-format-call.cloned.1.call-start
scs
called_computation_lowered:
.L_overlay_start_0:
0x0: {  	s2 =	sld [smem:$0x3FD9]  }
0x1: {  	s3 =	sld [smem:$0x3FFE];
	_ =	sdelay $0x1  }
0x2: {  	s1 =	srdreg.scid  }
0x3: {  	s0 =	sand.u32 $0x1, s1  }
0x4: {  	s18 =	sshll.u32 s0, $0xA;
	s2 =	sadd.s32 s3, s2  }
0x5: {  	s2 =	sadd.s32 s2, s18  }
0x6: {  	[smem:$0x3FBF] =	sst s2  }
0x7: {  	_ = 	snop  }
0x8: {  	s2 =	sld [smem:$0x3FD0];
	(tm) =	ssettm $0x1  }
0x9: {  	s19 =	sld [smem:$0x3FFB];
	_ =	sdelay $0x3  }
0xa: {  	_ =	strace s19  }
0xb: {  	s3 =	sld [smem:$0x3FFC];
	_ =	sdelay $0x3  }
0xc: {  	_ =	strace s3  }
0xd: {  	s3 =	sld [smem:$0x3FFD];
	_ =	sdelay $0x3  }
0xe: {  	_ =	strace s3  }
0xf: {  	_ =	strace $0x8FFFFFFF  }
0x10: {  	s20 =	sld [smem:$0x3FDB];
	_ =	sdelay $0x1  }
0x11: {  	s4 =	simm.s32 $_scs_section_size  }
0x12: {  	s5 =	simm.s32 $_size__tile_overlayer_lowered;
	s6 =	simm.s32 $_tile_overlayer_lowered  }
0x13: {  	s23 =	simm.s32 $0x1BFF;
	s22 =	sshll.u32 s6, $0x1;
	s3 =	sadd.s32 s4, s20  }
0x14: {  	s7 =	simm.s32 $0x0;
	s21 =	sshll.u32 s5, $0x1;
	s5 =	sadd.s32 s22, s3  }
0x15: {  	[timem:s7], [sflag:s23] =	dma.local [hbm:s5], s21  }
0x16: {  	_ =	swait.ge [sflag:s23], s21  }
0x17: {  	s4 =	ssub.s32 $0x0, s21;
	[sflag:s23] =	ssyncset.done $0x0  }
0x18: {  	[sflag:s23] =	ssyncadd.s32 s4;
	_ =	sdelay $0x1  }
0x19: {  	s24 =	simm.s32 $0x1B8B  }
0x1a: {  	_ =	swait.ge [sflag:s24], $0x1  }
0x1b: {  	[sflag:s24] =	ssyncset.done $0x0  }
0x1c: {  	s26 =	simm.s32 $0x1B8E;
	s25 =	sld [smem:$0x3FFE];
	[sflag:s24] =	ssyncadd.s32 $0xFFFFFFFF  }
0x1d: {  	s27 =	simm.s32 $execute0_lowered;
	[smem:$0x3FD2] =	sst s26  }
0x1e: {  	s5 =	sshll.u32 s27, $0x1;
	_ =	strace $0x8000004C;
	[dreg:$0x1] =	wrdreg $0xFFFFFFFF  }
0x1f: {  	s28 =	simm.s32 $_size_execute0_lowered;
	s3 =	sadd.s32 s3, s5;
	[dreg:$0x0] =	wrdreg $0x0  }
0x20: {  	s5 =	sshll.u32 s28, $0x1;
	[dreg:$0x2] =	wrdreg s3  }
0x21: {  	[dreg:$0x3] =	wrdreg s5  }
0x22: {  	[dreg:$0x4] =	wrdreg $0xC0  }
0x23: {  	_ =	task [dreg:s7], $0x5FFFF  }
0x24: {  	[dreg:$0x1] =	wrdreg $0xFFFFFFFF  }
0x25: {  	[dreg:$0x0] =	wrdreg $0x60  }
0x26: {  	[dreg:$0x2] =	wrdreg s25  }
0x27: {  	[dreg:$0x3] =	wrdreg s2  }
0x28: {  	[dreg:$0x4] =	wrdreg $0x9  }
0x29: {  	_ =	task.clear_ibuf [dreg:s7], $0x5FFFF;
	_ =	strace $0x9000004C  }
0x2a: {  	s29 =	simm.s32 $0x9;
	_ =	strace $0x8000004E  }
0x2b: {  	_ =	swait.ge [sflag:s29], $0x1  }
0x2c: {  	[sflag:s29] =	ssyncadd.s32 $0xFFFFFFFF  }
0x2d: {  	_ =	strace $0x9000004E  }
0x2e: {  	_ =	sfence  }
0x2f: {  	s30 =	sld [smem:$0x0];
	_ =	sdelay $0x2  }
0x30: {  	s31 =	sshll.u32 s1, $0xD;
	s1 =	sshrl.u32 s1, $0x2  }
0x31: {  	s3 =	sand.u32 $0x4000, s31;
	s1 =	sadd.s32 s1, s30  }
0x32: {  	s0 =	sor.u32 s3, s0;
	s1 =	sshll.u32 s1, $0x11  }
0x33: {  	s0 =	sor.u32 s1, s0  }
0x34: {  	s0 =	sadd.s32 $0x8F2B, s0  }
0x35: {  	[sflag:s0] =	ssyncadd.remote.s32 $0x1  }
0x36: {  	_ =	sfence.sel $0xFFFF  }
0x37: {  	[dreg:$0x0] =	wrdreg $0xFFFFFFFF;
	(pc) =	sbr.abs _section_cstart, $3  }
0x38: {  	[dreg:$0x1] =	wrdreg $0xFFFFFFFF  }
0x39: {  	_ =	task.clear_ibuf [dreg:s7], $0x2FFFF;
	_ =	strace $0x9FFFFFFF  }
0x3a: {  	(tm) =	ssettm $0x7FFFFFFF  }
0x3b: {  	_ =	shalt  }
tec
execute0_lowered:
.L_overlay_start_1:
0x0: {  	(tag) =	ssettag $0x1  }
0x1: {  	s11 =	rddreg [dreg:$0x0]  }
0x2: {  	s0 =	stileid.u32;
	s2 =	rddreg [dreg:$0x1]  }
0x3: {  	s1 =	rddreg [dreg:$0x2];
	s5 =	srdreg.scid  }
0x4: {  	_ =	strace $0x8000004D;
	s31 =	simm.s32 $0x2;
	s18 =	simm.s32 $0x0  }
0x5: {  	s13 =	simm.s32 $0x40000;
	s19 =	simm.s32 $0x0;
	s20 =	simm.s32 $0x0  }
0x6: {  	s17 =	simm.s32 $0x0;
	s3 =	sshll.u32 s0, $0x2;
	s4 =	sshrl.u32 s0, $0x2  }
0x7: {  	s7 =	sshll.u32 s0, $0x4;
	s5 =	sshll.u32 s5, $0x8;
	s3 =	sand.u32 $0xC, s3  }
0x8: {  	s4 =	sand.u32 $0x1, s4;
	s5 =	sor.u32 s7, s5;
	s6 =	ssub.s32 $0x10, s3  }
0x9: {  	s7 =	simm.s32 $0x1;
	s5 =	sand.u32 $0x180, s5;
	s8 =	sand.u32 $0xC, s6  }
0xa: {  	s29 =	ssub.s32 $0x2, s4;
	s15 =	smov.u32 s4;
	p0 =	sne.s32 s8, $0x0  }
0xb: {  	s6 =	sshrl.u32 s6, $0x4;
	s30 =	ssub.s32 $0x4000, s5;
	s7 =	simm.s32 @!p0 $0x0  }
0xc: {  	s9 =	sshrl.u32 s29, $0x1;
	s6 =	sadd.s32 s7, s6;
	s7 =	sand.u32 $0x1, s29  }
0xd: {  	s16 =	smov.u32 s3;
	s10 =	sand.u32 $0x180, s30;
	s7 =	sadd.s32 s7, s9  }
0xe: {  	p0 =	sne.s32 s10, $0x0;
	s9 =	simm.s32 $0x1;
	s7 =	smul.u32 s7, s6  }
.Ltmp0:
0xf: {  	s8 =	sshrl.u32 s30, $0x9;
	s9 =	simm.s32 @!p0 $0x0;
	(pc) =	sbr.rel .LBB1_1-.Ltmp0, $4  }
0x10: {  	s14 =	smov.u32 s5;
	s10 =	sadd.s32 $0x301800, s11;
	s8 =	sadd.s32 s9, s8  }
0x11: {  	s6 =	simm.s32 $0x1;
	p0 =	por $0x0, $0x0;
	s7 =	smul.u32 s8, s7  }
0x12: {  	[sflag:s6] =	ssyncpa.u1 $0x0;
	s9 =	sadd.s32 $0x281800, s11;
	s8 =	sadd.s32 $0x201800, s11  }
0x13: {  	[sflag:s31] =	ssyncpa.u1 $0x0;
	s11 =	sadd.s32 $0x381800, s11;
	s12 =	sadd.s32 $0x1, s7  }
.LBB1_7:
0x14: {  	s21 =	sadd.s32 $0x200, s14  }
0x15: {  	s18 =	sadd.s32 $0x2, s15;
	s22 =	smov.u32 s15;
	p2 =	sgt.s32 s21, $0x3FFF  }
0x16: {  	s22 =	smov.u32 @p2 s18  }
0x17: {  	s24 =	smov.u32 s16;
	s18 =	sadd.s32 $0x10, s16;
	p3 =	sgt.s32 s22, $0x1  }
0x18: {  	s24 =	smov.u32 @p3 s18  }
0x19: {  	s21 =	smov.u32 @p2 s5;
	p2 =	sgt.s32 s24, $0xF  }
0x1a: {  	p1 =	slt.u32 s17, $0x2;
	s24 =	smov.u32 @p2 s3;
	p2 =	sne.s32 s17, s12  }
.Ltmp1:
0x1b: {  	s23 =	simm.s32 @!p1 $0x2;
	(pc) =	sbr.rel @!p2 .LBB1_8-.Ltmp1, $4  }
0x1c: {  	s19 =	smov.u32 s15;
	s20 =	smov.u32 s16;
	_ =	swait.ge @!p1 [sflag:s23], $0x4000  }
0x1d: {  	p0 =	por !p0, !p0;
	[sflag:s23] =	ssyncset.done @!p1 $0x0;
	s22 =	smov.u32 @p3 s4  }
0x1e: {  	s18 =	smov.u32 s14;
	[sflag:s23] =	ssyncadd.s32 @!p1 $0xFFFFC000;
	s14 =	smov.u32 s21  }
0x1f: {  	s15 =	smov.u32 s22;
	s17 =	sadd.s32 $0x1, s17;
	s16 =	smov.u32 s24  }
.LBB1_1:
0x20: {  	p1 =	sge.u32 s17, s7  }
0x21: {  	s21 =	sxor.u32 @!p1 $0xFFFFFFFF, s17;
	s22 =	sshll.u32 @!p1 s16, $0x13;
	s23 =	sshll.u32 @!p1 s15, $0x12  }
0x22: {  	s25 =	sshll.u32 @!p1 s14, $0x4;
	s26 =	simm.s32 @!p1 $0x20;
	s24 =	sadd.s32 @!p1 s22, s23  }
0x23: {  	s21 =	sshll.u32 @!p1 s21, $0xE;
	s25 =	sand.u32 @!p1 $0x3FFF0, s25;
	s24 =	sadd.s32 @!p1 s8, s24  }
0x24: {  	s27 =	simm.s32 @!p1 $0x80;
	s21 =	sand.u32 @!p1 $0x4000, s21;
	s24 =	sadd.s32 @!p1 s25, s24  }
0x25: {  	[tilespmem:s21], [sflag:$0x1] =	stream.strided.gather @!p1 [hbm4b:s24+s26], $0x1000, s27, s26, $0x38;
	[tilespmem:$0x10100] =	vst v63  }
0x26: {  	s24 =	sadd.s32 @!p1 s22, s9  }
0x27: {  	s24 =	sadd.s32 @!p1 s23, s24  }
0x28: {  	s28 =	sor.u32 @!p1 $0x1000, s21;
	s24 =	sadd.s32 @!p1 s25, s24  }
0x29: {  	[tilespmem:s28], [sflag:$0x1] =	stream.strided.gather @!p1 [hbm4b:s24+s26], $0x1000, s27, s26, $0x38;
	[tilespmem:$0x10100] =	vst v63  }
0x2a: {  	s24 =	sadd.s32 @!p1 s22, s10  }
0x2b: {  	s22 =	sadd.s32 @!p1 s22, s11;
	s24 =	sadd.s32 @!p1 s23, s24  }
0x2c: {  	s28 =	sor.u32 @!p1 $0x2000, s21;
	s22 =	sadd.s32 @!p1 s23, s22;
	s24 =	sadd.s32 @!p1 s25, s24  }
0x2d: {  	[tilespmem:s28], [sflag:$0x1] =	stream.strided.gather @!p1 [hbm4b:s24+s26], $0x1000, s27, s26, $0x38;
	[tilespmem:$0x10100] =	vst v63  }
0x2e: {  	s31 =	sadd.s32 $0xFFFFFFFF, s17;
	s21 =	sor.u32 @!p1 $0x3000, s21;
	s22 =	sadd.s32 @!p1 s25, s22  }
0x2f: {  	[tilespmem:s21], [sflag:$0x1] =	stream.strided.gather @!p1 [hbm4b:s22+s26], $0x1000, s27, s26, $0x38;
	[tilespmem:$0x10100] =	vst v63  }
0x30: {  	p1 =	sge.u32 s31, s7  }
.Ltmp2:
0x31: {  	_ = 	snop;
	(pc) =	sbr.rel @p1 .LBB1_7-.Ltmp2, $1  }
0x32: {  	_ =	sdelay $0x3  }
0x33: {  	s21 =	simm.s32 $0x1;
	s23 =	sand.u32 $0x1, s17  }
0x34: {  	_ =	swait.ge [sflag:s6], $0x4000;
	s21 =	simm.s32 @!p0 $0x0;
	s24 =	smul.u32 $0x10200, s23  }
0x35: {  	[sflag:s6] =	ssyncset.done $0x0;
	s22 =	smul.u32 $0x10200, s21  }
0x36: {  	s21 =	sshll.u32 s21, $0xE;
	[sflag:s6] =	ssyncadd.s32 $0xFFFFC000  }
0x37: {  	s23 =	sor.u32 $0x10, s21;
	s31 =	sshrl.u32 s24, $0x2;
	s22 =	sshrl.u32 s22, $0x2  }
0x38: {  	s24 =	simm.s32 $0x0;
	s21 =	sor.u32 $0x8000, s31;
	s22 =	sor.u32 $0x8000, s22  }
.LBB1_3:
0x39: {  	v1 =	vld [tilespmem:s23+$0x0]  }
0x3a: {  	v0 =	vld [tilespmem:s23+$0xFFFFFFF0];
	_ =	sdelay $0x2  }
0x3b: {  	s27 =	sadd.s32 $0x0, s22  }
0x3c: {  	s25 =	simm.s32 $0x4;
	s26 =	sadd.s32 $0x20, s23;
	[tilespmem:s27+$0x2040 ss:$0x204] =	vst.msk $0xffff, v1  }
.LBB1_4:
0x3d: {  	v1 =	vld [tilespmem:s26+$0x0];
	p1 =	sne.s32 s25, $0x1FC;
	[tilespmem:s27+$0x0 ss:$0x204] =	vst.msk $0xffff, v0;
	s27 =	smov.u32 s25;
	s25 =	sadd.s32 $0x4, s25  }
.Ltmp3:
0x3e: {  	v0 =	vld [tilespmem:s26+$0xFFFFFFF0];
	(pc) =	sbr.rel @p1 .LBB1_4-.Ltmp3, $4  }
0x3f: {  	_ = 	snop  }
0x40: {  	s27 =	sshra.s32 s27, $0x2  }
0x41: {  	s27 =	sadd.s32 s27, s22  }
0x42: {  	s26 =	sadd.s32 $0x20, s26;
	[tilespmem:s27+$0x2040 ss:$0x204] =	vst.msk $0xffff, v1  }
0x43: {  	s24 =	sadd.s32 $0x1, s24  }
0x44: {  	p1 =	sne.s32 s24, $0x4  }
.Ltmp4:
0x45: {  	_ = 	snop;
	(pc) =	sbr.rel @p1 .LBB1_3-.Ltmp4, $2  }
0x46: {  	_ =	sdelay $0x2  }
0x47: {  	[tilespmem:s27+$0x0 ss:$0x204] =	vst.msk $0xffff, v0;
	s22 =	sadd.s32 $0x81, s22;
	s23 =	sadd.s32 $0x1000, s23  }
0x48: {  	s22 =	sand.u32 $0x78, s18  }
0x49: {  	s23 =	sshll.u32 s20, $0xE;
	s29 =	sshll.u32 s20, $0x7;
	s24 =	sshll.u32 s18, $0x3  }
0x4a: {  	s19 =	sshll.u32 s19, $0x14;
	s31 =	sand.u32 $0x7, s18;
	s23 =	sand.u32 $0x20000, s23  }
0x4b: {  	s20 =	sand.u32 $0x380, s29;
	s23 =	sadd.s32 s23, s24;
	s24 =	sand.u32 $0x3C00, s24  }
.Ltmp5:
0x4c: {  	s20 =	sor.u32 s20, s22;
	s30 =	sshrl.u32 s23, $0x3;
	(pc) =	sbr.rel .LBB1_7-.Ltmp5, $4  }
0x4d: {  	s19 =	sadd.s32 s2, s19;
	s20 =	sor.u32 s24, s20;
	s22 =	sand.u32 $0x7800, s30  }
0x4e: {  	s18 =	sshll.u32 s31, $0x12;
	s20 =	sshrl.u32 s20, $0x3;
	s19 =	sadd.s32 s22, s19  }
0x4f: {  	s18 =	sor.u32 $0x200, s18;
	s19 =	sadd.s32 s20, s19  }
0x50: {  	[hbm4b:s19+s18] =	stream.strided.scatter [tilespmem:s21], [sflag:$0x2], $0x4000, s13, s18, $0x20;
	[tilespmem:$0x10100] =	vst v63  }
.LBB1_8:
0x51: {  	_ =	sfence.sel $0x180000  }
0x52: {  	s2 =	simm.s32 $0x1;
	[bflag:$0x0] =	sbarrier.arrive $0xFFFF  }
0x53: {  	s31 =	simm.s32 $0x2;
	[sflag:s2] =	ssyncpa.u1 $0x1  }
0x54: {  	[sflag:s31] =	ssyncpa.u1 $0x1  }
0x55: {  	p0 =	sne.s32 s0, $0x0;
	_ =	strace $0x9000004D  }
0x56: {  	s0 =	sadd.s32 @!p0 $0x100000, s1;
	[bflag:$0x2] =	sbarrier.arrive $0xFFFF  }
0x57: {  	[sflag:s0] =	ssyncadd.tile.s32 @!p0 $0x1;
	_ =	shalt  }
.Lfunc_end1:
_tile_overlayer_lowered:
.L_overlay_start_2:
0x58: {  	(tag) =	ssettag $0x2  }
0x59: {  	s0 =	rddreg [dreg:$0x0];
	s2 =	stileid.u32  }
0x5a: {  	s1 =	rddreg [dreg:$0x1];
	p0 =	sne.s32 s2, $0x0  }
0x5b: {  	s3 =	rddreg [dreg:$0x2];
	[bflag:$0x3] =	sbarrier.arrive $0xFFFF;
	s2 =	simm.s32 @!p0 $0x1C01  }
0x5c: {  	[timem:s3], [sflag:s2] =	dma.local @!p0 [hbm:s0], s1  }
0x5d: {  	s0 =	simm.s32 @!p0 $0x1  }
0x5e: {  	_ =	swait.ge @!p0 [sflag:s0], s1  }
0x5f: {  	s1 =	ssub.s32 @!p0 $0x0, s1;
	[sflag:s0] =	ssyncset.done @!p0 $0x0  }
0x60: {  	[sflag:s0] =	ssyncadd.s32 @!p0 s1  }
0x61: {  	[bflag:$0x3] =	sbarrier.arrive $0xFFFF  }
0x62: {  	_ =	shalt  }

</sc_bundles>
